<compile_context>
chip_gen: v7x
topology: tpu7x:2x2x1
jax: 0.10.2.dev20260603
libtpu: 0.0.44.dev20260713+nightly
codegen_flags: <defaults>
</compile_context>

<pallas_src>
import functools

import jax
import jax.numpy as jnp
from jax import lax
from jax.experimental import pallas as pl
from jax.experimental.pallas import tpu as pltpu
from jax.experimental.pallas import tpu_sc as plsc

D = 128
N_NODES = 10000
N_EDGES = 320000
SEGS = (25600, 51200, 102400, 102400, 25600, 12800)
_MM_BLK = 6400


def _g_body(h_ref, w1_ref, b_ref, g_ref):
    g_ref[...] = (
        lax.dot_general(
            h_ref[...], w1_ref[...],
            dimension_numbers=(((1,), (1,)), ((), ())),
            preferred_element_type=jnp.float32,
        )
        + b_ref[...]
    )


def _compute_g(H, W, b2d):
    blk = 2000
    return pl.pallas_call(
        _g_body,
        grid=(N_NODES // blk,),
        in_specs=[
            pl.BlockSpec((blk, D), lambda i: (i, 0)),
            pl.BlockSpec((D, D), lambda i: (0, 0)),
            pl.BlockSpec((1, D), lambda i: (0, 0)),
        ],
        out_specs=pl.BlockSpec((blk, D), lambda i: (i, 0)),
        out_shape=jax.ShapeDtypeStruct((N_NODES, D), jnp.float32),
    )(H, W, b2d)


_CHUNK = 400


def _make_gather(n_rows, seg_base):
    info = plsc.get_sparse_core_info()
    nc, ns = info.num_cores, info.num_subcores
    nw = nc * ns
    b_per_w = n_rows // nw
    n_chunks = b_per_w // _CHUNK
    mesh = plsc.VectorSubcoreMesh(core_axis_name="c", subcore_axis_name="s")

    @functools.partial(
        pl.kernel,
        mesh=mesh,
        out_type=jax.ShapeDtypeStruct((n_rows, D), jnp.float32),
        scratch_types=[
            pltpu.VMEM((b_per_w,), jnp.int32),
            pltpu.VMEM((_CHUNK, D), jnp.float32),
            pltpu.VMEM((_CHUNK, D), jnp.float32),
            pltpu.SemaphoreType.DMA,
            pltpu.SemaphoreType.DMA,
            pltpu.SemaphoreType.DMA,
            pltpu.SemaphoreType.DMA,
        ],
    )
    def gather_k(g_hbm, heads_hbm, out_hbm, idx_all, rows0, rows1,
                 gsem0, gsem1, wsem0, wsem1):
        wid = lax.axis_index("s") * nc + lax.axis_index("c")
        base = wid * b_per_w
        pltpu.sync_copy(heads_hbm.at[pl.ds(seg_base + base, b_per_w)], idx_all)

        def one(c, rows_v, gsem, wsem):
            @pl.when(c >= 2)
            def _():
                pltpu.make_async_copy(
                    rows_v, out_hbm.at[pl.ds(base, _CHUNK)], wsem
                ).wait()

            off = base + c * _CHUNK
            pltpu.async_copy(
                g_hbm.at[idx_all.at[pl.ds(c * _CHUNK, _CHUNK)]], rows_v, gsem
            ).wait()
            pltpu.async_copy(rows_v, out_hbm.at[pl.ds(off, _CHUNK)], wsem)

        def body(c, _):
            @pl.when(c % 2 == 0)
            def _():
                one(c, rows0, gsem0, wsem0)

            @pl.when(c % 2 == 1)
            def _():
                one(c, rows1, gsem1, wsem1)

            return ()

        lax.fori_loop(0, n_chunks, body, (), unroll=False)
        pltpu.make_async_copy(rows0, out_hbm.at[pl.ds(base, _CHUNK)], wsem0).wait()
        if n_chunks >= 2:
            pltpu.make_async_copy(
                rows1, out_hbm.at[pl.ds(base, _CHUNK)], wsem1
            ).wait()

    return gather_k


def _mm_body(e_ref, gh_ref, w2_ref, out_ref):
    out_ref[...] = gh_ref[...] + lax.dot_general(
        e_ref[...], w2_ref[...],
        dimension_numbers=(((1,), (1,)), ((), ())),
        preferred_element_type=jnp.float32,
    )


def _mm_alias_body(e_ref, gh_ref, w2_ref, prev_ref, out_ref):
    del prev_ref
    _mm_body(e_ref, gh_ref, w2_ref, out_ref)


def _matmul_add_segment(E, Gh_s, W, prev_out, seg_base, n_rows):
    base = seg_base // _MM_BLK
    e_spec = pl.BlockSpec((_MM_BLK, D), lambda i: (base + i, 0))
    gh_spec = pl.BlockSpec((_MM_BLK, D), lambda i: (i, 0))
    w_spec = pl.BlockSpec((D, D), lambda i: (0, 1))
    out_spec = pl.BlockSpec((_MM_BLK, D), lambda i: (base + i, 0))
    out_shape = jax.ShapeDtypeStruct((N_EDGES, D), jnp.float32)
    if prev_out is None:
        return pl.pallas_call(
            _mm_body,
            grid=(n_rows // _MM_BLK,),
            in_specs=[e_spec, gh_spec, w_spec],
            out_specs=out_spec,
            out_shape=out_shape,
        )(E, Gh_s, W)
    return pl.pallas_call(
        _mm_alias_body,
        grid=(n_rows // _MM_BLK,),
        in_specs=[
            e_spec,
            gh_spec,
            w_spec,
            pl.BlockSpec((8, D), lambda i: (0, 0)),
        ],
        out_specs=out_spec,
        out_shape=out_shape,
        input_output_aliases={3: 0},
    )(E, Gh_s, W, prev_out)


def kernel(H, E, heads, queries, W, b):
    b2d = b.reshape(1, D)
    G = _compute_g(H, W, b2d)
    heads32 = heads.astype(jnp.int32)
    ghs = []
    seg_base = 0
    for n_rows in SEGS:
        ghs.append(_make_gather(n_rows, seg_base)(G, heads32))
        seg_base += n_rows
    out = None
    seg_base = 0
    for s, n_rows in enumerate(SEGS):
        out = _matmul_add_segment(E, ghs[s], W, out, seg_base, n_rows)
        seg_base += n_rows
    return out

# --- scband reference (transcript-rebuilt; emitter-appended) ---
"""Pipeline reference for scband-message-calculation-layer-47579647705214 (READ-ONLY COPY).

The authoritative reference and input builder live on the scoring server;
editing this copy changes nothing except your own understanding.
"""

import jax, jax.numpy as jnp
import numpy as np

EMBED_DIM = 128
N_NODES = 10000
N_EDGES = 320000

def setup_inputs(seed: int = 0) -> dict:
    key = jax.random.key(seed)
    k1, k2, k3, k4, k5, k6 = jax.random.split(key, 6)
    H = jax.random.normal(k1, (N_NODES, EMBED_DIM), dtype=jnp.float32)
    E = jax.random.normal(k2, (N_EDGES, EMBED_DIM), dtype=jnp.float32)
    heads = jax.random.randint(k3, (N_EDGES,), 0, N_NODES, dtype=jnp.int64 if jax.config.jax_enable_x64 else jnp.int32)
    queries = jax.random.randint(k4, (N_EDGES,), 0, N_NODES, dtype=jnp.int64 if jax.config.jax_enable_x64 else jnp.int32)
    # nn.Linear(2*embed_dim, embed_dim): weight [out, in], bias [out]
    bound = 1.0 / np.sqrt(2 * EMBED_DIM)
    W = jax.random.uniform(k5, (EMBED_DIM, 2 * EMBED_DIM), dtype=jnp.float32, minval=-bound, maxval=bound)
    b = jax.random.uniform(k6, (EMBED_DIM,), dtype=jnp.float32, minval=-bound, maxval=bound)
    return {"H": H, "E": E, "heads": heads, "queries": queries, "W": W, "b": b}

def reference(H, E, heads, queries, W, b):
    # H_heads = H[heads]  (gather rows of H by head indices)
    H_heads = jnp.take(H, heads, axis=0)
    # raw_messages = cat([H_heads, E], dim=1)
    raw_messages = jnp.concatenate([H_heads, E], axis=1)
    # messages = Linear(raw_messages) = raw_messages @ W.T + b
    messages = raw_messages @ W.T + b
    return messages

if __name__ == "__main__":
    import jax
    _d = setup_inputs()
    print(jax.jit(kernel)(*tuple(_d.values())))

</pallas_src>

<mosaic_0001>
#map = affine_map<(d0, d1) -> (0, 0)>
#map1 = affine_map<(d0, d1) -> (0)>
module attributes {stable_mosaic.version = 14 : i64} {
  func.func @gather_k(%arg0: i32, %arg1: i32, %arg2: memref<10000x128xf32, #tpu.memory_space<hbm>>, %arg3: memref<320000xi32, #tpu.memory_space<hbm>>, %arg4: memref<25600x128xf32, #tpu.memory_space<hbm>>, %arg5: memref<800xi32, #tpu.memory_space<vmem>>, %arg6: memref<400x128xf32, #tpu.memory_space<vmem>>, %arg7: memref<400x128xf32, #tpu.memory_space<vmem>>, %arg8: memref<!tpu.dma_semaphore, #tpu.memory_space<semaphore_mem>>, %arg9: memref<!tpu.dma_semaphore, #tpu.memory_space<semaphore_mem>>, %arg10: memref<!tpu.dma_semaphore, #tpu.memory_space<semaphore_mem>>, %arg11: memref<!tpu.dma_semaphore, #tpu.memory_space<semaphore_mem>>) attributes {dimension_semantics = [#tpu.dimension_semantics<core_parallel>, #tpu.dimension_semantics<subcore_parallel>], iteration_bounds = array<i64: 2, 16>, scalar_prefetch = 0 : i64, scratch_operands = 7 : i64, tpu.core_type = #tpu.core_type<sc_vector_subcore>, window_params = [{transform_indices = #map}, {transform_indices = #map1}, {transform_indices = #map}]} {
    %mul3A = arith.constant 2 : i32
    %mul3A_0 = arith.muli %arg1, %mul3A : i32
    %add3A = arith.addi %mul3A_0, %arg0 : i32
    %mul3A_1 = arith.constant 800 : i32
    %mul3A_2 = arith.muli %add3A, %mul3A_1 : i32
    %add3A_3 = arith.constant 0 : i32
    %add3A_4 = arith.addi %add3A_3, %mul3A_2 : i32
    "tpu.region"() ({
      %run_scoped3A = tpu.sem_alloc : memref<!tpu.dma_semaphore, #tpu.memory_space<semaphore_mem>>
      %dma_start3A = tpu.memref_slice %arg3[%add3A_4] : memref<320000xi32, #tpu.memory_space<hbm>> -> memref<800xi32, #tpu.memory_space<hbm>>
      %dma_start3A_16 = tpu.memref_slice %arg3[%add3A_4] : memref<320000xi32, #tpu.memory_space<hbm>> -> memref<800xi32, #tpu.memory_space<hbm>>
      tpu.enqueue_dma source(%dma_start3A_16 : memref<800xi32, #tpu.memory_space<hbm>>) target(%arg5 : memref<800xi32, #tpu.memory_space<vmem>>) target_semaphore(%run_scoped3A : memref<!tpu.dma_semaphore, #tpu.memory_space<semaphore_mem>>)
      %dma_wait3A_17 = tpu.memref_slice %arg3[%add3A_4] : memref<320000xi32, #tpu.memory_space<hbm>> -> memref<800xi32, #tpu.memory_space<hbm>>
      %dma_wait3A_18 = tpu.memref_slice %arg3[%add3A_4] : memref<320000xi32, #tpu.memory_space<hbm>> -> memref<800xi32, #tpu.memory_space<hbm>>
      tpu.wait_dma2 semaphore(%run_scoped3A : memref<!tpu.dma_semaphore, #tpu.memory_space<semaphore_mem>>) src(%dma_wait3A_18 : memref<800xi32, #tpu.memory_space<hbm>>) dst(%arg5 : memref<800xi32, #tpu.memory_space<vmem>>)
      tpu.yield
    }) : () -> ()
    %scan3A = arith.constant 0 : i32
    %scan3A_5 = arith.constant 2 : i32
    %scan3A_6 = arith.addi %scan3A, %scan3A_5 : i32
    %scan3A_7 = arith.constant 1 : i32
    scf.for %scan3A_16 = %scan3A to %scan3A_6 step %scan3A_7  : i32 {
      %jit3A = arith.constant 2 : i32
      %eq3A = arith.constant 0 : i32
      %eq3A_17 = arith.cmpi eq, %jit3A, %eq3A : i32
      %jit3A_18 = arith.constant 1 : i32
      %select_n3A = arith.select %eq3A_17, %jit3A_18, %jit3A : i32
      %rem3A = arith.remsi %scan3A_16, %select_n3A : i32
      %ne3A = arith.constant 0 : i32
      %ne3A_19 = arith.cmpi ne, %rem3A, %ne3A : i32
      %lt3A = arith.constant 0 : i32
      %lt3A_20 = arith.cmpi slt, %rem3A, %lt3A : i32
      %lt3A_21 = arith.constant 0 : i32
      %lt3A_22 = arith.cmpi slt, %select_n3A, %lt3A_21 : i32
      %ne3A_23 = arith.xori %lt3A_20, %lt3A_22 : i1
      %and3A = arith.andi %ne3A_23, %ne3A_19 : i1
      %add3A_24 = arith.addi %rem3A, %select_n3A : i32
      %select_n3A_25 = arith.select %and3A, %add3A_24, %rem3A : i32
      %eq3A_26 = arith.constant 0 : i32
      %eq3A_27 = arith.cmpi eq, %select_n3A_25, %eq3A_26 : i32
      %convert_element_type3A = arith.extui %eq3A_27 : i1 to i32
      %cond3A = arith.constant 0 : i32
      %cond3A_28 = arith.cmpi ne, %convert_element_type3A, %cond3A : i32
      scf.if %cond3A_28 {
        %ge3A = arith.constant 2 : i32
        %ge3A_50 = arith.cmpi sge, %scan3A_16, %ge3A : i32
        %convert_element_type3A_51 = arith.extui %ge3A_50 : i1 to i32
        %cond3A_52 = arith.constant 0 : i32
        %cond3A_53 = arith.cmpi ne, %convert_element_type3A_51, %cond3A_52 : i32
        scf.if %cond3A_53 {
          %dma_wait3A_70 = arith.constant 0 : i32
          %dma_wait3A_71 = tpu.memref_slice %arg4[%mul3A_2, %dma_wait3A_70] : memref<25600x128xf32, #tpu.memory_space<hbm>> -> memref<400x128xf32, #tpu.memory_space<hbm>>
          %dma_wait3A_72 = arith.constant 0 : i32
          %dma_wait3A_73 = tpu.memref_slice %arg4[%mul3A_2, %dma_wait3A_72] : memref<25600x128xf32, #tpu.memory_space<hbm>> -> memref<400x128xf32, #tpu.memory_space<hbm>>
          tpu.wait_dma2 semaphore(%arg10 : memref<!tpu.dma_semaphore, #tpu.memory_space<semaphore_mem>>) src(%arg6 : memref<400x128xf32, #tpu.memory_space<vmem>>) dst(%dma_wait3A_73 : memref<400x128xf32, #tpu.memory_space<hbm>>)
        } else {
        }
        %mul3A_54 = arith.constant 400 : i32
        %mul3A_55 = arith.muli %scan3A_16, %mul3A_54 : i32
        %add3A_56 = arith.addi %mul3A_2, %mul3A_55 : i32
        %mul3A_57 = arith.constant 400 : i32
        %mul3A_58 = arith.muli %scan3A_16, %mul3A_57 : i32
        %dma_start3A = tpu.memref_slice %arg5[%mul3A_58] : memref<800xi32, #tpu.memory_space<vmem>> -> memref<400xi32, #tpu.memory_space<vmem>>
        %dma_start3A_59 = arith.constant 0 : i32
        %dma_start3A_60 = arith.constant 0 : i32
        %dma_start3A_61 = tpu.memref_slice %arg2[%dma_start3A_59, %dma_start3A_60] : memref<10000x128xf32, #tpu.memory_space<hbm>> -> memref<10000x128xf32, #tpu.memory_space<hbm>>
        tpu.enqueue_indirect_dma source(%dma_start3A_61 : memref<10000x128xf32, #tpu.memory_space<hbm>>) target(%arg6 : memref<400x128xf32, #tpu.memory_space<vmem>>) offsets(%dma_start3A : memref<400xi32, #tpu.memory_space<vmem>>) semaphore(%arg8 : memref<!tpu.dma_semaphore, #tpu.memory_space<semaphore_mem>>)
        %dma_wait3A_62 = tpu.memref_slice %arg5[%mul3A_58] : memref<800xi32, #tpu.memory_space<vmem>> -> memref<400xi32, #tpu.memory_space<vmem>>
        %dma_wait3A_63 = arith.constant 0 : i32
        %dma_wait3A_64 = arith.constant 0 : i32
        %dma_wait3A_65 = tpu.memref_slice %arg2[%dma_wait3A_63, %dma_wait3A_64] : memref<10000x128xf32, #tpu.memory_space<hbm>> -> memref<10000x128xf32, #tpu.memory_space<hbm>>
        tpu.wait_indirect_dma semaphore(%arg8 : memref<!tpu.dma_semaphore, #tpu.memory_space<semaphore_mem>>) src(%dma_wait3A_65 : memref<10000x128xf32, #tpu.memory_space<hbm>>) dst(%arg6 : memref<400x128xf32, #tpu.memory_space<vmem>>)
        %dma_start3A_66 = arith.constant 0 : i32
        %dma_start3A_67 = tpu.memref_slice %arg4[%add3A_56, %dma_start3A_66] : memref<25600x128xf32, #tpu.memory_space<hbm>> -> memref<400x128xf32, #tpu.memory_space<hbm>>
        %dma_start3A_68 = arith.constant 0 : i32
        %dma_start3A_69 = tpu.memref_slice %arg4[%add3A_56, %dma_start3A_68] : memref<25600x128xf32, #tpu.memory_space<hbm>> -> memref<400x128xf32, #tpu.memory_space<hbm>>
        tpu.enqueue_dma source(%arg6 : memref<400x128xf32, #tpu.memory_space<vmem>>) target(%dma_start3A_69 : memref<400x128xf32, #tpu.memory_space<hbm>>) target_semaphore(%arg10 : memref<!tpu.dma_semaphore, #tpu.memory_space<semaphore_mem>>)
      } else {
      }
      %jit3A_29 = arith.constant 2 : i32
      %eq3A_30 = arith.constant 0 : i32
      %eq3A_31 = arith.cmpi eq, %jit3A_29, %eq3A_30 : i32
      %jit3A_32 = arith.constant 1 : i32
      %select_n3A_33 = arith.select %eq3A_31, %jit3A_32, %jit3A_29 : i32
      %rem3A_34 = arith.remsi %scan3A_16, %select_n3A_33 : i32
      %ne3A_35 = arith.constant 0 : i32
      %ne3A_36 = arith.cmpi ne, %rem3A_34, %ne3A_35 : i32
      %lt3A_37 = arith.constant 0 : i32
      %lt3A_38 = arith.cmpi slt, %rem3A_34, %lt3A_37 : i32
      %lt3A_39 = arith.constant 0 : i32
      %lt3A_40 = arith.cmpi slt, %select_n3A_33, %lt3A_39 : i32
      %ne3A_41 = arith.xori %lt3A_38, %lt3A_40 : i1
      %and3A_42 = arith.andi %ne3A_41, %ne3A_36 : i1
      %add3A_43 = arith.addi %rem3A_34, %select_n3A_33 : i32
      %select_n3A_44 = arith.select %and3A_42, %add3A_43, %rem3A_34 : i32
      %eq3A_45 = arith.constant 1 : i32
      %eq3A_46 = arith.cmpi eq, %select_n3A_44, %eq3A_45 : i32
      %convert_element_type3A_47 = arith.extui %eq3A_46 : i1 to i32
      %cond3A_48 = arith.constant 0 : i32
      %cond3A_49 = arith.cmpi ne, %convert_element_type3A_47, %cond3A_48 : i32
      scf.if %cond3A_49 {
        %ge3A = arith.constant 2 : i32
        %ge3A_50 = arith.cmpi sge, %scan3A_16, %ge3A : i32
        %convert_element_type3A_51 = arith.extui %ge3A_50 : i1 to i32
        %cond3A_52 = arith.constant 0 : i32
        %cond3A_53 = arith.cmpi ne, %convert_element_type3A_51, %cond3A_52 : i32
        scf.if %cond3A_53 {
          %dma_wait3A_70 = arith.constant 0 : i32
          %dma_wait3A_71 = tpu.memref_slice %arg4[%mul3A_2, %dma_wait3A_70] : memref<25600x128xf32, #tpu.memory_space<hbm>> -> memref<400x128xf32, #tpu.memory_space<hbm>>
          %dma_wait3A_72 = arith.constant 0 : i32
          %dma_wait3A_73 = tpu.memref_slice %arg4[%mul3A_2, %dma_wait3A_72] : memref<25600x128xf32, #tpu.memory_space<hbm>> -> memref<400x128xf32, #tpu.memory_space<hbm>>
          tpu.wait_dma2 semaphore(%arg11 : memref<!tpu.dma_semaphore, #tpu.memory_space<semaphore_mem>>) src(%arg7 : memref<400x128xf32, #tpu.memory_space<vmem>>) dst(%dma_wait3A_73 : memref<400x128xf32, #tpu.memory_space<hbm>>)
        } else {
        }
        %mul3A_54 = arith.constant 400 : i32
        %mul3A_55 = arith.muli %scan3A_16, %mul3A_54 : i32
        %add3A_56 = arith.addi %mul3A_2, %mul3A_55 : i32
        %mul3A_57 = arith.constant 400 : i32
        %mul3A_58 = arith.muli %scan3A_16, %mul3A_57 : i32
        %dma_start3A = tpu.memref_slice %arg5[%mul3A_58] : memref<800xi32, #tpu.memory_space<vmem>> -> memref<400xi32, #tpu.memory_space<vmem>>
        %dma_start3A_59 = arith.constant 0 : i32
        %dma_start3A_60 = arith.constant 0 : i32
        %dma_start3A_61 = tpu.memref_slice %arg2[%dma_start3A_59, %dma_start3A_60] : memref<10000x128xf32, #tpu.memory_space<hbm>> -> memref<10000x128xf32, #tpu.memory_space<hbm>>
        tpu.enqueue_indirect_dma source(%dma_start3A_61 : memref<10000x128xf32, #tpu.memory_space<hbm>>) target(%arg7 : memref<400x128xf32, #tpu.memory_space<vmem>>) offsets(%dma_start3A : memref<400xi32, #tpu.memory_space<vmem>>) semaphore(%arg9 : memref<!tpu.dma_semaphore, #tpu.memory_space<semaphore_mem>>)
        %dma_wait3A_62 = tpu.memref_slice %arg5[%mul3A_58] : memref<800xi32, #tpu.memory_space<vmem>> -> memref<400xi32, #tpu.memory_space<vmem>>
        %dma_wait3A_63 = arith.constant 0 : i32
        %dma_wait3A_64 = arith.constant 0 : i32
        %dma_wait3A_65 = tpu.memref_slice %arg2[%dma_wait3A_63, %dma_wait3A_64] : memref<10000x128xf32, #tpu.memory_space<hbm>> -> memref<10000x128xf32, #tpu.memory_space<hbm>>
        tpu.wait_indirect_dma semaphore(%arg9 : memref<!tpu.dma_semaphore, #tpu.memory_space<semaphore_mem>>) src(%dma_wait3A_65 : memref<10000x128xf32, #tpu.memory_space<hbm>>) dst(%arg7 : memref<400x128xf32, #tpu.memory_space<vmem>>)
        %dma_start3A_66 = arith.constant 0 : i32
        %dma_start3A_67 = tpu.memref_slice %arg4[%add3A_56, %dma_start3A_66] : memref<25600x128xf32, #tpu.memory_space<hbm>> -> memref<400x128xf32, #tpu.memory_space<hbm>>
        %dma_start3A_68 = arith.constant 0 : i32
        %dma_start3A_69 = tpu.memref_slice %arg4[%add3A_56, %dma_start3A_68] : memref<25600x128xf32, #tpu.memory_space<hbm>> -> memref<400x128xf32, #tpu.memory_space<hbm>>
        tpu.enqueue_dma source(%arg7 : memref<400x128xf32, #tpu.memory_space<vmem>>) target(%dma_start3A_69 : memref<400x128xf32, #tpu.memory_space<hbm>>) target_semaphore(%arg11 : memref<!tpu.dma_semaphore, #tpu.memory_space<semaphore_mem>>)
      } else {
      }
    }
    %scan3A_8 = arith.constant 2 : i32
    %dma_wait3A = arith.constant 0 : i32
    %dma_wait3A_9 = tpu.memref_slice %arg4[%mul3A_2, %dma_wait3A] : memref<25600x128xf32, #tpu.memory_space<hbm>> -> memref<400x128xf32, #tpu.memory_space<hbm>>
    %dma_wait3A_10 = arith.constant 0 : i32
    %dma_wait3A_11 = tpu.memref_slice %arg4[%mul3A_2, %dma_wait3A_10] : memref<25600x128xf32, #tpu.memory_space<hbm>> -> memref<400x128xf32, #tpu.memory_space<hbm>>
    tpu.wait_dma2 semaphore(%arg10 : memref<!tpu.dma_semaphore, #tpu.memory_space<semaphore_mem>>) src(%arg6 : memref<400x128xf32, #tpu.memory_space<vmem>>) dst(%dma_wait3A_11 : memref<400x128xf32, #tpu.memory_space<hbm>>)
    %dma_wait3A_12 = arith.constant 0 : i32
    %dma_wait3A_13 = tpu.memref_slice %arg4[%mul3A_2, %dma_wait3A_12] : memref<25600x128xf32, #tpu.memory_space<hbm>> -> memref<400x128xf32, #tpu.memory_space<hbm>>
    %dma_wait3A_14 = arith.constant 0 : i32
    %dma_wait3A_15 = tpu.memref_slice %arg4[%mul3A_2, %dma_wait3A_14] : memref<25600x128xf32, #tpu.memory_space<hbm>> -> memref<400x128xf32, #tpu.memory_space<hbm>>
    tpu.wait_dma2 semaphore(%arg11 : memref<!tpu.dma_semaphore, #tpu.memory_space<semaphore_mem>>) src(%arg7 : memref<400x128xf32, #tpu.memory_space<vmem>>) dst(%dma_wait3A_15 : memref<400x128xf32, #tpu.memory_space<hbm>>)
    return
  }
}

#map = affine_map<(d0, d1) -> (0, 0)>
#map1 = affine_map<(d0, d1) -> (0)>
module attributes {stable_mosaic.version = 14 : i64} {
  func.func @gather_k(%arg0: i32, %arg1: i32, %arg2: memref<10000x128xf32, #tpu.memory_space<hbm>>, %arg3: memref<320000xi32, #tpu.memory_space<hbm>>, %arg4: memref<51200x128xf32, #tpu.memory_space<hbm>>, %arg5: memref<1600xi32, #tpu.memory_space<vmem>>, %arg6: memref<400x128xf32, #tpu.memory_space<vmem>>, %arg7: memref<400x128xf32, #tpu.memory_space<vmem>>, %arg8: memref<!tpu.dma_semaphore, #tpu.memory_space<semaphore_mem>>, %arg9: memref<!tpu.dma_semaphore, #tpu.memory_space<semaphore_mem>>, %arg10: memref<!tpu.dma_semaphore, #tpu.memory_space<semaphore_mem>>, %arg11: memref<!tpu.dma_semaphore, #tpu.memory_space<semaphore_mem>>) attributes {dimension_semantics = [#tpu.dimension_semantics<core_parallel>, #tpu.dimension_semantics<subcore_parallel>], iteration_bounds = array<i64: 2, 16>, scalar_prefetch = 0 : i64, scratch_operands = 7 : i64, tpu.core_type = #tpu.core_type<sc_vector_subcore>, window_params = [{transform_indices = #map}, {transform_indices = #map1}, {transform_indices = #map}]} {
    %mul3A = arith.constant 2 : i32
    %mul3A_0 = arith.muli %arg1, %mul3A : i32
    %add3A = arith.addi %mul3A_0, %arg0 : i32
    %mul3A_1 = arith.constant 1600 : i32
    %mul3A_2 = arith.muli %add3A, %mul3A_1 : i32
    %add3A_3 = arith.constant 25600 : i32
    %add3A_4 = arith.addi %add3A_3, %mul3A_2 : i32
    "tpu.region"() ({
      %run_scoped3A = tpu.sem_alloc : memref<!tpu.dma_semaphore, #tpu.memory_space<semaphore_mem>>
      %dma_start3A = tpu.memref_slice %arg3[%add3A_4] : memref<320000xi32, #tpu.memory_space<hbm>> -> memref<1600xi32, #tpu.memory_space<hbm>>
      %dma_start3A_16 = tpu.memref_slice %arg3[%add3A_4] : memref<320000xi32, #tpu.memory_space<hbm>> -> memref<1600xi32, #tpu.memory_space<hbm>>
      tpu.enqueue_dma source(%dma_start3A_16 : memref<1600xi32, #tpu.memory_space<hbm>>) target(%arg5 : memref<1600xi32, #tpu.memory_space<vmem>>) target_semaphore(%run_scoped3A : memref<!tpu.dma_semaphore, #tpu.memory_space<semaphore_mem>>)
      %dma_wait3A_17 = tpu.memref_slice %arg3[%add3A_4] : memref<320000xi32, #tpu.memory_space<hbm>> -> memref<1600xi32, #tpu.memory_space<hbm>>
      %dma_wait3A_18 = tpu.memref_slice %arg3[%add3A_4] : memref<320000xi32, #tpu.memory_space<hbm>> -> memref<1600xi32, #tpu.memory_space<hbm>>
      tpu.wait_dma2 semaphore(%run_scoped3A : memref<!tpu.dma_semaphore, #tpu.memory_space<semaphore_mem>>) src(%dma_wait3A_18 : memref<1600xi32, #tpu.memory_space<hbm>>) dst(%arg5 : memref<1600xi32, #tpu.memory_space<vmem>>)
      tpu.yield
    }) : () -> ()
    %scan3A = arith.constant 0 : i32
    %scan3A_5 = arith.constant 4 : i32
    %scan3A_6 = arith.addi %scan3A, %scan3A_5 : i32
    %scan3A_7 = arith.constant 1 : i32
    scf.for %scan3A_16 = %scan3A to %scan3A_6 step %scan3A_7  : i32 {
      %jit3A = arith.constant 2 : i32
      %eq3A = arith.constant 0 : i32
      %eq3A_17 = arith.cmpi eq, %jit3A, %eq3A : i32
      %jit3A_18 = arith.constant 1 : i32
      %select_n3A = arith.select %eq3A_17, %jit3A_18, %jit3A : i32
      %rem3A = arith.remsi %scan3A_16, %select_n3A : i32
      %ne3A = arith.constant 0 : i32
      %ne3A_19 = arith.cmpi ne, %rem3A, %ne3A : i32
      %lt3A = arith.constant 0 : i32
      %lt3A_20 = arith.cmpi slt, %rem3A, %lt3A : i32
      %lt3A_21 = arith.constant 0 : i32
      %lt3A_22 = arith.cmpi slt, %select_n3A, %lt3A_21 : i32
      %ne3A_23 = arith.xori %lt3A_20, %lt3A_22 : i1
      %and3A = arith.andi %ne3A_23, %ne3A_19 : i1
      %add3A_24 = arith.addi %rem3A, %select_n3A : i32
      %select_n3A_25 = arith.select %and3A, %add3A_24, %rem3A : i32
      %eq3A_26 = arith.constant 0 : i32
      %eq3A_27 = arith.cmpi eq, %select_n3A_25, %eq3A_26 : i32
      %convert_element_type3A = arith.extui %eq3A_27 : i1 to i32
      %cond3A = arith.constant 0 : i32
      %cond3A_28 = arith.cmpi ne, %convert_element_type3A, %cond3A : i32
      scf.if %cond3A_28 {
        %ge3A = arith.constant 2 : i32
        %ge3A_50 = arith.cmpi sge, %scan3A_16, %ge3A : i32
        %convert_element_type3A_51 = arith.extui %ge3A_50 : i1 to i32
        %cond3A_52 = arith.constant 0 : i32
        %cond3A_53 = arith.cmpi ne, %convert_element_type3A_51, %cond3A_52 : i32
        scf.if %cond3A_53 {
          %dma_wait3A_70 = arith.constant 0 : i32
          %dma_wait3A_71 = tpu.memref_slice %arg4[%mul3A_2, %dma_wait3A_70] : memref<51200x128xf32, #tpu.memory_space<hbm>> -> memref<400x128xf32, #tpu.memory_space<hbm>>
          %dma_wait3A_72 = arith.constant 0 : i32
          %dma_wait3A_73 = tpu.memref_slice %arg4[%mul3A_2, %dma_wait3A_72] : memref<51200x128xf32, #tpu.memory_space<hbm>> -> memref<400x128xf32, #tpu.memory_space<hbm>>
          tpu.wait_dma2 semaphore(%arg10 : memref<!tpu.dma_semaphore, #tpu.memory_space<semaphore_mem>>) src(%arg6 : memref<400x128xf32, #tpu.memory_space<vmem>>) dst(%dma_wait3A_73 : memref<400x128xf32, #tpu.memory_space<hbm>>)
        } else {
        }
        %mul3A_54 = arith.constant 400 : i32
        %mul3A_55 = arith.muli %scan3A_16, %mul3A_54 : i32
        %add3A_56 = arith.addi %mul3A_2, %mul3A_55 : i32
        %mul3A_57 = arith.constant 400 : i32
        %mul3A_58 = arith.muli %scan3A_16, %mul3A_57 : i32
        %dma_start3A = tpu.memref_slice %arg5[%mul3A_58] : memref<1600xi32, #tpu.memory_space<vmem>> -> memref<400xi32, #tpu.memory_space<vmem>>
        %dma_start3A_59 = arith.constant 0 : i32
        %dma_start3A_60 = arith.constant 0 : i32
        %dma_start3A_61 = tpu.memref_slice %arg2[%dma_start3A_59, %dma_start3A_60] : memref<10000x128xf32, #tpu.memory_space<hbm>> -> memref<10000x128xf32, #tpu.memory_space<hbm>>
        tpu.enqueue_indirect_dma source(%dma_start3A_61 : memref<10000x128xf32, #tpu.memory_space<hbm>>) target(%arg6 : memref<400x128xf32, #tpu.memory_space<vmem>>) offsets(%dma_start3A : memref<400xi32, #tpu.memory_space<vmem>>) semaphore(%arg8 : memref<!tpu.dma_semaphore, #tpu.memory_space<semaphore_mem>>)
        %dma_wait3A_62 = tpu.memref_slice %arg5[%mul3A_58] : memref<1600xi32, #tpu.memory_space<vmem>> -> memref<400xi32, #tpu.memory_space<vmem>>
        %dma_wait3A_63 = arith.constant 0 : i32
        %dma_wait3A_64 = arith.constant 0 : i32
        %dma_wait3A_65 = tpu.memref_slice %arg2[%dma_wait3A_63, %dma_wait3A_64] : memref<10000x128xf32, #tpu.memory_space<hbm>> -> memref<10000x128xf32, #tpu.memory_space<hbm>>
        tpu.wait_indirect_dma semaphore(%arg8 : memref<!tpu.dma_semaphore, #tpu.memory_space<semaphore_mem>>) src(%dma_wait3A_65 : memref<10000x128xf32, #tpu.memory_space<hbm>>) dst(%arg6 : memref<400x128xf32, #tpu.memory_space<vmem>>)
        %dma_start3A_66 = arith.constant 0 : i32
        %dma_start3A_67 = tpu.memref_slice %arg4[%add3A_56, %dma_start3A_66] : memref<51200x128xf32, #tpu.memory_space<hbm>> -> memref<400x128xf32, #tpu.memory_space<hbm>>
        %dma_start3A_68 = arith.constant 0 : i32
        %dma_start3A_69 = tpu.memref_slice %arg4[%add3A_56, %dma_start3A_68] : memref<51200x128xf32, #tpu.memory_space<hbm>> -> memref<400x128xf32, #tpu.memory_space<hbm>>
        tpu.enqueue_dma source(%arg6 : memref<400x128xf32, #tpu.memory_space<vmem>>) target(%dma_start3A_69 : memref<400x128xf32, #tpu.memory_space<hbm>>) target_semaphore(%arg10 : memref<!tpu.dma_semaphore, #tpu.memory_space<semaphore_mem>>)
      } else {
      }
      %jit3A_29 = arith.constant 2 : i32
      %eq3A_30 = arith.constant 0 : i32
      %eq3A_31 = arith.cmpi eq, %jit3A_29, %eq3A_30 : i32
      %jit3A_32 = arith.constant 1 : i32
      %select_n3A_33 = arith.select %eq3A_31, %jit3A_32, %jit3A_29 : i32
      %rem3A_34 = arith.remsi %scan3A_16, %select_n3A_33 : i32
      %ne3A_35 = arith.constant 0 : i32
      %ne3A_36 = arith.cmpi ne, %rem3A_34, %ne3A_35 : i32
      %lt3A_37 = arith.constant 0 : i32
      %lt3A_38 = arith.cmpi slt, %rem3A_34, %lt3A_37 : i32
      %lt3A_39 = arith.constant 0 : i32
      %lt3A_40 = arith.cmpi slt, %select_n3A_33, %lt3A_39 : i32
      %ne3A_41 = arith.xori %lt3A_38, %lt3A_40 : i1
      %and3A_42 = arith.andi %ne3A_41, %ne3A_36 : i1
      %add3A_43 = arith.addi %rem3A_34, %select_n3A_33 : i32
      %select_n3A_44 = arith.select %and3A_42, %add3A_43, %rem3A_34 : i32
      %eq3A_45 = arith.constant 1 : i32
      %eq3A_46 = arith.cmpi eq, %select_n3A_44, %eq3A_45 : i32
      %convert_element_type3A_47 = arith.extui %eq3A_46 : i1 to i32
      %cond3A_48 = arith.constant 0 : i32
      %cond3A_49 = arith.cmpi ne, %convert_element_type3A_47, %cond3A_48 : i32
      scf.if %cond3A_49 {
        %ge3A = arith.constant 2 : i32
        %ge3A_50 = arith.cmpi sge, %scan3A_16, %ge3A : i32
        %convert_element_type3A_51 = arith.extui %ge3A_50 : i1 to i32
        %cond3A_52 = arith.constant 0 : i32
        %cond3A_53 = arith.cmpi ne, %convert_element_type3A_51, %cond3A_52 : i32
        scf.if %cond3A_53 {
          %dma_wait3A_70 = arith.constant 0 : i32
          %dma_wait3A_71 = tpu.memref_slice %arg4[%mul3A_2, %dma_wait3A_70] : memref<51200x128xf32, #tpu.memory_space<hbm>> -> memref<400x128xf32, #tpu.memory_space<hbm>>
          %dma_wait3A_72 = arith.constant 0 : i32
          %dma_wait3A_73 = tpu.memref_slice %arg4[%mul3A_2, %dma_wait3A_72] : memref<51200x128xf32, #tpu.memory_space<hbm>> -> memref<400x128xf32, #tpu.memory_space<hbm>>
          tpu.wait_dma2 semaphore(%arg11 : memref<!tpu.dma_semaphore, #tpu.memory_space<semaphore_mem>>) src(%arg7 : memref<400x128xf32, #tpu.memory_space<vmem>>) dst(%dma_wait3A_73 : memref<400x128xf32, #tpu.memory_space<hbm>>)
        } else {
        }
        %mul3A_54 = arith.constant 400 : i32
        %mul3A_55 = arith.muli %scan3A_16, %mul3A_54 : i32
        %add3A_56 = arith.addi %mul3A_2, %mul3A_55 : i32
        %mul3A_57 = arith.constant 400 : i32
        %mul3A_58 = arith.muli %scan3A_16, %mul3A_57 : i32
        %dma_start3A = tpu.memref_slice %arg5[%mul3A_58] : memref<1600xi32, #tpu.memory_space<vmem>> -> memref<400xi32, #tpu.memory_space<vmem>>
        %dma_start3A_59 = arith.constant 0 : i32
        %dma_start3A_60 = arith.constant 0 : i32
        %dma_start3A_61 = tpu.memref_slice %arg2[%dma_start3A_59, %dma_start3A_60] : memref<10000x128xf32, #tpu.memory_space<hbm>> -> memref<10000x128xf32, #tpu.memory_space<hbm>>
        tpu.enqueue_indirect_dma source(%dma_start3A_61 : memref<10000x128xf32, #tpu.memory_space<hbm>>) target(%arg7 : memref<400x128xf32, #tpu.memory_space<vmem>>) offsets(%dma_start3A : memref<400xi32, #tpu.memory_space<vmem>>) semaphore(%arg9 : memref<!tpu.dma_semaphore, #tpu.memory_space<semaphore_mem>>)
        %dma_wait3A_62 = tpu.memref_slice %arg5[%mul3A_58] : memref<1600xi32, #tpu.memory_space<vmem>> -> memref<400xi32, #tpu.memory_space<vmem>>
        %dma_wait3A_63 = arith.constant 0 : i32
        %dma_wait3A_64 = arith.constant 0 : i32
        %dma_wait3A_65 = tpu.memref_slice %arg2[%dma_wait3A_63, %dma_wait3A_64] : memref<10000x128xf32, #tpu.memory_space<hbm>> -> memref<10000x128xf32, #tpu.memory_space<hbm>>
        tpu.wait_indirect_dma semaphore(%arg9 : memref<!tpu.dma_semaphore, #tpu.memory_space<semaphore_mem>>) src(%dma_wait3A_65 : memref<10000x128xf32, #tpu.memory_space<hbm>>) dst(%arg7 : memref<400x128xf32, #tpu.memory_space<vmem>>)
        %dma_start3A_66 = arith.constant 0 : i32
        %dma_start3A_67 = tpu.memref_slice %arg4[%add3A_56, %dma_start3A_66] : memref<51200x128xf32, #tpu.memory_space<hbm>> -> memref<400x128xf32, #tpu.memory_space<hbm>>
        %dma_start3A_68 = arith.constant 0 : i32
        %dma_start3A_69 = tpu.memref_slice %arg4[%add3A_56, %dma_start3A_68] : memref<51200x128xf32, #tpu.memory_space<hbm>> -> memref<400x128xf32, #tpu.memory_space<hbm>>
        tpu.enqueue_dma source(%arg7 : memref<400x128xf32, #tpu.memory_space<vmem>>) target(%dma_start3A_69 : memref<400x128xf32, #tpu.memory_space<hbm>>) target_semaphore(%arg11 : memref<!tpu.dma_semaphore, #tpu.memory_space<semaphore_mem>>)
      } else {
      }
    }
    %scan3A_8 = arith.constant 4 : i32
    %dma_wait3A = arith.constant 0 : i32
    %dma_wait3A_9 = tpu.memref_slice %arg4[%mul3A_2, %dma_wait3A] : memref<51200x128xf32, #tpu.memory_space<hbm>> -> memref<400x128xf32, #tpu.memory_space<hbm>>
    %dma_wait3A_10 = arith.constant 0 : i32
    %dma_wait3A_11 = tpu.memref_slice %arg4[%mul3A_2, %dma_wait3A_10] : memref<51200x128xf32, #tpu.memory_space<hbm>> -> memref<400x128xf32, #tpu.memory_space<hbm>>
    tpu.wait_dma2 semaphore(%arg10 : memref<!tpu.dma_semaphore, #tpu.memory_space<semaphore_mem>>) src(%arg6 : memref<400x128xf32, #tpu.memory_space<vmem>>) dst(%dma_wait3A_11 : memref<400x128xf32, #tpu.memory_space<hbm>>)
    %dma_wait3A_12 = arith.constant 0 : i32
    %dma_wait3A_13 = tpu.memref_slice %arg4[%mul3A_2, %dma_wait3A_12] : memref<51200x128xf32, #tpu.memory_space<hbm>> -> memref<400x128xf32, #tpu.memory_space<hbm>>
    %dma_wait3A_14 = arith.constant 0 : i32
    %dma_wait3A_15 = tpu.memref_slice %arg4[%mul3A_2, %dma_wait3A_14] : memref<51200x128xf32, #tpu.memory_space<hbm>> -> memref<400x128xf32, #tpu.memory_space<hbm>>
    tpu.wait_dma2 semaphore(%arg11 : memref<!tpu.dma_semaphore, #tpu.memory_space<semaphore_mem>>) src(%arg7 : memref<400x128xf32, #tpu.memory_space<vmem>>) dst(%dma_wait3A_15 : memref<400x128xf32, #tpu.memory_space<hbm>>)
    return
  }
}

#map = affine_map<(d0, d1) -> (0, 0)>
#map1 = affine_map<(d0, d1) -> (0)>
module attributes {stable_mosaic.version = 14 : i64} {
  func.func @gather_k(%arg0: i32, %arg1: i32, %arg2: memref<10000x128xf32, #tpu.memory_space<hbm>>, %arg3: memref<320000xi32, #tpu.memory_space<hbm>>, %arg4: memref<102400x128xf32, #tpu.memory_space<hbm>>, %arg5: memref<3200xi32, #tpu.memory_space<vmem>>, %arg6: memref<400x128xf32, #tpu.memory_space<vmem>>, %arg7: memref<400x128xf32, #tpu.memory_space<vmem>>, %arg8: memref<!tpu.dma_semaphore, #tpu.memory_space<semaphore_mem>>, %arg9: memref<!tpu.dma_semaphore, #tpu.memory_space<semaphore_mem>>, %arg10: memref<!tpu.dma_semaphore, #tpu.memory_space<semaphore_mem>>, %arg11: memref<!tpu.dma_semaphore, #tpu.memory_space<semaphore_mem>>) attributes {dimension_semantics = [#tpu.dimension_semantics<core_parallel>, #tpu.dimension_semantics<subcore_parallel>], iteration_bounds = array<i64: 2, 16>, scalar_prefetch = 0 : i64, scratch_operands = 7 : i64, tpu.core_type = #tpu.core_type<sc_vector_subcore>, window_params = [{transform_indices = #map}, {transform_indices = #map1}, {transform_indices = #map}]} {
    %mul3A = arith.constant 2 : i32
    %mul3A_0 = arith.muli %arg1, %mul3A : i32
    %add3A = arith.addi %mul3A_0, %arg0 : i32
    %mul3A_1 = arith.constant 3200 : i32
    %mul3A_2 = arith.muli %add3A, %mul3A_1 : i32
    %add3A_3 = arith.constant 76800 : i32
    %add3A_4 = arith.addi %add3A_3, %mul3A_2 : i32
    "tpu.region"() ({
      %run_scoped3A = tpu.sem_alloc : memref<!tpu.dma_semaphore, #tpu.memory_space<semaphore_mem>>
      %dma_start3A = tpu.memref_slice %arg3[%add3A_4] : memref<320000xi32, #tpu.memory_space<hbm>> -> memref<3200xi32, #tpu.memory_space<hbm>>
      %dma_start3A_16 = tpu.memref_slice %arg3[%add3A_4] : memref<320000xi32, #tpu.memory_space<hbm>> -> memref<3200xi32, #tpu.memory_space<hbm>>
      tpu.enqueue_dma source(%dma_start3A_16 : memref<3200xi32, #tpu.memory_space<hbm>>) target(%arg5 : memref<3200xi32, #tpu.memory_space<vmem>>) target_semaphore(%run_scoped3A : memref<!tpu.dma_semaphore, #tpu.memory_space<semaphore_mem>>)
      %dma_wait3A_17 = tpu.memref_slice %arg3[%add3A_4] : memref<320000xi32, #tpu.memory_space<hbm>> -> memref<3200xi32, #tpu.memory_space<hbm>>
      %dma_wait3A_18 = tpu.memref_slice %arg3[%add3A_4] : memref<320000xi32, #tpu.memory_space<hbm>> -> memref<3200xi32, #tpu.memory_space<hbm>>
      tpu.wait_dma2 semaphore(%run_scoped3A : memref<!tpu.dma_semaphore, #tpu.memory_space<semaphore_mem>>) src(%dma_wait3A_18 : memref<3200xi32, #tpu.memory_space<hbm>>) dst(%arg5 : memref<3200xi32, #tpu.memory_space<vmem>>)
      tpu.yield
    }) : () -> ()
    %scan3A = arith.constant 0 : i32
    %scan3A_5 = arith.constant 8 : i32
    %scan3A_6 = arith.addi %scan3A, %scan3A_5 : i32
    %scan3A_7 = arith.constant 1 : i32
    scf.for %scan3A_16 = %scan3A to %scan3A_6 step %scan3A_7  : i32 {
      %jit3A = arith.constant 2 : i32
      %eq3A = arith.constant 0 : i32
      %eq3A_17 = arith.cmpi eq, %jit3A, %eq3A : i32
      %jit3A_18 = arith.constant 1 : i32
      %select_n3A = arith.select %eq3A_17, %jit3A_18, %jit3A : i32
      %rem3A = arith.remsi %scan3A_16, %select_n3A : i32
      %ne3A = arith.constant 0 : i32
      %ne3A_19 = arith.cmpi ne, %rem3A, %ne3A : i32
      %lt3A = arith.constant 0 : i32
      %lt3A_20 = arith.cmpi slt, %rem3A, %lt3A : i32
      %lt3A_21 = arith.constant 0 : i32
      %lt3A_22 = arith.cmpi slt, %select_n3A, %lt3A_21 : i32
      %ne3A_23 = arith.xori %lt3A_20, %lt3A_22 : i1
      %and3A = arith.andi %ne3A_23, %ne3A_19 : i1
      %add3A_24 = arith.addi %rem3A, %select_n3A : i32
      %select_n3A_25 = arith.select %and3A, %add3A_24, %rem3A : i32
      %eq3A_26 = arith.constant 0 : i32
      %eq3A_27 = arith.cmpi eq, %select_n3A_25, %eq3A_26 : i32
      %convert_element_type3A = arith.extui %eq3A_27 : i1 to i32
      %cond3A = arith.constant 0 : i32
      %cond3A_28 = arith.cmpi ne, %convert_element_type3A, %cond3A : i32
      scf.if %cond3A_28 {
        %ge3A = arith.constant 2 : i32
        %ge3A_50 = arith.cmpi sge, %scan3A_16, %ge3A : i32
        %convert_element_type3A_51 = arith.extui %ge3A_50 : i1 to i32
        %cond3A_52 = arith.constant 0 : i32
        %cond3A_53 = arith.cmpi ne, %convert_element_type3A_51, %cond3A_52 : i32
        scf.if %cond3A_53 {
          %dma_wait3A_70 = arith.constant 0 : i32
          %dma_wait3A_71 = tpu.memref_slice %arg4[%mul3A_2, %dma_wait3A_70] : memref<102400x128xf32, #tpu.memory_space<hbm>> -> memref<400x128xf32, #tpu.memory_space<hbm>>
          %dma_wait3A_72 = arith.constant 0 : i32
          %dma_wait3A_73 = tpu.memref_slice %arg4[%mul3A_2, %dma_wait3A_72] : memref<102400x128xf32, #tpu.memory_space<hbm>> -> memref<400x128xf32, #tpu.memory_space<hbm>>
          tpu.wait_dma2 semaphore(%arg10 : memref<!tpu.dma_semaphore, #tpu.memory_space<semaphore_mem>>) src(%arg6 : memref<400x128xf32, #tpu.memory_space<vmem>>) dst(%dma_wait3A_73 : memref<400x128xf32, #tpu.memory_space<hbm>>)
        } else {
        }
        %mul3A_54 = arith.constant 400 : i32
        %mul3A_55 = arith.muli %scan3A_16, %mul3A_54 : i32
        %add3A_56 = arith.addi %mul3A_2, %mul3A_55 : i32
        %mul3A_57 = arith.constant 400 : i32
        %mul3A_58 = arith.muli %scan3A_16, %mul3A_57 : i32
        %dma_start3A = tpu.memref_slice %arg5[%mul3A_58] : memref<3200xi32, #tpu.memory_space<vmem>> -> memref<400xi32, #tpu.memory_space<vmem>>
        %dma_start3A_59 = arith.constant 0 : i32
        %dma_start3A_60 = arith.constant 0 : i32
        %dma_start3A_61 = tpu.memref_slice %arg2[%dma_start3A_59, %dma_start3A_60] : memref<10000x128xf32, #tpu.memory_space<hbm>> -> memref<10000x128xf32, #tpu.memory_space<hbm>>
        tpu.enqueue_indirect_dma source(%dma_start3A_61 : memref<10000x128xf32, #tpu.memory_space<hbm>>) target(%arg6 : memref<400x128xf32, #tpu.memory_space<vmem>>) offsets(%dma_start3A : memref<400xi32, #tpu.memory_space<vmem>>) semaphore(%arg8 : memref<!tpu.dma_semaphore, #tpu.memory_space<semaphore_mem>>)
        %dma_wait3A_62 = tpu.memref_slice %arg5[%mul3A_58] : memref<3200xi32, #tpu.memory_space<vmem>> -> memref<400xi32, #tpu.memory_space<vmem>>
        %dma_wait3A_63 = arith.constant 0 : i32
        %dma_wait3A_64 = arith.constant 0 : i32
        %dma_wait3A_65 = tpu.memref_slice %arg2[%dma_wait3A_63, %dma_wait3A_64] : memref<10000x128xf32, #tpu.memory_space<hbm>> -> memref<10000x128xf32, #tpu.memory_space<hbm>>
        tpu.wait_indirect_dma semaphore(%arg8 : memref<!tpu.dma_semaphore, #tpu.memory_space<semaphore_mem>>) src(%dma_wait3A_65 : memref<10000x128xf32, #tpu.memory_space<hbm>>) dst(%arg6 : memref<400x128xf32, #tpu.memory_space<vmem>>)
        %dma_start3A_66 = arith.constant 0 : i32
        %dma_start3A_67 = tpu.memref_slice %arg4[%add3A_56, %dma_start3A_66] : memref<102400x128xf32, #tpu.memory_space<hbm>> -> memref<400x128xf32, #tpu.memory_space<hbm>>
        %dma_start3A_68 = arith.constant 0 : i32
        %dma_start3A_69 = tpu.memref_slice %arg4[%add3A_56, %dma_start3A_68] : memref<102400x128xf32, #tpu.memory_space<hbm>> -> memref<400x128xf32, #tpu.memory_space<hbm>>
        tpu.enqueue_dma source(%arg6 : memref<400x128xf32, #tpu.memory_space<vmem>>) target(%dma_start3A_69 : memref<400x128xf32, #tpu.memory_space<hbm>>) target_semaphore(%arg10 : memref<!tpu.dma_semaphore, #tpu.memory_space<semaphore_mem>>)
      } else {
      }
      %jit3A_29 = arith.constant 2 : i32
      %eq3A_30 = arith.constant 0 : i32
      %eq3A_31 = arith.cmpi eq, %jit3A_29, %eq3A_30 : i32
      %jit3A_32 = arith.constant 1 : i32
      %select_n3A_33 = arith.select %eq3A_31, %jit3A_32, %jit3A_29 : i32
      %rem3A_34 = arith.remsi %scan3A_16, %select_n3A_33 : i32
      %ne3A_35 = arith.constant 0 : i32
      %ne3A_36 = arith.cmpi ne, %rem3A_34, %ne3A_35 : i32
      %lt3A_37 = arith.constant 0 : i32
      %lt3A_38 = arith.cmpi slt, %rem3A_34, %lt3A_37 : i32
      %lt3A_39 = arith.constant 0 : i32
      %lt3A_40 = arith.cmpi slt, %select_n3A_33, %lt3A_39 : i32
      %ne3A_41 = arith.xori %lt3A_38, %lt3A_40 : i1
      %and3A_42 = arith.andi %ne3A_41, %ne3A_36 : i1
      %add3A_43 = arith.addi %rem3A_34, %select_n3A_33 : i32
      %select_n3A_44 = arith.select %and3A_42, %add3A_43, %rem3A_34 : i32
      %eq3A_45 = arith.constant 1 : i32
      %eq3A_46 = arith.cmpi eq, %select_n3A_44, %eq3A_45 : i32
      %convert_element_type3A_47 = arith.extui %eq3A_46 : i1 to i32
      %cond3A_48 = arith.constant 0 : i32
      %cond3A_49 = arith.cmpi ne, %convert_element_type3A_47, %cond3A_48 : i32
      scf.if %cond3A_49 {
        %ge3A = arith.constant 2 : i32
        %ge3A_50 = arith.cmpi sge, %scan3A_16, %ge3A : i32
        %convert_element_type3A_51 = arith.extui %ge3A_50 : i1 to i32
        %cond3A_52 = arith.constant 0 : i32
        %cond3A_53 = arith.cmpi ne, %convert_element_type3A_51, %cond3A_52 : i32
        scf.if %cond3A_53 {
          %dma_wait3A_70 = arith.constant 0 : i32
          %dma_wait3A_71 = tpu.memref_slice %arg4[%mul3A_2, %dma_wait3A_70] : memref<102400x128xf32, #tpu.memory_space<hbm>> -> memref<400x128xf32, #tpu.memory_space<hbm>>
          %dma_wait3A_72 = arith.constant 0 : i32
          %dma_wait3A_73 = tpu.memref_slice %arg4[%mul3A_2, %dma_wait3A_72] : memref<102400x128xf32, #tpu.memory_space<hbm>> -> memref<400x128xf32, #tpu.memory_space<hbm>>
          tpu.wait_dma2 semaphore(%arg11 : memref<!tpu.dma_semaphore, #tpu.memory_space<semaphore_mem>>) src(%arg7 : memref<400x128xf32, #tpu.memory_space<vmem>>) dst(%dma_wait3A_73 : memref<400x128xf32, #tpu.memory_space<hbm>>)
        } else {
        }
        %mul3A_54 = arith.constant 400 : i32
        %mul3A_55 = arith.muli %scan3A_16, %mul3A_54 : i32
        %add3A_56 = arith.addi %mul3A_2, %mul3A_55 : i32
        %mul3A_57 = arith.constant 400 : i32
        %mul3A_58 = arith.muli %scan3A_16, %mul3A_57 : i32
        %dma_start3A = tpu.memref_slice %arg5[%mul3A_58] : memref<3200xi32, #tpu.memory_space<vmem>> -> memref<400xi32, #tpu.memory_space<vmem>>
        %dma_start3A_59 = arith.constant 0 : i32
        %dma_start3A_60 = arith.constant 0 : i32
        %dma_start3A_61 = tpu.memref_slice %arg2[%dma_start3A_59, %dma_start3A_60] : memref<10000x128xf32, #tpu.memory_space<hbm>> -> memref<10000x128xf32, #tpu.memory_space<hbm>>
        tpu.enqueue_indirect_dma source(%dma_start3A_61 : memref<10000x128xf32, #tpu.memory_space<hbm>>) target(%arg7 : memref<400x128xf32, #tpu.memory_space<vmem>>) offsets(%dma_start3A : memref<400xi32, #tpu.memory_space<vmem>>) semaphore(%arg9 : memref<!tpu.dma_semaphore, #tpu.memory_space<semaphore_mem>>)
        %dma_wait3A_62 = tpu.memref_slice %arg5[%mul3A_58] : memref<3200xi32, #tpu.memory_space<vmem>> -> memref<400xi32, #tpu.memory_space<vmem>>
        %dma_wait3A_63 = arith.constant 0 : i32
        %dma_wait3A_64 = arith.constant 0 : i32
        %dma_wait3A_65 = tpu.memref_slice %arg2[%dma_wait3A_63, %dma_wait3A_64] : memref<10000x128xf32, #tpu.memory_space<hbm>> -> memref<10000x128xf32, #tpu.memory_space<hbm>>
        tpu.wait_indirect_dma semaphore(%arg9 : memref<!tpu.dma_semaphore, #tpu.memory_space<semaphore_mem>>) src(%dma_wait3A_65 : memref<10000x128xf32, #tpu.memory_space<hbm>>) dst(%arg7 : memref<400x128xf32, #tpu.memory_space<vmem>>)
        %dma_start3A_66 = arith.constant 0 : i32
        %dma_start3A_67 = tpu.memref_slice %arg4[%add3A_56, %dma_start3A_66] : memref<102400x128xf32, #tpu.memory_space<hbm>> -> memref<400x128xf32, #tpu.memory_space<hbm>>
        %dma_start3A_68 = arith.constant 0 : i32
        %dma_start3A_69 = tpu.memref_slice %arg4[%add3A_56, %dma_start3A_68] : memref<102400x128xf32, #tpu.memory_space<hbm>> -> memref<400x128xf32, #tpu.memory_space<hbm>>
        tpu.enqueue_dma source(%arg7 : memref<400x128xf32, #tpu.memory_space<vmem>>) target(%dma_start3A_69 : memref<400x128xf32, #tpu.memory_space<hbm>>) target_semaphore(%arg11 : memref<!tpu.dma_semaphore, #tpu.memory_space<semaphore_mem>>)
      } else {
      }
    }
    %scan3A_8 = arith.constant 8 : i32
    %dma_wait3A = arith.constant 0 : i32
    %dma_wait3A_9 = tpu.memref_slice %arg4[%mul3A_2, %dma_wait3A] : memref<102400x128xf32, #tpu.memory_space<hbm>> -> memref<400x128xf32, #tpu.memory_space<hbm>>
    %dma_wait3A_10 = arith.constant 0 : i32
    %dma_wait3A_11 = tpu.memref_slice %arg4[%mul3A_2, %dma_wait3A_10] : memref<102400x128xf32, #tpu.memory_space<hbm>> -> memref<400x128xf32, #tpu.memory_space<hbm>>
    tpu.wait_dma2 semaphore(%arg10 : memref<!tpu.dma_semaphore, #tpu.memory_space<semaphore_mem>>) src(%arg6 : memref<400x128xf32, #tpu.memory_space<vmem>>) dst(%dma_wait3A_11 : memref<400x128xf32, #tpu.memory_space<hbm>>)
    %dma_wait3A_12 = arith.constant 0 : i32
    %dma_wait3A_13 = tpu.memref_slice %arg4[%mul3A_2, %dma_wait3A_12] : memref<102400x128xf32, #tpu.memory_space<hbm>> -> memref<400x128xf32, #tpu.memory_space<hbm>>
    %dma_wait3A_14 = arith.constant 0 : i32
    %dma_wait3A_15 = tpu.memref_slice %arg4[%mul3A_2, %dma_wait3A_14] : memref<102400x128xf32, #tpu.memory_space<hbm>> -> memref<400x128xf32, #tpu.memory_space<hbm>>
    tpu.wait_dma2 semaphore(%arg11 : memref<!tpu.dma_semaphore, #tpu.memory_space<semaphore_mem>>) src(%arg7 : memref<400x128xf32, #tpu.memory_space<vmem>>) dst(%dma_wait3A_15 : memref<400x128xf32, #tpu.memory_space<hbm>>)
    return
  }
}

#map = affine_map<(d0, d1) -> (0, 0)>
#map1 = affine_map<(d0, d1) -> (0)>
module attributes {stable_mosaic.version = 14 : i64} {
  func.func @gather_k(%arg0: i32, %arg1: i32, %arg2: memref<10000x128xf32, #tpu.memory_space<hbm>>, %arg3: memref<320000xi32, #tpu.memory_space<hbm>>, %arg4: memref<102400x128xf32, #tpu.memory_space<hbm>>, %arg5: memref<3200xi32, #tpu.memory_space<vmem>>, %arg6: memref<400x128xf32, #tpu.memory_space<vmem>>, %arg7: memref<400x128xf32, #tpu.memory_space<vmem>>, %arg8: memref<!tpu.dma_semaphore, #tpu.memory_space<semaphore_mem>>, %arg9: memref<!tpu.dma_semaphore, #tpu.memory_space<semaphore_mem>>, %arg10: memref<!tpu.dma_semaphore, #tpu.memory_space<semaphore_mem>>, %arg11: memref<!tpu.dma_semaphore, #tpu.memory_space<semaphore_mem>>) attributes {dimension_semantics = [#tpu.dimension_semantics<core_parallel>, #tpu.dimension_semantics<subcore_parallel>], iteration_bounds = array<i64: 2, 16>, scalar_prefetch = 0 : i64, scratch_operands = 7 : i64, tpu.core_type = #tpu.core_type<sc_vector_subcore>, window_params = [{transform_indices = #map}, {transform_indices = #map1}, {transform_indices = #map}]} {
    %mul3A = arith.constant 2 : i32
    %mul3A_0 = arith.muli %arg1, %mul3A : i32
    %add3A = arith.addi %mul3A_0, %arg0 : i32
    %mul3A_1 = arith.constant 3200 : i32
    %mul3A_2 = arith.muli %add3A, %mul3A_1 : i32
    %add3A_3 = arith.constant 179200 : i32
    %add3A_4 = arith.addi %add3A_3, %mul3A_2 : i32
    "tpu.region"() ({
      %run_scoped3A = tpu.sem_alloc : memref<!tpu.dma_semaphore, #tpu.memory_space<semaphore_mem>>
      %dma_start3A = tpu.memref_slice %arg3[%add3A_4] : memref<320000xi32, #tpu.memory_space<hbm>> -> memref<3200xi32, #tpu.memory_space<hbm>>
      %dma_start3A_16 = tpu.memref_slice %arg3[%add3A_4] : memref<320000xi32, #tpu.memory_space<hbm>> -> memref<3200xi32, #tpu.memory_space<hbm>>
      tpu.enqueue_dma source(%dma_start3A_16 : memref<3200xi32, #tpu.memory_space<hbm>>) target(%arg5 : memref<3200xi32, #tpu.memory_space<vmem>>) target_semaphore(%run_scoped3A : memref<!tpu.dma_semaphore, #tpu.memory_space<semaphore_mem>>)
      %dma_wait3A_17 = tpu.memref_slice %arg3[%add3A_4] : memref<320000xi32, #tpu.memory_space<hbm>> -> memref<3200xi32, #tpu.memory_space<hbm>>
      %dma_wait3A_18 = tpu.memref_slice %arg3[%add3A_4] : memref<320000xi32, #tpu.memory_space<hbm>> -> memref<3200xi32, #tpu.memory_space<hbm>>
      tpu.wait_dma2 semaphore(%run_scoped3A : memref<!tpu.dma_semaphore, #tpu.memory_space<semaphore_mem>>) src(%dma_wait3A_18 : memref<3200xi32, #tpu.memory_space<hbm>>) dst(%arg5 : memref<3200xi32, #tpu.memory_space<vmem>>)
      tpu.yield
    }) : () -> ()
    %scan3A = arith.constant 0 : i32
    %scan3A_5 = arith.constant 8 : i32
    %scan3A_6 = arith.addi %scan3A, %scan3A_5 : i32
    %scan3A_7 = arith.constant 1 : i32
    scf.for %scan3A_16 = %scan3A to %scan3A_6 step %scan3A_7  : i32 {
      %jit3A = arith.constant 2 : i32
      %eq3A = arith.constant 0 : i32
      %eq3A_17 = arith.cmpi eq, %jit3A, %eq3A : i32
      %jit3A_18 = arith.constant 1 : i32
      %select_n3A = arith.select %eq3A_17, %jit3A_18, %jit3A : i32
      %rem3A = arith.remsi %scan3A_16, %select_n3A : i32
      %ne3A = arith.constant 0 : i32
      %ne3A_19 = arith.cmpi ne, %rem3A, %ne3A : i32
      %lt3A = arith.constant 0 : i32
      %lt3A_20 = arith.cmpi slt, %rem3A, %lt3A : i32
      %lt3A_21 = arith.constant 0 : i32
      %lt3A_22 = arith.cmpi slt, %select_n3A, %lt3A_21 : i32
      %ne3A_23 = arith.xori %lt3A_20, %lt3A_22 : i1
      %and3A = arith.andi %ne3A_23, %ne3A_19 : i1
      %add3A_24 = arith.addi %rem3A, %select_n3A : i32
      %select_n3A_25 = arith.select %and3A, %add3A_24, %rem3A : i32
      %eq3A_26 = arith.constant 0 : i32
      %eq3A_27 = arith.cmpi eq, %select_n3A_25, %eq3A_26 : i32
      %convert_element_type3A = arith.extui %eq3A_27 : i1 to i32
      %cond3A = arith.constant 0 : i32
      %cond3A_28 = arith.cmpi ne, %convert_element_type3A, %cond3A : i32
      scf.if %cond3A_28 {
        %ge3A = arith.constant 2 : i32
        %ge3A_50 = arith.cmpi sge, %scan3A_16, %ge3A : i32
        %convert_element_type3A_51 = arith.extui %ge3A_50 : i1 to i32
        %cond3A_52 = arith.constant 0 : i32
        %cond3A_53 = arith.cmpi ne, %convert_element_type3A_51, %cond3A_52 : i32
        scf.if %cond3A_53 {
          %dma_wait3A_70 = arith.constant 0 : i32
          %dma_wait3A_71 = tpu.memref_slice %arg4[%mul3A_2, %dma_wait3A_70] : memref<102400x128xf32, #tpu.memory_space<hbm>> -> memref<400x128xf32, #tpu.memory_space<hbm>>
          %dma_wait3A_72 = arith.constant 0 : i32
          %dma_wait3A_73 = tpu.memref_slice %arg4[%mul3A_2, %dma_wait3A_72] : memref<102400x128xf32, #tpu.memory_space<hbm>> -> memref<400x128xf32, #tpu.memory_space<hbm>>
          tpu.wait_dma2 semaphore(%arg10 : memref<!tpu.dma_semaphore, #tpu.memory_space<semaphore_mem>>) src(%arg6 : memref<400x128xf32, #tpu.memory_space<vmem>>) dst(%dma_wait3A_73 : memref<400x128xf32, #tpu.memory_space<hbm>>)
        } else {
        }
        %mul3A_54 = arith.constant 400 : i32
        %mul3A_55 = arith.muli %scan3A_16, %mul3A_54 : i32
        %add3A_56 = arith.addi %mul3A_2, %mul3A_55 : i32
        %mul3A_57 = arith.constant 400 : i32
        %mul3A_58 = arith.muli %scan3A_16, %mul3A_57 : i32
        %dma_start3A = tpu.memref_slice %arg5[%mul3A_58] : memref<3200xi32, #tpu.memory_space<vmem>> -> memref<400xi32, #tpu.memory_space<vmem>>
        %dma_start3A_59 = arith.constant 0 : i32
        %dma_start3A_60 = arith.constant 0 : i32
        %dma_start3A_61 = tpu.memref_slice %arg2[%dma_start3A_59, %dma_start3A_60] : memref<10000x128xf32, #tpu.memory_space<hbm>> -> memref<10000x128xf32, #tpu.memory_space<hbm>>
        tpu.enqueue_indirect_dma source(%dma_start3A_61 : memref<10000x128xf32, #tpu.memory_space<hbm>>) target(%arg6 : memref<400x128xf32, #tpu.memory_space<vmem>>) offsets(%dma_start3A : memref<400xi32, #tpu.memory_space<vmem>>) semaphore(%arg8 : memref<!tpu.dma_semaphore, #tpu.memory_space<semaphore_mem>>)
        %dma_wait3A_62 = tpu.memref_slice %arg5[%mul3A_58] : memref<3200xi32, #tpu.memory_space<vmem>> -> memref<400xi32, #tpu.memory_space<vmem>>
        %dma_wait3A_63 = arith.constant 0 : i32
        %dma_wait3A_64 = arith.constant 0 : i32
        %dma_wait3A_65 = tpu.memref_slice %arg2[%dma_wait3A_63, %dma_wait3A_64] : memref<10000x128xf32, #tpu.memory_space<hbm>> -> memref<10000x128xf32, #tpu.memory_space<hbm>>
        tpu.wait_indirect_dma semaphore(%arg8 : memref<!tpu.dma_semaphore, #tpu.memory_space<semaphore_mem>>) src(%dma_wait3A_65 : memref<10000x128xf32, #tpu.memory_space<hbm>>) dst(%arg6 : memref<400x128xf32, #tpu.memory_space<vmem>>)
        %dma_start3A_66 = arith.constant 0 : i32
        %dma_start3A_67 = tpu.memref_slice %arg4[%add3A_56, %dma_start3A_66] : memref<102400x128xf32, #tpu.memory_space<hbm>> -> memref<400x128xf32, #tpu.memory_space<hbm>>
        %dma_start3A_68 = arith.constant 0 : i32
        %dma_start3A_69 = tpu.memref_slice %arg4[%add3A_56, %dma_start3A_68] : memref<102400x128xf32, #tpu.memory_space<hbm>> -> memref<400x128xf32, #tpu.memory_space<hbm>>
        tpu.enqueue_dma source(%arg6 : memref<400x128xf32, #tpu.memory_space<vmem>>) target(%dma_start3A_69 : memref<400x128xf32, #tpu.memory_space<hbm>>) target_semaphore(%arg10 : memref<!tpu.dma_semaphore, #tpu.memory_space<semaphore_mem>>)
      } else {
      }
      %jit3A_29 = arith.constant 2 : i32
      %eq3A_30 = arith.constant 0 : i32
      %eq3A_31 = arith.cmpi eq, %jit3A_29, %eq3A_30 : i32
      %jit3A_32 = arith.constant 1 : i32
      %select_n3A_33 = arith.select %eq3A_31, %jit3A_32, %jit3A_29 : i32
      %rem3A_34 = arith.remsi %scan3A_16, %select_n3A_33 : i32
      %ne3A_35 = arith.constant 0 : i32
      %ne3A_36 = arith.cmpi ne, %rem3A_34, %ne3A_35 : i32
      %lt3A_37 = arith.constant 0 : i32
      %lt3A_38 = arith.cmpi slt, %rem3A_34, %lt3A_37 : i32
      %lt3A_39 = arith.constant 0 : i32
      %lt3A_40 = arith.cmpi slt, %select_n3A_33, %lt3A_39 : i32
      %ne3A_41 = arith.xori %lt3A_38, %lt3A_40 : i1
      %and3A_42 = arith.andi %ne3A_41, %ne3A_36 : i1
      %add3A_43 = arith.addi %rem3A_34, %select_n3A_33 : i32
      %select_n3A_44 = arith.select %and3A_42, %add3A_43, %rem3A_34 : i32
      %eq3A_45 = arith.constant 1 : i32
      %eq3A_46 = arith.cmpi eq, %select_n3A_44, %eq3A_45 : i32
      %convert_element_type3A_47 = arith.extui %eq3A_46 : i1 to i32
      %cond3A_48 = arith.constant 0 : i32
      %cond3A_49 = arith.cmpi ne, %convert_element_type3A_47, %cond3A_48 : i32
      scf.if %cond3A_49 {
        %ge3A = arith.constant 2 : i32
        %ge3A_50 = arith.cmpi sge, %scan3A_16, %ge3A : i32
        %convert_element_type3A_51 = arith.extui %ge3A_50 : i1 to i32
        %cond3A_52 = arith.constant 0 : i32
        %cond3A_53 = arith.cmpi ne, %convert_element_type3A_51, %cond3A_52 : i32
        scf.if %cond3A_53 {
          %dma_wait3A_70 = arith.constant 0 : i32
          %dma_wait3A_71 = tpu.memref_slice %arg4[%mul3A_2, %dma_wait3A_70] : memref<102400x128xf32, #tpu.memory_space<hbm>> -> memref<400x128xf32, #tpu.memory_space<hbm>>
          %dma_wait3A_72 = arith.constant 0 : i32
          %dma_wait3A_73 = tpu.memref_slice %arg4[%mul3A_2, %dma_wait3A_72] : memref<102400x128xf32, #tpu.memory_space<hbm>> -> memref<400x128xf32, #tpu.memory_space<hbm>>
          tpu.wait_dma2 semaphore(%arg11 : memref<!tpu.dma_semaphore, #tpu.memory_space<semaphore_mem>>) src(%arg7 : memref<400x128xf32, #tpu.memory_space<vmem>>) dst(%dma_wait3A_73 : memref<400x128xf32, #tpu.memory_space<hbm>>)
        } else {
        }
        %mul3A_54 = arith.constant 400 : i32
        %mul3A_55 = arith.muli %scan3A_16, %mul3A_54 : i32
        %add3A_56 = arith.addi %mul3A_2, %mul3A_55 : i32
        %mul3A_57 = arith.constant 400 : i32
        %mul3A_58 = arith.muli %scan3A_16, %mul3A_57 : i32
        %dma_start3A = tpu.memref_slice %arg5[%mul3A_58] : memref<3200xi32, #tpu.memory_space<vmem>> -> memref<400xi32, #tpu.memory_space<vmem>>
        %dma_start3A_59 = arith.constant 0 : i32
        %dma_start3A_60 = arith.constant 0 : i32
        %dma_start3A_61 = tpu.memref_slice %arg2[%dma_start3A_59, %dma_start3A_60] : memref<10000x128xf32, #tpu.memory_space<hbm>> -> memref<10000x128xf32, #tpu.memory_space<hbm>>
        tpu.enqueue_indirect_dma source(%dma_start3A_61 : memref<10000x128xf32, #tpu.memory_space<hbm>>) target(%arg7 : memref<400x128xf32, #tpu.memory_space<vmem>>) offsets(%dma_start3A : memref<400xi32, #tpu.memory_space<vmem>>) semaphore(%arg9 : memref<!tpu.dma_semaphore, #tpu.memory_space<semaphore_mem>>)
        %dma_wait3A_62 = tpu.memref_slice %arg5[%mul3A_58] : memref<3200xi32, #tpu.memory_space<vmem>> -> memref<400xi32, #tpu.memory_space<vmem>>
        %dma_wait3A_63 = arith.constant 0 : i32
        %dma_wait3A_64 = arith.constant 0 : i32
        %dma_wait3A_65 = tpu.memref_slice %arg2[%dma_wait3A_63, %dma_wait3A_64] : memref<10000x128xf32, #tpu.memory_space<hbm>> -> memref<10000x128xf32, #tpu.memory_space<hbm>>
        tpu.wait_indirect_dma semaphore(%arg9 : memref<!tpu.dma_semaphore, #tpu.memory_space<semaphore_mem>>) src(%dma_wait3A_65 : memref<10000x128xf32, #tpu.memory_space<hbm>>) dst(%arg7 : memref<400x128xf32, #tpu.memory_space<vmem>>)
        %dma_start3A_66 = arith.constant 0 : i32
        %dma_start3A_67 = tpu.memref_slice %arg4[%add3A_56, %dma_start3A_66] : memref<102400x128xf32, #tpu.memory_space<hbm>> -> memref<400x128xf32, #tpu.memory_space<hbm>>
        %dma_start3A_68 = arith.constant 0 : i32
        %dma_start3A_69 = tpu.memref_slice %arg4[%add3A_56, %dma_start3A_68] : memref<102400x128xf32, #tpu.memory_space<hbm>> -> memref<400x128xf32, #tpu.memory_space<hbm>>
        tpu.enqueue_dma source(%arg7 : memref<400x128xf32, #tpu.memory_space<vmem>>) target(%dma_start3A_69 : memref<400x128xf32, #tpu.memory_space<hbm>>) target_semaphore(%arg11 : memref<!tpu.dma_semaphore, #tpu.memory_space<semaphore_mem>>)
      } else {
      }
    }
    %scan3A_8 = arith.constant 8 : i32
    %dma_wait3A = arith.constant 0 : i32
    %dma_wait3A_9 = tpu.memref_slice %arg4[%mul3A_2, %dma_wait3A] : memref<102400x128xf32, #tpu.memory_space<hbm>> -> memref<400x128xf32, #tpu.memory_space<hbm>>
    %dma_wait3A_10 = arith.constant 0 : i32
    %dma_wait3A_11 = tpu.memref_slice %arg4[%mul3A_2, %dma_wait3A_10] : memref<102400x128xf32, #tpu.memory_space<hbm>> -> memref<400x128xf32, #tpu.memory_space<hbm>>
    tpu.wait_dma2 semaphore(%arg10 : memref<!tpu.dma_semaphore, #tpu.memory_space<semaphore_mem>>) src(%arg6 : memref<400x128xf32, #tpu.memory_space<vmem>>) dst(%dma_wait3A_11 : memref<400x128xf32, #tpu.memory_space<hbm>>)
    %dma_wait3A_12 = arith.constant 0 : i32
    %dma_wait3A_13 = tpu.memref_slice %arg4[%mul3A_2, %dma_wait3A_12] : memref<102400x128xf32, #tpu.memory_space<hbm>> -> memref<400x128xf32, #tpu.memory_space<hbm>>
    %dma_wait3A_14 = arith.constant 0 : i32
    %dma_wait3A_15 = tpu.memref_slice %arg4[%mul3A_2, %dma_wait3A_14] : memref<102400x128xf32, #tpu.memory_space<hbm>> -> memref<400x128xf32, #tpu.memory_space<hbm>>
    tpu.wait_dma2 semaphore(%arg11 : memref<!tpu.dma_semaphore, #tpu.memory_space<semaphore_mem>>) src(%arg7 : memref<400x128xf32, #tpu.memory_space<vmem>>) dst(%dma_wait3A_15 : memref<400x128xf32, #tpu.memory_space<hbm>>)
    return
  }
}

#map = affine_map<(d0, d1) -> (0, 0)>
#map1 = affine_map<(d0, d1) -> (0)>
module attributes {stable_mosaic.version = 14 : i64} {
  func.func @gather_k(%arg0: i32, %arg1: i32, %arg2: memref<10000x128xf32, #tpu.memory_space<hbm>>, %arg3: memref<320000xi32, #tpu.memory_space<hbm>>, %arg4: memref<25600x128xf32, #tpu.memory_space<hbm>>, %arg5: memref<800xi32, #tpu.memory_space<vmem>>, %arg6: memref<400x128xf32, #tpu.memory_space<vmem>>, %arg7: memref<400x128xf32, #tpu.memory_space<vmem>>, %arg8: memref<!tpu.dma_semaphore, #tpu.memory_space<semaphore_mem>>, %arg9: memref<!tpu.dma_semaphore, #tpu.memory_space<semaphore_mem>>, %arg10: memref<!tpu.dma_semaphore, #tpu.memory_space<semaphore_mem>>, %arg11: memref<!tpu.dma_semaphore, #tpu.memory_space<semaphore_mem>>) attributes {dimension_semantics = [#tpu.dimension_semantics<core_parallel>, #tpu.dimension_semantics<subcore_parallel>], iteration_bounds = array<i64: 2, 16>, scalar_prefetch = 0 : i64, scratch_operands = 7 : i64, tpu.core_type = #tpu.core_type<sc_vector_subcore>, window_params = [{transform_indices = #map}, {transform_indices = #map1}, {transform_indices = #map}]} {
    %mul3A = arith.constant 2 : i32
    %mul3A_0 = arith.muli %arg1, %mul3A : i32
    %add3A = arith.addi %mul3A_0, %arg0 : i32
    %mul3A_1 = arith.constant 800 : i32
    %mul3A_2 = arith.muli %add3A, %mul3A_1 : i32
    %add3A_3 = arith.constant 281600 : i32
    %add3A_4 = arith.addi %add3A_3, %mul3A_2 : i32
    "tpu.region"() ({
      %run_scoped3A = tpu.sem_alloc : memref<!tpu.dma_semaphore, #tpu.memory_space<semaphore_mem>>
      %dma_start3A = tpu.memref_slice %arg3[%add3A_4] : memref<320000xi32, #tpu.memory_space<hbm>> -> memref<800xi32, #tpu.memory_space<hbm>>
      %dma_start3A_16 = tpu.memref_slice %arg3[%add3A_4] : memref<320000xi32, #tpu.memory_space<hbm>> -> memref<800xi32, #tpu.memory_space<hbm>>
      tpu.enqueue_dma source(%dma_start3A_16 : memref<800xi32, #tpu.memory_space<hbm>>) target(%arg5 : memref<800xi32, #tpu.memory_space<vmem>>) target_semaphore(%run_scoped3A : memref<!tpu.dma_semaphore, #tpu.memory_space<semaphore_mem>>)
      %dma_wait3A_17 = tpu.memref_slice %arg3[%add3A_4] : memref<320000xi32, #tpu.memory_space<hbm>> -> memref<800xi32, #tpu.memory_space<hbm>>
      %dma_wait3A_18 = tpu.memref_slice %arg3[%add3A_4] : memref<320000xi32, #tpu.memory_space<hbm>> -> memref<800xi32, #tpu.memory_space<hbm>>
      tpu.wait_dma2 semaphore(%run_scoped3A : memref<!tpu.dma_semaphore, #tpu.memory_space<semaphore_mem>>) src(%dma_wait3A_18 : memref<800xi32, #tpu.memory_space<hbm>>) dst(%arg5 : memref<800xi32, #tpu.memory_space<vmem>>)
      tpu.yield
    }) : () -> ()
    %scan3A = arith.constant 0 : i32
    %scan3A_5 = arith.constant 2 : i32
    %scan3A_6 = arith.addi %scan3A, %scan3A_5 : i32
    %scan3A_7 = arith.constant 1 : i32
    scf.for %scan3A_16 = %scan3A to %scan3A_6 step %scan3A_7  : i32 {
      %jit3A = arith.constant 2 : i32
      %eq3A = arith.constant 0 : i32
      %eq3A_17 = arith.cmpi eq, %jit3A, %eq3A : i32
      %jit3A_18 = arith.constant 1 : i32
      %select_n3A = arith.select %eq3A_17, %jit3A_18, %jit3A : i32
      %rem3A = arith.remsi %scan3A_16, %select_n3A : i32
      %ne3A = arith.constant 0 : i32
      %ne3A_19 = arith.cmpi ne, %rem3A, %ne3A : i32
      %lt3A = arith.constant 0 : i32
      %lt3A_20 = arith.cmpi slt, %rem3A, %lt3A : i32
      %lt3A_21 = arith.constant 0 : i32
      %lt3A_22 = arith.cmpi slt, %select_n3A, %lt3A_21 : i32
      %ne3A_23 = arith.xori %lt3A_20, %lt3A_22 : i1
      %and3A = arith.andi %ne3A_23, %ne3A_19 : i1
      %add3A_24 = arith.addi %rem3A, %select_n3A : i32
      %select_n3A_25 = arith.select %and3A, %add3A_24, %rem3A : i32
      %eq3A_26 = arith.constant 0 : i32
      %eq3A_27 = arith.cmpi eq, %select_n3A_25, %eq3A_26 : i32
      %convert_element_type3A = arith.extui %eq3A_27 : i1 to i32
      %cond3A = arith.constant 0 : i32
      %cond3A_28 = arith.cmpi ne, %convert_element_type3A, %cond3A : i32
      scf.if %cond3A_28 {
        %ge3A = arith.constant 2 : i32
        %ge3A_50 = arith.cmpi sge, %scan3A_16, %ge3A : i32
        %convert_element_type3A_51 = arith.extui %ge3A_50 : i1 to i32
        %cond3A_52 = arith.constant 0 : i32
        %cond3A_53 = arith.cmpi ne, %convert_element_type3A_51, %cond3A_52 : i32
        scf.if %cond3A_53 {
          %dma_wait3A_70 = arith.constant 0 : i32
          %dma_wait3A_71 = tpu.memref_slice %arg4[%mul3A_2, %dma_wait3A_70] : memref<25600x128xf32, #tpu.memory_space<hbm>> -> memref<400x128xf32, #tpu.memory_space<hbm>>
          %dma_wait3A_72 = arith.constant 0 : i32
          %dma_wait3A_73 = tpu.memref_slice %arg4[%mul3A_2, %dma_wait3A_72] : memref<25600x128xf32, #tpu.memory_space<hbm>> -> memref<400x128xf32, #tpu.memory_space<hbm>>
          tpu.wait_dma2 semaphore(%arg10 : memref<!tpu.dma_semaphore, #tpu.memory_space<semaphore_mem>>) src(%arg6 : memref<400x128xf32, #tpu.memory_space<vmem>>) dst(%dma_wait3A_73 : memref<400x128xf32, #tpu.memory_space<hbm>>)
        } else {
        }
        %mul3A_54 = arith.constant 400 : i32
        %mul3A_55 = arith.muli %scan3A_16, %mul3A_54 : i32
        %add3A_56 = arith.addi %mul3A_2, %mul3A_55 : i32
        %mul3A_57 = arith.constant 400 : i32
        %mul3A_58 = arith.muli %scan3A_16, %mul3A_57 : i32
        %dma_start3A = tpu.memref_slice %arg5[%mul3A_58] : memref<800xi32, #tpu.memory_space<vmem>> -> memref<400xi32, #tpu.memory_space<vmem>>
        %dma_start3A_59 = arith.constant 0 : i32
        %dma_start3A_60 = arith.constant 0 : i32
        %dma_start3A_61 = tpu.memref_slice %arg2[%dma_start3A_59, %dma_start3A_60] : memref<10000x128xf32, #tpu.memory_space<hbm>> -> memref<10000x128xf32, #tpu.memory_space<hbm>>
        tpu.enqueue_indirect_dma source(%dma_start3A_61 : memref<10000x128xf32, #tpu.memory_space<hbm>>) target(%arg6 : memref<400x128xf32, #tpu.memory_space<vmem>>) offsets(%dma_start3A : memref<400xi32, #tpu.memory_space<vmem>>) semaphore(%arg8 : memref<!tpu.dma_semaphore, #tpu.memory_space<semaphore_mem>>)
        %dma_wait3A_62 = tpu.memref_slice %arg5[%mul3A_58] : memref<800xi32, #tpu.memory_space<vmem>> -> memref<400xi32, #tpu.memory_space<vmem>>
        %dma_wait3A_63 = arith.constant 0 : i32
        %dma_wait3A_64 = arith.constant 0 : i32
        %dma_wait3A_65 = tpu.memref_slice %arg2[%dma_wait3A_63, %dma_wait3A_64] : memref<10000x128xf32, #tpu.memory_space<hbm>> -> memref<10000x128xf32, #tpu.memory_space<hbm>>
        tpu.wait_indirect_dma semaphore(%arg8 : memref<!tpu.dma_semaphore, #tpu.memory_space<semaphore_mem>>) src(%dma_wait3A_65 : memref<10000x128xf32, #tpu.memory_space<hbm>>) dst(%arg6 : memref<400x128xf32, #tpu.memory_space<vmem>>)
        %dma_start3A_66 = arith.constant 0 : i32
        %dma_start3A_67 = tpu.memref_slice %arg4[%add3A_56, %dma_start3A_66] : memref<25600x128xf32, #tpu.memory_space<hbm>> -> memref<400x128xf32, #tpu.memory_space<hbm>>
        %dma_start3A_68 = arith.constant 0 : i32
        %dma_start3A_69 = tpu.memref_slice %arg4[%add3A_56, %dma_start3A_68] : memref<25600x128xf32, #tpu.memory_space<hbm>> -> memref<400x128xf32, #tpu.memory_space<hbm>>
        tpu.enqueue_dma source(%arg6 : memref<400x128xf32, #tpu.memory_space<vmem>>) target(%dma_start3A_69 : memref<400x128xf32, #tpu.memory_space<hbm>>) target_semaphore(%arg10 : memref<!tpu.dma_semaphore, #tpu.memory_space<semaphore_mem>>)
      } else {
      }
      %jit3A_29 = arith.constant 2 : i32
      %eq3A_30 = arith.constant 0 : i32
      %eq3A_31 = arith.cmpi eq, %jit3A_29, %eq3A_30 : i32
      %jit3A_32 = arith.constant 1 : i32
      %select_n3A_33 = arith.select %eq3A_31, %jit3A_32, %jit3A_29 : i32
      %rem3A_34 = arith.remsi %scan3A_16, %select_n3A_33 : i32
      %ne3A_35 = arith.constant 0 : i32
      %ne3A_36 = arith.cmpi ne, %rem3A_34, %ne3A_35 : i32
      %lt3A_37 = arith.constant 0 : i32
      %lt3A_38 = arith.cmpi slt, %rem3A_34, %lt3A_37 : i32
      %lt3A_39 = arith.constant 0 : i32
      %lt3A_40 = arith.cmpi slt, %select_n3A_33, %lt3A_39 : i32
      %ne3A_41 = arith.xori %lt3A_38, %lt3A_40 : i1
      %and3A_42 = arith.andi %ne3A_41, %ne3A_36 : i1
      %add3A_43 = arith.addi %rem3A_34, %select_n3A_33 : i32
      %select_n3A_44 = arith.select %and3A_42, %add3A_43, %rem3A_34 : i32
      %eq3A_45 = arith.constant 1 : i32
      %eq3A_46 = arith.cmpi eq, %select_n3A_44, %eq3A_45 : i32
      %convert_element_type3A_47 = arith.extui %eq3A_46 : i1 to i32
      %cond3A_48 = arith.constant 0 : i32
      %cond3A_49 = arith.cmpi ne, %convert_element_type3A_47, %cond3A_48 : i32
      scf.if %cond3A_49 {
        %ge3A = arith.constant 2 : i32
        %ge3A_50 = arith.cmpi sge, %scan3A_16, %ge3A : i32
        %convert_element_type3A_51 = arith.extui %ge3A_50 : i1 to i32
        %cond3A_52 = arith.constant 0 : i32
        %cond3A_53 = arith.cmpi ne, %convert_element_type3A_51, %cond3A_52 : i32
        scf.if %cond3A_53 {
          %dma_wait3A_70 = arith.constant 0 : i32
          %dma_wait3A_71 = tpu.memref_slice %arg4[%mul3A_2, %dma_wait3A_70] : memref<25600x128xf32, #tpu.memory_space<hbm>> -> memref<400x128xf32, #tpu.memory_space<hbm>>
          %dma_wait3A_72 = arith.constant 0 : i32
          %dma_wait3A_73 = tpu.memref_slice %arg4[%mul3A_2, %dma_wait3A_72] : memref<25600x128xf32, #tpu.memory_space<hbm>> -> memref<400x128xf32, #tpu.memory_space<hbm>>
          tpu.wait_dma2 semaphore(%arg11 : memref<!tpu.dma_semaphore, #tpu.memory_space<semaphore_mem>>) src(%arg7 : memref<400x128xf32, #tpu.memory_space<vmem>>) dst(%dma_wait3A_73 : memref<400x128xf32, #tpu.memory_space<hbm>>)
        } else {
        }
        %mul3A_54 = arith.constant 400 : i32
        %mul3A_55 = arith.muli %scan3A_16, %mul3A_54 : i32
        %add3A_56 = arith.addi %mul3A_2, %mul3A_55 : i32
        %mul3A_57 = arith.constant 400 : i32
        %mul3A_58 = arith.muli %scan3A_16, %mul3A_57 : i32
        %dma_start3A = tpu.memref_slice %arg5[%mul3A_58] : memref<800xi32, #tpu.memory_space<vmem>> -> memref<400xi32, #tpu.memory_space<vmem>>
        %dma_start3A_59 = arith.constant 0 : i32
        %dma_start3A_60 = arith.constant 0 : i32
        %dma_start3A_61 = tpu.memref_slice %arg2[%dma_start3A_59, %dma_start3A_60] : memref<10000x128xf32, #tpu.memory_space<hbm>> -> memref<10000x128xf32, #tpu.memory_space<hbm>>
        tpu.enqueue_indirect_dma source(%dma_start3A_61 : memref<10000x128xf32, #tpu.memory_space<hbm>>) target(%arg7 : memref<400x128xf32, #tpu.memory_space<vmem>>) offsets(%dma_start3A : memref<400xi32, #tpu.memory_space<vmem>>) semaphore(%arg9 : memref<!tpu.dma_semaphore, #tpu.memory_space<semaphore_mem>>)
        %dma_wait3A_62 = tpu.memref_slice %arg5[%mul3A_58] : memref<800xi32, #tpu.memory_space<vmem>> -> memref<400xi32, #tpu.memory_space<vmem>>
        %dma_wait3A_63 = arith.constant 0 : i32
        %dma_wait3A_64 = arith.constant 0 : i32
        %dma_wait3A_65 = tpu.memref_slice %arg2[%dma_wait3A_63, %dma_wait3A_64] : memref<10000x128xf32, #tpu.memory_space<hbm>> -> memref<10000x128xf32, #tpu.memory_space<hbm>>
        tpu.wait_indirect_dma semaphore(%arg9 : memref<!tpu.dma_semaphore, #tpu.memory_space<semaphore_mem>>) src(%dma_wait3A_65 : memref<10000x128xf32, #tpu.memory_space<hbm>>) dst(%arg7 : memref<400x128xf32, #tpu.memory_space<vmem>>)
        %dma_start3A_66 = arith.constant 0 : i32
        %dma_start3A_67 = tpu.memref_slice %arg4[%add3A_56, %dma_start3A_66] : memref<25600x128xf32, #tpu.memory_space<hbm>> -> memref<400x128xf32, #tpu.memory_space<hbm>>
        %dma_start3A_68 = arith.constant 0 : i32
        %dma_start3A_69 = tpu.memref_slice %arg4[%add3A_56, %dma_start3A_68] : memref<25600x128xf32, #tpu.memory_space<hbm>> -> memref<400x128xf32, #tpu.memory_space<hbm>>
        tpu.enqueue_dma source(%arg7 : memref<400x128xf32, #tpu.memory_space<vmem>>) target(%dma_start3A_69 : memref<400x128xf32, #tpu.memory_space<hbm>>) target_semaphore(%arg11 : memref<!tpu.dma_semaphore, #tpu.memory_space<semaphore_mem>>)
      } else {
      }
    }
    %scan3A_8 = arith.constant 2 : i32
    %dma_wait3A = arith.constant 0 : i32
    %dma_wait3A_9 = tpu.memref_slice %arg4[%mul3A_2, %dma_wait3A] : memref<25600x128xf32, #tpu.memory_space<hbm>> -> memref<400x128xf32, #tpu.memory_space<hbm>>
    %dma_wait3A_10 = arith.constant 0 : i32
    %dma_wait3A_11 = tpu.memref_slice %arg4[%mul3A_2, %dma_wait3A_10] : memref<25600x128xf32, #tpu.memory_space<hbm>> -> memref<400x128xf32, #tpu.memory_space<hbm>>
    tpu.wait_dma2 semaphore(%arg10 : memref<!tpu.dma_semaphore, #tpu.memory_space<semaphore_mem>>) src(%arg6 : memref<400x128xf32, #tpu.memory_space<vmem>>) dst(%dma_wait3A_11 : memref<400x128xf32, #tpu.memory_space<hbm>>)
    %dma_wait3A_12 = arith.constant 0 : i32
    %dma_wait3A_13 = tpu.memref_slice %arg4[%mul3A_2, %dma_wait3A_12] : memref<25600x128xf32, #tpu.memory_space<hbm>> -> memref<400x128xf32, #tpu.memory_space<hbm>>
    %dma_wait3A_14 = arith.constant 0 : i32
    %dma_wait3A_15 = tpu.memref_slice %arg4[%mul3A_2, %dma_wait3A_14] : memref<25600x128xf32, #tpu.memory_space<hbm>> -> memref<400x128xf32, #tpu.memory_space<hbm>>
    tpu.wait_dma2 semaphore(%arg11 : memref<!tpu.dma_semaphore, #tpu.memory_space<semaphore_mem>>) src(%arg7 : memref<400x128xf32, #tpu.memory_space<vmem>>) dst(%dma_wait3A_15 : memref<400x128xf32, #tpu.memory_space<hbm>>)
    return
  }
}

#map = affine_map<(d0, d1) -> (0, 0)>
#map1 = affine_map<(d0, d1) -> (0)>
module attributes {stable_mosaic.version = 14 : i64} {
  func.func @gather_k(%arg0: i32, %arg1: i32, %arg2: memref<10000x128xf32, #tpu.memory_space<hbm>>, %arg3: memref<320000xi32, #tpu.memory_space<hbm>>, %arg4: memref<12800x128xf32, #tpu.memory_space<hbm>>, %arg5: memref<400xi32, #tpu.memory_space<vmem>>, %arg6: memref<400x128xf32, #tpu.memory_space<vmem>>, %arg7: memref<400x128xf32, #tpu.memory_space<vmem>>, %arg8: memref<!tpu.dma_semaphore, #tpu.memory_space<semaphore_mem>>, %arg9: memref<!tpu.dma_semaphore, #tpu.memory_space<semaphore_mem>>, %arg10: memref<!tpu.dma_semaphore, #tpu.memory_space<semaphore_mem>>, %arg11: memref<!tpu.dma_semaphore, #tpu.memory_space<semaphore_mem>>) attributes {dimension_semantics = [#tpu.dimension_semantics<core_parallel>, #tpu.dimension_semantics<subcore_parallel>], iteration_bounds = array<i64: 2, 16>, scalar_prefetch = 0 : i64, scratch_operands = 7 : i64, tpu.core_type = #tpu.core_type<sc_vector_subcore>, window_params = [{transform_indices = #map}, {transform_indices = #map1}, {transform_indices = #map}]} {
    %mul3A = arith.constant 2 : i32
    %mul3A_0 = arith.muli %arg1, %mul3A : i32
    %add3A = arith.addi %mul3A_0, %arg0 : i32
    %mul3A_1 = arith.constant 400 : i32
    %mul3A_2 = arith.muli %add3A, %mul3A_1 : i32
    %add3A_3 = arith.constant 307200 : i32
    %add3A_4 = arith.addi %add3A_3, %mul3A_2 : i32
    "tpu.region"() ({
      %run_scoped3A = tpu.sem_alloc : memref<!tpu.dma_semaphore, #tpu.memory_space<semaphore_mem>>
      %dma_start3A = tpu.memref_slice %arg3[%add3A_4] : memref<320000xi32, #tpu.memory_space<hbm>> -> memref<400xi32, #tpu.memory_space<hbm>>
      %dma_start3A_42 = tpu.memref_slice %arg3[%add3A_4] : memref<320000xi32, #tpu.memory_space<hbm>> -> memref<400xi32, #tpu.memory_space<hbm>>
      tpu.enqueue_dma source(%dma_start3A_42 : memref<400xi32, #tpu.memory_space<hbm>>) target(%arg5 : memref<400xi32, #tpu.memory_space<vmem>>) target_semaphore(%run_scoped3A : memref<!tpu.dma_semaphore, #tpu.memory_space<semaphore_mem>>)
      %dma_wait3A_43 = tpu.memref_slice %arg3[%add3A_4] : memref<320000xi32, #tpu.memory_space<hbm>> -> memref<400xi32, #tpu.memory_space<hbm>>
      %dma_wait3A_44 = tpu.memref_slice %arg3[%add3A_4] : memref<320000xi32, #tpu.memory_space<hbm>> -> memref<400xi32, #tpu.memory_space<hbm>>
      tpu.wait_dma2 semaphore(%run_scoped3A : memref<!tpu.dma_semaphore, #tpu.memory_space<semaphore_mem>>) src(%dma_wait3A_44 : memref<400xi32, #tpu.memory_space<hbm>>) dst(%arg5 : memref<400xi32, #tpu.memory_space<vmem>>)
      tpu.yield
    }) : () -> ()
    %scan3A = arith.constant 0 : i32
    %jit3A = arith.constant 2 : i32
    %eq3A = arith.constant 0 : i32
    %eq3A_5 = arith.cmpi eq, %jit3A, %eq3A : i32
    %jit3A_6 = arith.constant 1 : i32
    %select_n3A = arith.select %eq3A_5, %jit3A_6, %jit3A : i32
    %rem3A = arith.remsi %scan3A, %select_n3A : i32
    %ne3A = arith.constant 0 : i32
    %ne3A_7 = arith.cmpi ne, %rem3A, %ne3A : i32
    %lt3A = arith.constant 0 : i32
    %lt3A_8 = arith.cmpi slt, %rem3A, %lt3A : i32
    %lt3A_9 = arith.constant 0 : i32
    %lt3A_10 = arith.cmpi slt, %select_n3A, %lt3A_9 : i32
    %ne3A_11 = arith.xori %lt3A_8, %lt3A_10 : i1
    %and3A = arith.andi %ne3A_11, %ne3A_7 : i1
    %add3A_12 = arith.addi %rem3A, %select_n3A : i32
    %select_n3A_13 = arith.select %and3A, %add3A_12, %rem3A : i32
    %eq3A_14 = arith.constant 0 : i32
    %eq3A_15 = arith.cmpi eq, %select_n3A_13, %eq3A_14 : i32
    %convert_element_type3A = arith.extui %eq3A_15 : i1 to i32
    %cond3A = arith.constant 0 : i32
    %cond3A_16 = arith.cmpi ne, %convert_element_type3A, %cond3A : i32
    scf.if %cond3A_16 {
      %ge3A = arith.constant 2 : i32
      %ge3A_42 = arith.cmpi sge, %scan3A, %ge3A : i32
      %convert_element_type3A_43 = arith.extui %ge3A_42 : i1 to i32
      %cond3A_44 = arith.constant 0 : i32
      %cond3A_45 = arith.cmpi ne, %convert_element_type3A_43, %cond3A_44 : i32
      scf.if %cond3A_45 {
        %dma_wait3A_62 = arith.constant 0 : i32
        %dma_wait3A_63 = tpu.memref_slice %arg4[%mul3A_2, %dma_wait3A_62] : memref<12800x128xf32, #tpu.memory_space<hbm>> -> memref<400x128xf32, #tpu.memory_space<hbm>>
        %dma_wait3A_64 = arith.constant 0 : i32
        %dma_wait3A_65 = tpu.memref_slice %arg4[%mul3A_2, %dma_wait3A_64] : memref<12800x128xf32, #tpu.memory_space<hbm>> -> memref<400x128xf32, #tpu.memory_space<hbm>>
        tpu.wait_dma2 semaphore(%arg10 : memref<!tpu.dma_semaphore, #tpu.memory_space<semaphore_mem>>) src(%arg6 : memref<400x128xf32, #tpu.memory_space<vmem>>) dst(%dma_wait3A_65 : memref<400x128xf32, #tpu.memory_space<hbm>>)
      } else {
      }
      %mul3A_46 = arith.constant 400 : i32
      %mul3A_47 = arith.muli %scan3A, %mul3A_46 : i32
      %add3A_48 = arith.addi %mul3A_2, %mul3A_47 : i32
      %mul3A_49 = arith.constant 400 : i32
      %mul3A_50 = arith.muli %scan3A, %mul3A_49 : i32
      %dma_start3A = tpu.memref_slice %arg5[%mul3A_50] : memref<400xi32, #tpu.memory_space<vmem>> -> memref<400xi32, #tpu.memory_space<vmem>>
      %dma_start3A_51 = arith.constant 0 : i32
      %dma_start3A_52 = arith.constant 0 : i32
      %dma_start3A_53 = tpu.memref_slice %arg2[%dma_start3A_51, %dma_start3A_52] : memref<10000x128xf32, #tpu.memory_space<hbm>> -> memref<10000x128xf32, #tpu.memory_space<hbm>>
      tpu.enqueue_indirect_dma source(%dma_start3A_53 : memref<10000x128xf32, #tpu.memory_space<hbm>>) target(%arg6 : memref<400x128xf32, #tpu.memory_space<vmem>>) offsets(%dma_start3A : memref<400xi32, #tpu.memory_space<vmem>>) semaphore(%arg8 : memref<!tpu.dma_semaphore, #tpu.memory_space<semaphore_mem>>)
      %dma_wait3A_54 = tpu.memref_slice %arg5[%mul3A_50] : memref<400xi32, #tpu.memory_space<vmem>> -> memref<400xi32, #tpu.memory_space<vmem>>
      %dma_wait3A_55 = arith.constant 0 : i32
      %dma_wait3A_56 = arith.constant 0 : i32
      %dma_wait3A_57 = tpu.memref_slice %arg2[%dma_wait3A_55, %dma_wait3A_56] : memref<10000x128xf32, #tpu.memory_space<hbm>> -> memref<10000x128xf32, #tpu.memory_space<hbm>>
      tpu.wait_indirect_dma semaphore(%arg8 : memref<!tpu.dma_semaphore, #tpu.memory_space<semaphore_mem>>) src(%dma_wait3A_57 : memref<10000x128xf32, #tpu.memory_space<hbm>>) dst(%arg6 : memref<400x128xf32, #tpu.memory_space<vmem>>)
      %dma_start3A_58 = arith.constant 0 : i32
      %dma_start3A_59 = tpu.memref_slice %arg4[%add3A_48, %dma_start3A_58] : memref<12800x128xf32, #tpu.memory_space<hbm>> -> memref<400x128xf32, #tpu.memory_space<hbm>>
      %dma_start3A_60 = arith.constant 0 : i32
      %dma_start3A_61 = tpu.memref_slice %arg4[%add3A_48, %dma_start3A_60] : memref<12800x128xf32, #tpu.memory_space<hbm>> -> memref<400x128xf32, #tpu.memory_space<hbm>>
      tpu.enqueue_dma source(%arg6 : memref<400x128xf32, #tpu.memory_space<vmem>>) target(%dma_start3A_61 : memref<400x128xf32, #tpu.memory_space<hbm>>) target_semaphore(%arg10 : memref<!tpu.dma_semaphore, #tpu.memory_space<semaphore_mem>>)
    } else {
    }
    %jit3A_17 = arith.constant 2 : i32
    %eq3A_18 = arith.constant 0 : i32
    %eq3A_19 = arith.cmpi eq, %jit3A_17, %eq3A_18 : i32
    %jit3A_20 = arith.constant 1 : i32
    %select_n3A_21 = arith.select %eq3A_19, %jit3A_20, %jit3A_17 : i32
    %rem3A_22 = arith.remsi %scan3A, %select_n3A_21 : i32
    %ne3A_23 = arith.constant 0 : i32
    %ne3A_24 = arith.cmpi ne, %rem3A_22, %ne3A_23 : i32
    %lt3A_25 = arith.constant 0 : i32
    %lt3A_26 = arith.cmpi slt, %rem3A_22, %lt3A_25 : i32
    %lt3A_27 = arith.constant 0 : i32
    %lt3A_28 = arith.cmpi slt, %select_n3A_21, %lt3A_27 : i32
    %ne3A_29 = arith.xori %lt3A_26, %lt3A_28 : i1
    %and3A_30 = arith.andi %ne3A_29, %ne3A_24 : i1
    %add3A_31 = arith.addi %rem3A_22, %select_n3A_21 : i32
    %select_n3A_32 = arith.select %and3A_30, %add3A_31, %rem3A_22 : i32
    %eq3A_33 = arith.constant 1 : i32
    %eq3A_34 = arith.cmpi eq, %select_n3A_32, %eq3A_33 : i32
    %convert_element_type3A_35 = arith.extui %eq3A_34 : i1 to i32
    %cond3A_36 = arith.constant 0 : i32
    %cond3A_37 = arith.cmpi ne, %convert_element_type3A_35, %cond3A_36 : i32
    scf.if %cond3A_37 {
      %ge3A = arith.constant 2 : i32
      %ge3A_42 = arith.cmpi sge, %scan3A, %ge3A : i32
      %convert_element_type3A_43 = arith.extui %ge3A_42 : i1 to i32
      %cond3A_44 = arith.constant 0 : i32
      %cond3A_45 = arith.cmpi ne, %convert_element_type3A_43, %cond3A_44 : i32
      scf.if %cond3A_45 {
        %dma_wait3A_62 = arith.constant 0 : i32
        %dma_wait3A_63 = tpu.memref_slice %arg4[%mul3A_2, %dma_wait3A_62] : memref<12800x128xf32, #tpu.memory_space<hbm>> -> memref<400x128xf32, #tpu.memory_space<hbm>>
        %dma_wait3A_64 = arith.constant 0 : i32
        %dma_wait3A_65 = tpu.memref_slice %arg4[%mul3A_2, %dma_wait3A_64] : memref<12800x128xf32, #tpu.memory_space<hbm>> -> memref<400x128xf32, #tpu.memory_space<hbm>>
        tpu.wait_dma2 semaphore(%arg11 : memref<!tpu.dma_semaphore, #tpu.memory_space<semaphore_mem>>) src(%arg7 : memref<400x128xf32, #tpu.memory_space<vmem>>) dst(%dma_wait3A_65 : memref<400x128xf32, #tpu.memory_space<hbm>>)
      } else {
      }
      %mul3A_46 = arith.constant 400 : i32
      %mul3A_47 = arith.muli %scan3A, %mul3A_46 : i32
      %add3A_48 = arith.addi %mul3A_2, %mul3A_47 : i32
      %mul3A_49 = arith.constant 400 : i32
      %mul3A_50 = arith.muli %scan3A, %mul3A_49 : i32
      %dma_start3A = tpu.memref_slice %arg5[%mul3A_50] : memref<400xi32, #tpu.memory_space<vmem>> -> memref<400xi32, #tpu.memory_space<vmem>>
      %dma_start3A_51 = arith.constant 0 : i32
      %dma_start3A_52 = arith.constant 0 : i32
      %dma_start3A_53 = tpu.memref_slice %arg2[%dma_start3A_51, %dma_start3A_52] : memref<10000x128xf32, #tpu.memory_space<hbm>> -> memref<10000x128xf32, #tpu.memory_space<hbm>>
      tpu.enqueue_indirect_dma source(%dma_start3A_53 : memref<10000x128xf32, #tpu.memory_space<hbm>>) target(%arg7 : memref<400x128xf32, #tpu.memory_space<vmem>>) offsets(%dma_start3A : memref<400xi32, #tpu.memory_space<vmem>>) semaphore(%arg9 : memref<!tpu.dma_semaphore, #tpu.memory_space<semaphore_mem>>)
      %dma_wait3A_54 = tpu.memref_slice %arg5[%mul3A_50] : memref<400xi32, #tpu.memory_space<vmem>> -> memref<400xi32, #tpu.memory_space<vmem>>
      %dma_wait3A_55 = arith.constant 0 : i32
      %dma_wait3A_56 = arith.constant 0 : i32
      %dma_wait3A_57 = tpu.memref_slice %arg2[%dma_wait3A_55, %dma_wait3A_56] : memref<10000x128xf32, #tpu.memory_space<hbm>> -> memref<10000x128xf32, #tpu.memory_space<hbm>>
      tpu.wait_indirect_dma semaphore(%arg9 : memref<!tpu.dma_semaphore, #tpu.memory_space<semaphore_mem>>) src(%dma_wait3A_57 : memref<10000x128xf32, #tpu.memory_space<hbm>>) dst(%arg7 : memref<400x128xf32, #tpu.memory_space<vmem>>)
      %dma_start3A_58 = arith.constant 0 : i32
      %dma_start3A_59 = tpu.memref_slice %arg4[%add3A_48, %dma_start3A_58] : memref<12800x128xf32, #tpu.memory_space<hbm>> -> memref<400x128xf32, #tpu.memory_space<hbm>>
      %dma_start3A_60 = arith.constant 0 : i32
      %dma_start3A_61 = tpu.memref_slice %arg4[%add3A_48, %dma_start3A_60] : memref<12800x128xf32, #tpu.memory_space<hbm>> -> memref<400x128xf32, #tpu.memory_space<hbm>>
      tpu.enqueue_dma source(%arg7 : memref<400x128xf32, #tpu.memory_space<vmem>>) target(%dma_start3A_61 : memref<400x128xf32, #tpu.memory_space<hbm>>) target_semaphore(%arg11 : memref<!tpu.dma_semaphore, #tpu.memory_space<semaphore_mem>>)
    } else {
    }
    %scan3A_38 = arith.constant 1 : i32
    %dma_wait3A = arith.constant 0 : i32
    %dma_wait3A_39 = tpu.memref_slice %arg4[%mul3A_2, %dma_wait3A] : memref<12800x128xf32, #tpu.memory_space<hbm>> -> memref<400x128xf32, #tpu.memory_space<hbm>>
    %dma_wait3A_40 = arith.constant 0 : i32
    %dma_wait3A_41 = tpu.memref_slice %arg4[%mul3A_2, %dma_wait3A_40] : memref<12800x128xf32, #tpu.memory_space<hbm>> -> memref<400x128xf32, #tpu.memory_space<hbm>>
    tpu.wait_dma2 semaphore(%arg10 : memref<!tpu.dma_semaphore, #tpu.memory_space<semaphore_mem>>) src(%arg6 : memref<400x128xf32, #tpu.memory_space<vmem>>) dst(%dma_wait3A_41 : memref<400x128xf32, #tpu.memory_space<hbm>>)
    return
  }
}

module attributes {stable_mosaic.version = 14 : i64} {
  func.func @_mm_alias_body(%arg0: i32, %arg1: memref<6400x128xf32, #tpu.memory_space<vmem>>, %arg2: memref<6400x128xf32, #tpu.memory_space<vmem>>, %arg3: memref<128x128xf32, #tpu.memory_space<vmem>>, %arg4: memref<8x128xf32, #tpu.memory_space<vmem>>, %arg5: memref<6400x128xf32, #tpu.memory_space<vmem>>) attributes {dimension_semantics = [#tpu.dimension_semantics<arbitrary>], iteration_bounds = array<i64: 8>, scalar_prefetch = 0 : i64, scratch_operands = 0 : i64, tpu.core_type = #tpu.core_type<tc>, window_params = [{transform_indices = @transform_0, window_bounds = array<i64: 6400, 128>}, {transform_indices = @transform_1, window_bounds = array<i64: 6400, 128>}, {transform_indices = @transform_2, window_bounds = array<i64: 128, 128>}, {transform_indices = @transform_3, window_bounds = array<i64: 8, 128>}, {transform_indices = @transform_4, window_bounds = array<i64: 6400, 128>}]} {
    %get3A = arith.constant 0 : index
    %get3A_0 = arith.constant 0 : index
    %get3A_1 = vector.load %arg2[%get3A, %get3A_0] : memref<6400x128xf32, #tpu.memory_space<vmem>>, vector<6400x128xf32>
    %get3A_2 = arith.constant 0 : index
    %get3A_3 = arith.constant 0 : index
    %get3A_4 = vector.load %arg1[%get3A_2, %get3A_3] : memref<6400x128xf32, #tpu.memory_space<vmem>>, vector<6400x128xf32>
    %get3A_5 = arith.constant 0 : index
    %get3A_6 = arith.constant 0 : index
    %get3A_7 = vector.load %arg3[%get3A_5, %get3A_6] : memref<128x128xf32, #tpu.memory_space<vmem>>, vector<128x128xf32>
    %dot_general3A = arith.constant dense<0.000000e+00> : vector<6400x128xf32>
    %dot_general3A_8 = tpu.matmul %get3A_4, %get3A_7, %dot_general3A {dimension_numbers = #tpu.dot_dimension_numbers<[1], [1], [0], [0], [0, 0, 1, 0], [], []>, transpose_lhs_hint = false} : vector<6400x128xf32>, vector<128x128xf32>, vector<6400x128xf32> -> vector<6400x128xf32>
    %add3A = arith.addf %get3A_1, %dot_general3A_8 : vector<6400x128xf32>
    %swap3A = arith.constant 0 : index
    %swap3A_9 = arith.constant 0 : index
    %swap3A_10 = vector.load %arg5[%swap3A, %swap3A_9] : memref<6400x128xf32, #tpu.memory_space<vmem>>, vector<6400x128xf32>
    tpu.vector_store %arg5[%swap3A, %swap3A_9], %add3A {strides = array<i32>} : memref<6400x128xf32, #tpu.memory_space<vmem>>, vector<6400x128xf32>,
    return
  }
  func.func @transform_0(%arg0: i32) -> (i32, i32) {
    %add3A = arith.constant 4 : i32
    %add3A_0 = arith.addi %add3A, %arg0 : i32
    %c0_i32 = arith.constant 0 : i32
    %c0_i32_1 = arith.constant 0 : i32
    return %add3A_0, %c0_i32 : i32, i32
  }
  func.func @transform_1(%arg0: i32) -> (i32, i32) {
    %c0_i32 = arith.constant 0 : i32
    %c0_i32_0 = arith.constant 0 : i32
    return %arg0, %c0_i32 : i32, i32
  }
  func.func @transform_2(%arg0: i32) -> (i32, i32) {
    %c0_i32 = arith.constant 0 : i32
    %c1_i32 = arith.constant 1 : i32
    %c0_i32_0 = arith.constant 0 : i32
    return %c0_i32, %c1_i32 : i32, i32
  }
  func.func @transform_3(%arg0: i32) -> (i32, i32) {
    %c0_i32 = arith.constant 0 : i32
    %c0_i32_0 = arith.constant 0 : i32
    %c0_i32_1 = arith.constant 0 : i32
    return %c0_i32, %c0_i32_0 : i32, i32
  }
  func.func @transform_4(%arg0: i32) -> (i32, i32) {
    %add3A = arith.constant 4 : i32
    %add3A_0 = arith.addi %add3A, %arg0 : i32
    %c0_i32 = arith.constant 0 : i32
    %c0_i32_1 = arith.constant 0 : i32
    return %add3A_0, %c0_i32 : i32, i32
  }
}

module attributes {stable_mosaic.version = 14 : i64} {
  func.func @_mm_body(%arg0: i32, %arg1: memref<6400x128xf32, #tpu.memory_space<vmem>>, %arg2: memref<6400x128xf32, #tpu.memory_space<vmem>>, %arg3: memref<128x128xf32, #tpu.memory_space<vmem>>, %arg4: memref<6400x128xf32, #tpu.memory_space<vmem>>) attributes {dimension_semantics = [#tpu.dimension_semantics<arbitrary>], iteration_bounds = array<i64: 4>, scalar_prefetch = 0 : i64, scratch_operands = 0 : i64, tpu.core_type = #tpu.core_type<tc>, window_params = [{transform_indices = @transform_0, window_bounds = array<i64: 6400, 128>}, {transform_indices = @transform_1, window_bounds = array<i64: 6400, 128>}, {transform_indices = @transform_2, window_bounds = array<i64: 128, 128>}, {transform_indices = @transform_3, window_bounds = array<i64: 6400, 128>}]} {
    %get3A = arith.constant 0 : index
    %get3A_0 = arith.constant 0 : index
    %get3A_1 = vector.load %arg2[%get3A, %get3A_0] : memref<6400x128xf32, #tpu.memory_space<vmem>>, vector<6400x128xf32>
    %get3A_2 = arith.constant 0 : index
    %get3A_3 = arith.constant 0 : index
    %get3A_4 = vector.load %arg1[%get3A_2, %get3A_3] : memref<6400x128xf32, #tpu.memory_space<vmem>>, vector<6400x128xf32>
    %get3A_5 = arith.constant 0 : index
    %get3A_6 = arith.constant 0 : index
    %get3A_7 = vector.load %arg3[%get3A_5, %get3A_6] : memref<128x128xf32, #tpu.memory_space<vmem>>, vector<128x128xf32>
    %dot_general3A = arith.constant dense<0.000000e+00> : vector<6400x128xf32>
    %dot_general3A_8 = tpu.matmul %get3A_4, %get3A_7, %dot_general3A {dimension_numbers = #tpu.dot_dimension_numbers<[1], [1], [0], [0], [0, 0, 1, 0], [], []>, transpose_lhs_hint = false} : vector<6400x128xf32>, vector<128x128xf32>, vector<6400x128xf32> -> vector<6400x128xf32>
    %add3A = arith.addf %get3A_1, %dot_general3A_8 : vector<6400x128xf32>
    %swap3A = arith.constant 0 : index
    %swap3A_9 = arith.constant 0 : index
    %swap3A_10 = vector.load %arg4[%swap3A, %swap3A_9] : memref<6400x128xf32, #tpu.memory_space<vmem>>, vector<6400x128xf32>
    tpu.vector_store %arg4[%swap3A, %swap3A_9], %add3A {strides = array<i32>} : memref<6400x128xf32, #tpu.memory_space<vmem>>, vector<6400x128xf32>,
    return
  }
  func.func @transform_0(%arg0: i32) -> (i32, i32) {
    %add3A = arith.constant 0 : i32
    %add3A_0 = arith.addi %add3A, %arg0 : i32
    %c0_i32 = arith.constant 0 : i32
    %c0_i32_1 = arith.constant 0 : i32
    return %add3A_0, %c0_i32 : i32, i32
  }
  func.func @transform_1(%arg0: i32) -> (i32, i32) {
    %c0_i32 = arith.constant 0 : i32
    %c0_i32_0 = arith.constant 0 : i32
    return %arg0, %c0_i32 : i32, i32
  }
  func.func @transform_2(%arg0: i32) -> (i32, i32) {
    %c0_i32 = arith.constant 0 : i32
    %c1_i32 = arith.constant 1 : i32
    %c0_i32_0 = arith.constant 0 : i32
    return %c0_i32, %c1_i32 : i32, i32
  }
  func.func @transform_3(%arg0: i32) -> (i32, i32) {
    %add3A = arith.constant 0 : i32
    %add3A_0 = arith.addi %add3A, %arg0 : i32
    %c0_i32 = arith.constant 0 : i32
    %c0_i32_1 = arith.constant 0 : i32
    return %add3A_0, %c0_i32 : i32, i32
  }
}

module attributes {stable_mosaic.version = 14 : i64} {
  func.func @_mm_alias_body(%arg0: i32, %arg1: memref<6400x128xf32, #tpu.memory_space<vmem>>, %arg2: memref<6400x128xf32, #tpu.memory_space<vmem>>, %arg3: memref<128x128xf32, #tpu.memory_space<vmem>>, %arg4: memref<8x128xf32, #tpu.memory_space<vmem>>, %arg5: memref<6400x128xf32, #tpu.memory_space<vmem>>) attributes {dimension_semantics = [#tpu.dimension_semantics<arbitrary>], iteration_bounds = array<i64: 16>, scalar_prefetch = 0 : i64, scratch_operands = 0 : i64, tpu.core_type = #tpu.core_type<tc>, window_params = [{transform_indices = @transform_0, window_bounds = array<i64: 6400, 128>}, {transform_indices = @transform_1, window_bounds = array<i64: 6400, 128>}, {transform_indices = @transform_2, window_bounds = array<i64: 128, 128>}, {transform_indices = @transform_3, window_bounds = array<i64: 8, 128>}, {transform_indices = @transform_4, window_bounds = array<i64: 6400, 128>}]} {
    %get3A = arith.constant 0 : index
    %get3A_0 = arith.constant 0 : index
    %get3A_1 = vector.load %arg2[%get3A, %get3A_0] : memref<6400x128xf32, #tpu.memory_space<vmem>>, vector<6400x128xf32>
    %get3A_2 = arith.constant 0 : index
    %get3A_3 = arith.constant 0 : index
    %get3A_4 = vector.load %arg1[%get3A_2, %get3A_3] : memref<6400x128xf32, #tpu.memory_space<vmem>>, vector<6400x128xf32>
    %get3A_5 = arith.constant 0 : index
    %get3A_6 = arith.constant 0 : index
    %get3A_7 = vector.load %arg3[%get3A_5, %get3A_6] : memref<128x128xf32, #tpu.memory_space<vmem>>, vector<128x128xf32>
    %dot_general3A = arith.constant dense<0.000000e+00> : vector<6400x128xf32>
    %dot_general3A_8 = tpu.matmul %get3A_4, %get3A_7, %dot_general3A {dimension_numbers = #tpu.dot_dimension_numbers<[1], [1], [0], [0], [0, 0, 1, 0], [], []>, transpose_lhs_hint = false} : vector<6400x128xf32>, vector<128x128xf32>, vector<6400x128xf32> -> vector<6400x128xf32>
    %add3A = arith.addf %get3A_1, %dot_general3A_8 : vector<6400x128xf32>
    %swap3A = arith.constant 0 : index
    %swap3A_9 = arith.constant 0 : index
    %swap3A_10 = vector.load %arg5[%swap3A, %swap3A_9] : memref<6400x128xf32, #tpu.memory_space<vmem>>, vector<6400x128xf32>
    tpu.vector_store %arg5[%swap3A, %swap3A_9], %add3A {strides = array<i32>} : memref<6400x128xf32, #tpu.memory_space<vmem>>, vector<6400x128xf32>,
    return
  }
  func.func @transform_0(%arg0: i32) -> (i32, i32) {
    %add3A = arith.constant 12 : i32
    %add3A_0 = arith.addi %add3A, %arg0 : i32
    %c0_i32 = arith.constant 0 : i32
    %c0_i32_1 = arith.constant 0 : i32
    return %add3A_0, %c0_i32 : i32, i32
  }
  func.func @transform_1(%arg0: i32) -> (i32, i32) {
    %c0_i32 = arith.constant 0 : i32
    %c0_i32_0 = arith.constant 0 : i32
    return %arg0, %c0_i32 : i32, i32
  }
  func.func @transform_2(%arg0: i32) -> (i32, i32) {
    %c0_i32 = arith.constant 0 : i32
    %c1_i32 = arith.constant 1 : i32
    %c0_i32_0 = arith.constant 0 : i32
    return %c0_i32, %c1_i32 : i32, i32
  }
  func.func @transform_3(%arg0: i32) -> (i32, i32) {
    %c0_i32 = arith.constant 0 : i32
    %c0_i32_0 = arith.constant 0 : i32
    %c0_i32_1 = arith.constant 0 : i32
    return %c0_i32, %c0_i32_0 : i32, i32
  }
  func.func @transform_4(%arg0: i32) -> (i32, i32) {
    %add3A = arith.constant 12 : i32
    %add3A_0 = arith.addi %add3A, %arg0 : i32
    %c0_i32 = arith.constant 0 : i32
    %c0_i32_1 = arith.constant 0 : i32
    return %add3A_0, %c0_i32 : i32, i32
  }
}

module attributes {stable_mosaic.version = 14 : i64} {
  func.func @_g_body(%arg0: i32, %arg1: memref<2000x128xf32, #tpu.memory_space<vmem>>, %arg2: memref<128x128xf32, #tpu.memory_space<vmem>>, %arg3: memref<1x128xf32, #tpu.memory_space<vmem>>, %arg4: memref<2000x128xf32, #tpu.memory_space<vmem>>) attributes {dimension_semantics = [#tpu.dimension_semantics<arbitrary>], iteration_bounds = array<i64: 5>, scalar_prefetch = 0 : i64, scratch_operands = 0 : i64, tpu.core_type = #tpu.core_type<tc>, window_params = [{transform_indices = @transform_0, window_bounds = array<i64: 2000, 128>}, {transform_indices = @transform_1, window_bounds = array<i64: 128, 128>}, {pipeline_mode = #tpu.pipeline_mode<synchronous>, transform_indices = @transform_2, window_bounds = array<i64: 1, 128>}, {transform_indices = @transform_3, window_bounds = array<i64: 2000, 128>}]} {
    %get3A = arith.constant 0 : index
    %get3A_0 = arith.constant 0 : index
    %get3A_1 = vector.load %arg1[%get3A, %get3A_0] : memref<2000x128xf32, #tpu.memory_space<vmem>>, vector<2000x128xf32>
    %get3A_2 = arith.constant 0 : index
    %get3A_3 = arith.constant 0 : index
    %get3A_4 = vector.load %arg2[%get3A_2, %get3A_3] : memref<128x128xf32, #tpu.memory_space<vmem>>, vector<128x128xf32>
    %dot_general3A = arith.constant dense<0.000000e+00> : vector<2000x128xf32>
    %dot_general3A_5 = tpu.matmul %get3A_1, %get3A_4, %dot_general3A {dimension_numbers = #tpu.dot_dimension_numbers<[1], [1], [0], [0], [0, 0, 1, 0], [], []>, transpose_lhs_hint = false} : vector<2000x128xf32>, vector<128x128xf32>, vector<2000x128xf32> -> vector<2000x128xf32>
    %get3A_6 = arith.constant 0 : index
    %get3A_7 = arith.constant 0 : index
    %get3A_8 = vector.load %arg3[%get3A_6, %get3A_7] : memref<1x128xf32, #tpu.memory_space<vmem>>, vector<1x128xf32>
    %add3A = vector.broadcast %get3A_8 : vector<1x128xf32> to vector<2000x128xf32>
    %add3A_9 = arith.addf %dot_general3A_5, %add3A : vector<2000x128xf32>
    %swap3A = arith.constant 0 : index
    %swap3A_10 = arith.constant 0 : index
    %swap3A_11 = vector.load %arg4[%swap3A, %swap3A_10] : memref<2000x128xf32, #tpu.memory_space<vmem>>, vector<2000x128xf32>
    tpu.vector_store %arg4[%swap3A, %swap3A_10], %add3A_9 {strides = array<i32>} : memref<2000x128xf32, #tpu.memory_space<vmem>>, vector<2000x128xf32>,
    return
  }
  func.func @transform_0(%arg0: i32) -> (i32, i32) {
    %c0_i32 = arith.constant 0 : i32
    %c0_i32_0 = arith.constant 0 : i32
    return %arg0, %c0_i32 : i32, i32
  }
  func.func @transform_1(%arg0: i32) -> (i32, i32) {
    %c0_i32 = arith.constant 0 : i32
    %c0_i32_0 = arith.constant 0 : i32
    %c0_i32_1 = arith.constant 0 : i32
    return %c0_i32, %c0_i32_0 : i32, i32
  }
  func.func @transform_2(%arg0: i32) -> (i32, i32) {
    %c0_i32 = arith.constant 0 : i32
    %c0_i32_0 = arith.constant 0 : i32
    %c0_i32_1 = arith.constant 0 : i32
    return %c0_i32, %c0_i32_0 : i32, i32
  }
  func.func @transform_3(%arg0: i32) -> (i32, i32) {
    %c0_i32 = arith.constant 0 : i32
    %c0_i32_0 = arith.constant 0 : i32
    return %arg0, %c0_i32 : i32, i32
  }
}

module attributes {stable_mosaic.version = 14 : i64} {
  func.func @_mm_alias_body(%arg0: i32, %arg1: memref<6400x128xf32, #tpu.memory_space<vmem>>, %arg2: memref<6400x128xf32, #tpu.memory_space<vmem>>, %arg3: memref<128x128xf32, #tpu.memory_space<vmem>>, %arg4: memref<8x128xf32, #tpu.memory_space<vmem>>, %arg5: memref<6400x128xf32, #tpu.memory_space<vmem>>) attributes {dimension_semantics = [#tpu.dimension_semantics<arbitrary>], iteration_bounds = array<i64: 16>, scalar_prefetch = 0 : i64, scratch_operands = 0 : i64, tpu.core_type = #tpu.core_type<tc>, window_params = [{transform_indices = @transform_0, window_bounds = array<i64: 6400, 128>}, {transform_indices = @transform_1, window_bounds = array<i64: 6400, 128>}, {transform_indices = @transform_2, window_bounds = array<i64: 128, 128>}, {transform_indices = @transform_3, window_bounds = array<i64: 8, 128>}, {transform_indices = @transform_4, window_bounds = array<i64: 6400, 128>}]} {
    %get3A = arith.constant 0 : index
    %get3A_0 = arith.constant 0 : index
    %get3A_1 = vector.load %arg2[%get3A, %get3A_0] : memref<6400x128xf32, #tpu.memory_space<vmem>>, vector<6400x128xf32>
    %get3A_2 = arith.constant 0 : index
    %get3A_3 = arith.constant 0 : index
    %get3A_4 = vector.load %arg1[%get3A_2, %get3A_3] : memref<6400x128xf32, #tpu.memory_space<vmem>>, vector<6400x128xf32>
    %get3A_5 = arith.constant 0 : index
    %get3A_6 = arith.constant 0 : index
    %get3A_7 = vector.load %arg3[%get3A_5, %get3A_6] : memref<128x128xf32, #tpu.memory_space<vmem>>, vector<128x128xf32>
    %dot_general3A = arith.constant dense<0.000000e+00> : vector<6400x128xf32>
    %dot_general3A_8 = tpu.matmul %get3A_4, %get3A_7, %dot_general3A {dimension_numbers = #tpu.dot_dimension_numbers<[1], [1], [0], [0], [0, 0, 1, 0], [], []>, transpose_lhs_hint = false} : vector<6400x128xf32>, vector<128x128xf32>, vector<6400x128xf32> -> vector<6400x128xf32>
    %add3A = arith.addf %get3A_1, %dot_general3A_8 : vector<6400x128xf32>
    %swap3A = arith.constant 0 : index
    %swap3A_9 = arith.constant 0 : index
    %swap3A_10 = vector.load %arg5[%swap3A, %swap3A_9] : memref<6400x128xf32, #tpu.memory_space<vmem>>, vector<6400x128xf32>
    tpu.vector_store %arg5[%swap3A, %swap3A_9], %add3A {strides = array<i32>} : memref<6400x128xf32, #tpu.memory_space<vmem>>, vector<6400x128xf32>,
    return
  }
  func.func @transform_0(%arg0: i32) -> (i32, i32) {
    %add3A = arith.constant 28 : i32
    %add3A_0 = arith.addi %add3A, %arg0 : i32
    %c0_i32 = arith.constant 0 : i32
    %c0_i32_1 = arith.constant 0 : i32
    return %add3A_0, %c0_i32 : i32, i32
  }
  func.func @transform_1(%arg0: i32) -> (i32, i32) {
    %c0_i32 = arith.constant 0 : i32
    %c0_i32_0 = arith.constant 0 : i32
    return %arg0, %c0_i32 : i32, i32
  }
  func.func @transform_2(%arg0: i32) -> (i32, i32) {
    %c0_i32 = arith.constant 0 : i32
    %c1_i32 = arith.constant 1 : i32
    %c0_i32_0 = arith.constant 0 : i32
    return %c0_i32, %c1_i32 : i32, i32
  }
  func.func @transform_3(%arg0: i32) -> (i32, i32) {
    %c0_i32 = arith.constant 0 : i32
    %c0_i32_0 = arith.constant 0 : i32
    %c0_i32_1 = arith.constant 0 : i32
    return %c0_i32, %c0_i32_0 : i32, i32
  }
  func.func @transform_4(%arg0: i32) -> (i32, i32) {
    %add3A = arith.constant 28 : i32
    %add3A_0 = arith.addi %add3A, %arg0 : i32
    %c0_i32 = arith.constant 0 : i32
    %c0_i32_1 = arith.constant 0 : i32
    return %add3A_0, %c0_i32 : i32, i32
  }
}

module attributes {stable_mosaic.version = 14 : i64} {
  func.func @_mm_alias_body(%arg0: i32, %arg1: memref<6400x128xf32, #tpu.memory_space<vmem>>, %arg2: memref<6400x128xf32, #tpu.memory_space<vmem>>, %arg3: memref<128x128xf32, #tpu.memory_space<vmem>>, %arg4: memref<8x128xf32, #tpu.memory_space<vmem>>, %arg5: memref<6400x128xf32, #tpu.memory_space<vmem>>) attributes {dimension_semantics = [#tpu.dimension_semantics<arbitrary>], iteration_bounds = array<i64: 4>, scalar_prefetch = 0 : i64, scratch_operands = 0 : i64, tpu.core_type = #tpu.core_type<tc>, window_params = [{transform_indices = @transform_0, window_bounds = array<i64: 6400, 128>}, {transform_indices = @transform_1, window_bounds = array<i64: 6400, 128>}, {transform_indices = @transform_2, window_bounds = array<i64: 128, 128>}, {transform_indices = @transform_3, window_bounds = array<i64: 8, 128>}, {transform_indices = @transform_4, window_bounds = array<i64: 6400, 128>}]} {
    %get3A = arith.constant 0 : index
    %get3A_0 = arith.constant 0 : index
    %get3A_1 = vector.load %arg2[%get3A, %get3A_0] : memref<6400x128xf32, #tpu.memory_space<vmem>>, vector<6400x128xf32>
    %get3A_2 = arith.constant 0 : index
    %get3A_3 = arith.constant 0 : index
    %get3A_4 = vector.load %arg1[%get3A_2, %get3A_3] : memref<6400x128xf32, #tpu.memory_space<vmem>>, vector<6400x128xf32>
    %get3A_5 = arith.constant 0 : index
    %get3A_6 = arith.constant 0 : index
    %get3A_7 = vector.load %arg3[%get3A_5, %get3A_6] : memref<128x128xf32, #tpu.memory_space<vmem>>, vector<128x128xf32>
    %dot_general3A = arith.constant dense<0.000000e+00> : vector<6400x128xf32>
    %dot_general3A_8 = tpu.matmul %get3A_4, %get3A_7, %dot_general3A {dimension_numbers = #tpu.dot_dimension_numbers<[1], [1], [0], [0], [0, 0, 1, 0], [], []>, transpose_lhs_hint = false} : vector<6400x128xf32>, vector<128x128xf32>, vector<6400x128xf32> -> vector<6400x128xf32>
    %add3A = arith.addf %get3A_1, %dot_general3A_8 : vector<6400x128xf32>
    %swap3A = arith.constant 0 : index
    %swap3A_9 = arith.constant 0 : index
    %swap3A_10 = vector.load %arg5[%swap3A, %swap3A_9] : memref<6400x128xf32, #tpu.memory_space<vmem>>, vector<6400x128xf32>
    tpu.vector_store %arg5[%swap3A, %swap3A_9], %add3A {strides = array<i32>} : memref<6400x128xf32, #tpu.memory_space<vmem>>, vector<6400x128xf32>,
    return
  }
  func.func @transform_0(%arg0: i32) -> (i32, i32) {
    %add3A = arith.constant 44 : i32
    %add3A_0 = arith.addi %add3A, %arg0 : i32
    %c0_i32 = arith.constant 0 : i32
    %c0_i32_1 = arith.constant 0 : i32
    return %add3A_0, %c0_i32 : i32, i32
  }
  func.func @transform_1(%arg0: i32) -> (i32, i32) {
    %c0_i32 = arith.constant 0 : i32
    %c0_i32_0 = arith.constant 0 : i32
    return %arg0, %c0_i32 : i32, i32
  }
  func.func @transform_2(%arg0: i32) -> (i32, i32) {
    %c0_i32 = arith.constant 0 : i32
    %c1_i32 = arith.constant 1 : i32
    %c0_i32_0 = arith.constant 0 : i32
    return %c0_i32, %c1_i32 : i32, i32
  }
  func.func @transform_3(%arg0: i32) -> (i32, i32) {
    %c0_i32 = arith.constant 0 : i32
    %c0_i32_0 = arith.constant 0 : i32
    %c0_i32_1 = arith.constant 0 : i32
    return %c0_i32, %c0_i32_0 : i32, i32
  }
  func.func @transform_4(%arg0: i32) -> (i32, i32) {
    %add3A = arith.constant 44 : i32
    %add3A_0 = arith.addi %add3A, %arg0 : i32
    %c0_i32 = arith.constant 0 : i32
    %c0_i32_1 = arith.constant 0 : i32
    return %add3A_0, %c0_i32 : i32, i32
  }
}

module attributes {stable_mosaic.version = 14 : i64} {
  func.func @_mm_alias_body(%arg0: i32, %arg1: memref<6400x128xf32, #tpu.memory_space<vmem>>, %arg2: memref<6400x128xf32, #tpu.memory_space<vmem>>, %arg3: memref<128x128xf32, #tpu.memory_space<vmem>>, %arg4: memref<8x128xf32, #tpu.memory_space<vmem>>, %arg5: memref<6400x128xf32, #tpu.memory_space<vmem>>) attributes {dimension_semantics = [#tpu.dimension_semantics<arbitrary>], iteration_bounds = array<i64: 2>, scalar_prefetch = 0 : i64, scratch_operands = 0 : i64, tpu.core_type = #tpu.core_type<tc>, window_params = [{transform_indices = @transform_0, window_bounds = array<i64: 6400, 128>}, {transform_indices = @transform_1, window_bounds = array<i64: 6400, 128>}, {transform_indices = @transform_2, window_bounds = array<i64: 128, 128>}, {transform_indices = @transform_3, window_bounds = array<i64: 8, 128>}, {transform_indices = @transform_4, window_bounds = array<i64: 6400, 128>}]} {
    %get3A = arith.constant 0 : index
    %get3A_0 = arith.constant 0 : index
    %get3A_1 = vector.load %arg2[%get3A, %get3A_0] : memref<6400x128xf32, #tpu.memory_space<vmem>>, vector<6400x128xf32>
    %get3A_2 = arith.constant 0 : index
    %get3A_3 = arith.constant 0 : index
    %get3A_4 = vector.load %arg1[%get3A_2, %get3A_3] : memref<6400x128xf32, #tpu.memory_space<vmem>>, vector<6400x128xf32>
    %get3A_5 = arith.constant 0 : index
    %get3A_6 = arith.constant 0 : index
    %get3A_7 = vector.load %arg3[%get3A_5, %get3A_6] : memref<128x128xf32, #tpu.memory_space<vmem>>, vector<128x128xf32>
    %dot_general3A = arith.constant dense<0.000000e+00> : vector<6400x128xf32>
    %dot_general3A_8 = tpu.matmul %get3A_4, %get3A_7, %dot_general3A {dimension_numbers = #tpu.dot_dimension_numbers<[1], [1], [0], [0], [0, 0, 1, 0], [], []>, transpose_lhs_hint = false} : vector<6400x128xf32>, vector<128x128xf32>, vector<6400x128xf32> -> vector<6400x128xf32>
    %add3A = arith.addf %get3A_1, %dot_general3A_8 : vector<6400x128xf32>
    %swap3A = arith.constant 0 : index
    %swap3A_9 = arith.constant 0 : index
    %swap3A_10 = vector.load %arg5[%swap3A, %swap3A_9] : memref<6400x128xf32, #tpu.memory_space<vmem>>, vector<6400x128xf32>
    tpu.vector_store %arg5[%swap3A, %swap3A_9], %add3A {strides = array<i32>} : memref<6400x128xf32, #tpu.memory_space<vmem>>, vector<6400x128xf32>,
    return
  }
  func.func @transform_0(%arg0: i32) -> (i32, i32) {
    %add3A = arith.constant 48 : i32
    %add3A_0 = arith.addi %add3A, %arg0 : i32
    %c0_i32 = arith.constant 0 : i32
    %c0_i32_1 = arith.constant 0 : i32
    return %add3A_0, %c0_i32 : i32, i32
  }
  func.func @transform_1(%arg0: i32) -> (i32, i32) {
    %c0_i32 = arith.constant 0 : i32
    %c0_i32_0 = arith.constant 0 : i32
    return %arg0, %c0_i32 : i32, i32
  }
  func.func @transform_2(%arg0: i32) -> (i32, i32) {
    %c0_i32 = arith.constant 0 : i32
    %c1_i32 = arith.constant 1 : i32
    %c0_i32_0 = arith.constant 0 : i32
    return %c0_i32, %c1_i32 : i32, i32
  }
  func.func @transform_3(%arg0: i32) -> (i32, i32) {
    %c0_i32 = arith.constant 0 : i32
    %c0_i32_0 = arith.constant 0 : i32
    %c0_i32_1 = arith.constant 0 : i32
    return %c0_i32, %c0_i32_0 : i32, i32
  }
  func.func @transform_4(%arg0: i32) -> (i32, i32) {
    %add3A = arith.constant 48 : i32
    %add3A_0 = arith.addi %add3A, %arg0 : i32
    %c0_i32 = arith.constant 0 : i32
    %c0_i32_1 = arith.constant 0 : i32
    return %add3A_0, %c0_i32 : i32, i32
  }
}

</mosaic_0001>

<sc_bundles>
// kernel: kernel.15.cloned.1.call-start
scs
__scs_entry_jumppad:
0x0: {  	(pc) =	sbr.rel $0x88, $3  }
0x1: {  	(tag) =	ssettag $0x0;
	lr =	simm.s32 $0x1  }
0x2: {  	[smem:$0x3F9C] =	sst lr;
	_ =	strace $0xD0000000  }
0x3: {  	_ = 	snop  }
0x4: {  	_ = 	snop  }
0x5: {  	_ = 	snop  }
0x6: {  	_ = 	snop  }
0x7: {  	_ = 	snop  }
__scs_overlays_trampoline_lowered:
0x8: {  	[smem:$0x3FAB] =	sst s0  }
0x9: {  	[smem:$0x3FAC] =	sst s1  }
0xa: {  	[smem:$0x3FAD] =	sst s2  }
0xb: {  	[smem:$0x3FAE] =	sst s3  }
0xc: {  	[smem:$0x3FAF] =	sst s4  }
0xd: {  	[smem:$0x3FB0] =	sst s5  }
0xe: {  	[smem:$0x3FB1] =	sst s6  }
0xf: {  	[smem:$0x3FB2] =	sst s7  }
0x10: {  	[smem:$0x3FB3] =	sst s8  }
0x11: {  	[smem:$0x3FB4] =	sst s9;
	s0 =	simm.s32 @!p0 $0x0  }
0x12: {  	s1 =	sld [smem:$0x3F9A];
	s0 =	simm.s32 @p0 $0x1  }
0x13: {  	[smem:$0x3FB5] =	sst s0;
	s0 =	simm.s32 @!p1 $0x0  }
0x14: {  	s2 =	sld [smem:$0x3F99];
	s0 =	simm.s32 @p1 $0x1  }
0x15: {  	[smem:$0x3FB6] =	sst s0;
	s0 =	simm.s32 @!p2 $0x0  }
0x16: {  	s3 =	sld [smem:$0x3FDB];
	s0 =	simm.s32 @p2 $0x1  }
0x17: {  	s4 =	simm.s32 $0x1BF5;
	[smem:$0x3FB8] =	sst s0  }
0x18: {  	s0 =	sld [smem:$0x3F9B];
	_ =	swait.ge [sflag:s4], $0x0  }
0x19: {  	s7 =	sld [smem:$0x3F9C]  }
0x1a: {  	s8 =	sadd.s32 $0xFFFFE003, lr  }
0x1b: {  	s9 =	sadd.s32 $0xFFFFFEF7, lr;
	s5 =	simm.s32 $0xFFFFFFFF;
	p2 =	slt.u32 s8, $0xFFFFF086  }
0x1c: {  	p1 =	slt.u32 s9, $0xF7A;
	s5 =	simm.s32 @!p2 $0x0  }
0x1d: {  	s5 =	simm.s32 @p1 $0x1;
	p0 =	seq.s32 s7, s2  }
0x1e: {  	s7 =	smul.u32 @!p0 $0xF7A, s2;
	p2 =	seq.s32 @!p0 s5, $0x0  }
0x1f: {  	s9 =	smul.u32 $0xF7A, s1;
	s8 =	simm.s32 @!p0 $0x1BF5;
	p2 =	por !p2, p0  }
0x20: {  	[sflag:s8] =	ssyncset.s32 @!p0 $0xFFFFF086;
	s6 =	sadd.s32 @!p0 s3, s7;
	s7 =	simm.s32 @!p0 $0x108  }
0x21: {  	s3 =	sadd.s32 s3, s9;
	s6 =	sadd.s32 @!p0 $0x88, s6;
	s7 =	simm.s32 @p2 $0x1082  }
0x22: {  	[simem:s7], [sflag:s8] =	dma.local @!p0 [hbm:s6], $0xF7A  }
0x23: {  	s9 =	sor.u32 $0xD0000000, s2;
	s6 =	simm.s32 $0x108;
	_ =	swait.ge @!p0 [sflag:s8], $0x0  }
0x24: {  	s3 =	sadd.s32 $0x88, s3;
	s6 =	simm.s32 @!p1 $0x1082;
	[sflag:s4] =	ssyncset.s32 $0xFFFFF086  }
0x25: {  	[simem:s6], [sflag:s4] =	dma.local [hbm:s3], $0xF7A  }
0x26: {  	[smem:$0x3F9C] =	sst s1;
	(tag) =	ssettag s2;
	_ =	strace s9  }
0x27: {  	s1 =	sld [smem:$0x3FAC]  }
0x28: {  	s2 =	sld [smem:$0x3FAD]  }
0x29: {  	s4 =	sld [smem:$0x3FAF]  }
0x2a: {  	p0 =	seq.s32 s5, $0x0;
	s5 =	sld [smem:$0x3FB0]  }
0x2b: {  	s6 =	sld [smem:$0x3FB1]  }
0x2c: {  	s7 =	sld [smem:$0x3FB2]  }
0x2d: {  	s3 =	simm.s32 $0x108;
	s8 =	sld [smem:$0x3FB3]  }
0x2e: {  	s3 =	simm.s32 @!p0 $0x1082;
	s9 =	sld [smem:$0x3FB4]  }
0x2f: {  	lr =	sadd.s32 s0, s3;
	s0 =	sld [smem:$0x3FAB]  }
0x30: {  	s3 =	sld [smem:$0x3FAE]  }
0x31: {  	[smem:$0x3FB7] =	sst s10  }
0x32: {  	s10 =	sld [smem:$0x3FB5];
	_ =	sdelay $0x3  }
0x33: {  	p0 =	seq.s32 s10, $0x1;
	s10 =	sld [smem:$0x3FB7];
	_ =	sdelay $0x3  }
0x34: {  	[smem:$0x3FB7] =	sst s10  }
0x35: {  	s10 =	sld [smem:$0x3FB6];
	_ =	sdelay $0x3  }
0x36: {  	p1 =	seq.s32 s10, $0x1;
	s10 =	sld [smem:$0x3FB7];
	_ =	sdelay $0x3  }
0x37: {  	[smem:$0x3FB7] =	sst s10  }
0x38: {  	s10 =	sld [smem:$0x3FB8]  }
0x39: {  	_ = 	snop;
	(pc) =	sbr.ind lr, $3  }
0x3a: {  	_ = 	snop  }
0x3b: {  	_ = 	snop  }
0x3c: {  	p2 =	seq.s32 s10, $0x1;
	s10 =	sld [smem:$0x3FB7]  }
0x3d: {  	_ =	shalt  }
0x3e: {  	_ =	shalt  }
0x3f: {  	_ =	shalt  }
0x40: {  	_ =	shalt  }
0x41: {  	_ =	shalt  }
0x42: {  	_ =	shalt  }
0x43: {  	_ =	shalt  }
0x44: {  	_ =	shalt  }
0x45: {  	_ =	shalt  }
0x46: {  	_ =	shalt  }
0x47: {  	_ =	shalt  }
0x48: {  	_ =	shalt  }
0x49: {  	_ =	shalt  }
0x4a: {  	_ =	shalt  }
0x4b: {  	_ =	shalt  }
0x4c: {  	_ =	shalt  }
0x4d: {  	_ =	shalt  }
0x4e: {  	_ =	shalt  }
0x4f: {  	_ =	shalt  }
0x50: {  	_ =	shalt  }
0x51: {  	_ =	shalt  }
0x52: {  	_ =	shalt  }
0x53: {  	_ =	shalt  }
0x54: {  	_ =	shalt  }
0x55: {  	_ =	shalt  }
0x56: {  	_ =	shalt  }
0x57: {  	_ =	shalt  }
0x58: {  	_ =	shalt  }
0x59: {  	_ =	shalt  }
0x5a: {  	_ =	shalt  }
0x5b: {  	_ =	shalt  }
0x5c: {  	_ =	shalt  }
0x5d: {  	_ =	shalt  }
0x5e: {  	_ =	shalt  }
0x5f: {  	_ =	shalt  }
0x60: {  	_ =	shalt  }
0x61: {  	_ =	shalt  }
0x62: {  	_ =	shalt  }
0x63: {  	_ =	shalt  }
0x64: {  	_ =	shalt  }
0x65: {  	_ =	shalt  }
0x66: {  	_ =	shalt  }
0x67: {  	_ =	shalt  }
0x68: {  	_ =	shalt  }
0x69: {  	_ =	shalt  }
0x6a: {  	_ =	shalt  }
0x6b: {  	_ =	shalt  }
0x6c: {  	_ =	shalt  }
0x6d: {  	_ =	shalt  }
0x6e: {  	_ =	shalt  }
0x6f: {  	_ =	shalt  }
0x70: {  	_ =	shalt  }
0x71: {  	_ =	shalt  }
0x72: {  	_ =	shalt  }
0x73: {  	_ =	shalt  }
0x74: {  	_ =	shalt  }
0x75: {  	_ =	shalt  }
0x76: {  	_ =	shalt  }
0x77: {  	_ =	shalt  }
0x78: {  	_ =	shalt  }
0x79: {  	_ =	shalt  }
0x7a: {  	_ =	shalt  }
0x7b: {  	_ =	shalt  }
0x7c: {  	_ =	shalt  }
0x7d: {  	_ =	shalt  }
0x7e: {  	_ =	shalt  }
0x7f: {  	_ =	shalt  }
0x80: {  	_ =	shalt  }
0x81: {  	_ =	shalt  }
0x82: {  	_ =	shalt  }
0x83: {  	_ =	shalt  }
0x84: {  	_ =	shalt  }
0x85: {  	_ =	shalt  }
0x86: {  	_ =	shalt  }
0x87: {  	_ =	shalt  }
.Lfunc_end0:
.L_simem_size_0:
called_computation_lowered:
.L_overlay_start_0:
0x88: {  	s2 =	sld [smem:$0x3FD9]  }
0x89: {  	s3 =	sld [smem:$0x3FFE];
	_ =	sdelay $0x1  }
0x8a: {  	s1 =	srdreg.scid  }
0x8b: {  	s0 =	sand.u32 $0x1, s1  }
0x8c: {  	s17 =	sshll.u32 s0, $0xA;
	s2 =	sadd.s32 s3, s2  }
0x8d: {  	s2 =	sadd.s32 s2, s17  }
0x8e: {  	[smem:$0x3FC3] =	sst s2  }
0x8f: {  	_ = 	snop  }
0x90: {  	s2 =	sld [smem:$0x3FC7]  }
0x91: {  	s18 =	sld [smem:$0x3FD0];
	(tm) =	ssettm $0x1  }
0x92: {  	s4 =	sld [smem:$0x3FFB];
	_ =	sdelay $0x3  }
0x93: {  	_ =	strace s4  }
0x94: {  	s4 =	sld [smem:$0x3FFC];
	_ =	sdelay $0x3  }
0x95: {  	_ =	strace s4  }
0x96: {  	s4 =	sld [smem:$0x3FFD];
	_ =	sdelay $0x3  }
0x97: {  	_ =	strace s4  }
0x98: {  	_ =	strace $0x8FFFFFFF  }
0x99: {  	s19 =	sld [smem:$0x3FDB];
	_ =	sdelay $0x1  }
0x9a: {  	s5 =	simm.s32 $_scs_section_size  }
0x9b: {  	s6 =	simm.s32 $_size__tile_overlayer_lowered;
	s7 =	simm.s32 $_tile_overlayer_lowered  }
0x9c: {  	s22 =	simm.s32 $0x1BFF;
	s21 =	sshll.u32 s7, $0x1;
	s4 =	sadd.s32 s5, s19  }
0x9d: {  	s8 =	simm.s32 $0x0;
	s20 =	sshll.u32 s6, $0x1;
	s6 =	sadd.s32 s21, s4  }
0x9e: {  	[timem:s8], [sflag:s22] =	dma.local [hbm:s6], s20  }
0x9f: {  	_ =	swait.ge [sflag:s22], s20  }
0xa0: {  	s5 =	ssub.s32 $0x0, s20;
	[sflag:s22] =	ssyncset.done $0x0  }
0xa1: {  	[sflag:s22] =	ssyncadd.s32 s5;
	_ =	sdelay $0x1  }
0xa2: {  	s23 =	simm.s32 $0x1B8B  }
0xa3: {  	_ =	swait.ge [sflag:s23], $0x1  }
0xa4: {  	[sflag:s23] =	ssyncset.done $0x0  }
0xa5: {  	s25 =	simm.s32 $0x1B8E;
	s24 =	sld [smem:$0x3FFE];
	[sflag:s23] =	ssyncadd.s32 $0xFFFFFFFF  }
0xa6: {  	s26 =	simm.s32 $execute0_lowered;
	[smem:$0x3FD2] =	sst s25  }
0xa7: {  	s6 =	sshll.u32 s26, $0x1;
	_ =	strace $0x80000046;
	[dreg:$0x1] =	wrdreg $0xFFFFFFFF  }
0xa8: {  	s28 =	simm.s32 $_size_execute0_lowered;
	s4 =	sadd.s32 s4, s6;
	[dreg:$0x0] =	wrdreg $0x0  }
0xa9: {  	s6 =	sshll.u32 s28, $0x1;
	[dreg:$0x2] =	wrdreg s4  }
0xaa: {  	[dreg:$0x3] =	wrdreg s6  }
0xab: {  	[dreg:$0x4] =	wrdreg $0xC0  }
0xac: {  	_ =	task [dreg:s8], $0x5FFFF  }
0xad: {  	[dreg:$0x1] =	wrdreg $0xFFFFFFFF  }
0xae: {  	[dreg:$0x0] =	wrdreg $0x60  }
0xaf: {  	[dreg:$0x2] =	wrdreg s24  }
0xb0: {  	[dreg:$0x3] =	wrdreg s2  }
0xb1: {  	[dreg:$0x4] =	wrdreg s18  }
0xb2: {  	[dreg:$0x5] =	wrdreg $0x9  }
0xb3: {  	_ =	task.clear_ibuf [dreg:s8], $0x6FFFF;
	_ =	strace $0x90000046  }
0xb4: {  	s29 =	simm.s32 $0x9;
	_ =	strace $0x80000048  }
0xb5: {  	_ =	swait.ge [sflag:s29], $0x1  }
0xb6: {  	[sflag:s29] =	ssyncadd.s32 $0xFFFFFFFF  }
0xb7: {  	_ =	strace $0x90000048  }
0xb8: {  	_ =	sfence  }
0xb9: {  	s30 =	sld [smem:$0x0];
	_ =	sdelay $0x2  }
0xba: {  	s31 =	sshll.u32 s1, $0xD;
	s1 =	sshrl.u32 s1, $0x2  }
0xbb: {  	s3 =	sand.u32 $0x4000, s31;
	s1 =	sadd.s32 s1, s30  }
0xbc: {  	s0 =	sor.u32 s3, s0;
	s1 =	sshll.u32 s1, $0x11  }
0xbd: {  	s0 =	sor.u32 s1, s0  }
0xbe: {  	s0 =	sadd.s32 $0x8F2B, s0  }
0xbf: {  	[sflag:s0] =	ssyncadd.remote.s32 $0x1  }
0xc0: {  	_ =	sfence.sel $0xFFFF  }
0xc1: {  	[dreg:$0x0] =	wrdreg $0xFFFFFFFF;
	(pc) =	sbr.abs _section_cstart, $3  }
0xc2: {  	[dreg:$0x1] =	wrdreg $0xFFFFFFFF  }
0xc3: {  	_ =	task.clear_ibuf [dreg:s8], $0x2FFFF;
	_ =	strace $0x9FFFFFFF  }
0xc4: {  	(tm) =	ssettm $0x7FFFFFFF  }
0xc5: {  	_ =	shalt  }
tec
execute0_lowered:
.L_overlay_start_1:
0x0: {  	(tag) =	ssettag $0x1  }
0x1: {  	s5 =	rddreg [dreg:$0x0]  }
0x2: {  	s1 =	srdreg.scid;
	s0 =	stileid.u32  }
0x3: {  	s3 =	rddreg [dreg:$0x1];
	s12 =	sand.u32 $0x1, s1;
	s31 =	sshll.u32 s0, $0x1  }
0x4: {  	s9 =	rddreg [dreg:$0x2];
	s10 =	sor.u32 s12, s31  }
0x5: {  	s2 =	simm.s32 $0x0;
	s1 =	rddreg [dreg:$0x3];
	s4 =	smul.u32 $0x64, s10  }
0x6: {  	[smem:$0x7FF] =	sst s2  }
0x7: {  	_ =	strace $0x80000047;
	s3 =	sadd.s32 s3, s4;
	s4 =	simm.s32 $0x5  }
0x8: {  	[tilespmem:s2], [sflag:$0x5] =	stream.linear.gather [hbm4b:s3+s2], $0x320, $0x38;
	[tilespmem:$0x19380] =	vst v63  }
0x9: {  	_ =	swait.ge [sflag:s4], $0x320  }
0xa: {  	s6 =	simm.s32 $0x190;
	s7 =	simm.s32 $0x380;
	[sflag:s4] =	ssyncset.done $0x0  }
0xb: {  	s8 =	simm.s32 $0x1;
	s5 =	sadd.s32 $0x2800, s5;
	[sflag:s4] =	ssyncadd.s32 $0xFFFFFCE0  }
0xc: {  	[tilespmem:s7], [sflag:$0x1] =	stream.indirect.gather [hbm4b:s5+s6], $0x80, s2, s6, $0xb8;
	[tilespmem:$0x19380] =	vst v63  }
0xd: {  	s10 =	smul.u32 $0x3200, s10;
	_ =	swait.ge [sflag:s8], $0xC800  }
0xe: {  	[sflag:s8] =	ssyncset.done $0x0  }
0xf: {  	s14 =	ssub.s32 $0x2, s12;
	s9 =	sadd.s32 s9, s10;
	[sflag:s8] =	ssyncadd.s32 $0xFFFF3800  }
0x10: {  	[hbm4b:s9+s2] =	stream.linear.scatter [tilespmem:s7], [sflag:$0x3], $0xC800, $0x38;
	[tilespmem:$0x19380] =	vst v63  }
0x11: {  	s11 =	simm.s32 $0x2;
	s15 =	sshrl.u32 s14, $0x1;
	s10 =	simm.s32 $0xCB80  }
0x12: {  	[tilespmem:s10], [sflag:$0x2] =	stream.indirect.gather [hbm4b:s5+s6], $0x80, s6, s6, $0xb8;
	[tilespmem:$0x19380] =	vst v63  }
0x13: {  	s14 =	ssub.s32 s14, s15;
	_ =	swait.ge [sflag:s11], $0xC800  }
0x14: {  	s13 =	simm.s32 $0x3;
	s15 =	smax.u32 s14, $0x1;
	[sflag:s11] =	ssyncset.done $0x0  }
0x15: {  	s12 =	sadd.s32 $0x1900, s9;
	p0 =	sne.s32 s15, $0x1;
	[sflag:s11] =	ssyncadd.s32 $0xFFFF3800  }
0x16: {  	[hbm4b:s12+s2] =	stream.linear.scatter [tilespmem:s10], [sflag:$0x4], $0xC800, $0x38;
	[tilespmem:$0x19380] =	vst v63  }
.Ltmp0:
0x17: {  	_ =	swait.ge [sflag:s13], $0xC800;
	(pc) =	sbr.rel @!p0 .LBB2_2-.Ltmp0, $4  }
0x18: {  	[sflag:s13] =	ssyncset.done $0x0  }
0x19: {  	s14 =	simm.s32 $0x4;
	[sflag:s13] =	ssyncadd.s32 $0xFFFF3800  }
0x1a: {  	_ =	swait.ge [sflag:s14], $0xC800  }
0x1b: {  	s15 =	sadd.s32 $0xFFFFFFFF, s15;
	[sflag:s14] =	ssyncset.done $0x0  }
.LBB2_1:
0x1c: {  	p0 =	sne.s32 s15, $0x1;
	s15 =	sadd.s32 $0xFFFFFFFF, s15;
	[sflag:s14] =	ssyncadd.s32 $0xFFFF3800  }
0x1d: {  	[tilespmem:s2], [sflag:$0x5] =	stream.linear.gather [hbm4b:s3+s2], $0x320, $0x38;
	[tilespmem:$0x19380] =	vst v63  }
0x1e: {  	_ =	swait.ge [sflag:s4], $0x320  }
0x1f: {  	[sflag:s4] =	ssyncset.done $0x0  }
0x20: {  	[sflag:s4] =	ssyncadd.s32 $0xFFFFFCE0  }
0x21: {  	[tilespmem:s7], [sflag:$0x1] =	stream.indirect.gather [hbm4b:s5+s6], $0x80, s2, s6, $0xb8;
	[tilespmem:$0x19380] =	vst v63  }
0x22: {  	_ =	swait.ge [sflag:s8], $0xC800  }
0x23: {  	[sflag:s8] =	ssyncset.done $0x0  }
0x24: {  	[sflag:s8] =	ssyncadd.s32 $0xFFFF3800  }
0x25: {  	[hbm4b:s9+s2] =	stream.linear.scatter [tilespmem:s7], [sflag:$0x3], $0xC800, $0x38;
	[tilespmem:$0x19380] =	vst v63  }
0x26: {  	_ = 	snop  }
0x27: {  	[tilespmem:s10], [sflag:$0x2] =	stream.indirect.gather [hbm4b:s5+s6], $0x80, s6, s6, $0xb8;
	[tilespmem:$0x19380] =	vst v63  }
0x28: {  	_ =	swait.ge [sflag:s11], $0xC800  }
0x29: {  	[sflag:s11] =	ssyncset.done $0x0  }
0x2a: {  	[sflag:s11] =	ssyncadd.s32 $0xFFFF3800  }
0x2b: {  	[hbm4b:s12+s2] =	stream.linear.scatter [tilespmem:s10], [sflag:$0x4], $0xC800, $0x38;
	[tilespmem:$0x19380] =	vst v63  }
.Ltmp1:
0x2c: {  	_ =	swait.ge [sflag:s13], $0xC800;
	(pc) =	sbr.rel @p0 .LBB2_1-.Ltmp1, $4  }
0x2d: {  	[sflag:s13] =	ssyncset.done $0x0  }
0x2e: {  	[sflag:s13] =	ssyncadd.s32 $0xFFFF3800  }
0x2f: {  	_ =	swait.ge [sflag:s14], $0xC800  }
0x30: {  	[sflag:s14] =	ssyncset.done $0x0  }
.LBB2_2:
0x31: {  	[sflag:s14] =	ssyncadd.s32 $0xFFFF3800  }
0x32: {  	_ =	sfence.sel $0x180000  }
0x33: {  	[bflag:$0x0] =	sbarrier.arrive $0xFFFF  }
0x34: {  	p0 =	sne.s32 s0, $0x0;
	_ =	strace $0x90000047  }
0x35: {  	s0 =	sadd.s32 @!p0 $0x100000, s1;
	[bflag:$0x2] =	sbarrier.arrive $0xFFFF  }
0x36: {  	[sflag:s0] =	ssyncadd.tile.s32 @!p0 $0x1;
	_ =	shalt  }
.Lfunc_end2:
_tile_overlayer_lowered:
.L_overlay_start_2:
0x37: {  	(tag) =	ssettag $0x2  }
0x38: {  	s0 =	rddreg [dreg:$0x0];
	s2 =	stileid.u32  }
0x39: {  	s1 =	rddreg [dreg:$0x1];
	p0 =	sne.s32 s2, $0x0  }
0x3a: {  	s3 =	rddreg [dreg:$0x2];
	[bflag:$0x3] =	sbarrier.arrive $0xFFFF;
	s2 =	simm.s32 @!p0 $0x1C05  }
0x3b: {  	[timem:s3], [sflag:s2] =	dma.local @!p0 [hbm:s0], s1  }
0x3c: {  	s0 =	simm.s32 @!p0 $0x5  }
0x3d: {  	_ =	swait.ge @!p0 [sflag:s0], s1  }
0x3e: {  	s1 =	ssub.s32 @!p0 $0x0, s1;
	[sflag:s0] =	ssyncset.done @!p0 $0x0  }
0x3f: {  	[sflag:s0] =	ssyncadd.s32 @!p0 s1  }
0x40: {  	[bflag:$0x3] =	sbarrier.arrive $0xFFFF  }
0x41: {  	_ =	shalt  }

// kernel: kernel.18.cloned.1.call-start
scs
__scs_entry_jumppad:
0x0: {  	(pc) =	sbr.rel $0x88, $3  }
0x1: {  	(tag) =	ssettag $0x0;
	lr =	simm.s32 $0x1  }
0x2: {  	[smem:$0x3F9C] =	sst lr;
	_ =	strace $0xD0000000  }
0x3: {  	_ = 	snop  }
0x4: {  	_ = 	snop  }
0x5: {  	_ = 	snop  }
0x6: {  	_ = 	snop  }
0x7: {  	_ = 	snop  }
__scs_overlays_trampoline_lowered:
0x8: {  	[smem:$0x3FAB] =	sst s0  }
0x9: {  	[smem:$0x3FAC] =	sst s1  }
0xa: {  	[smem:$0x3FAD] =	sst s2  }
0xb: {  	[smem:$0x3FAE] =	sst s3  }
0xc: {  	[smem:$0x3FAF] =	sst s4  }
0xd: {  	[smem:$0x3FB0] =	sst s5  }
0xe: {  	[smem:$0x3FB1] =	sst s6  }
0xf: {  	[smem:$0x3FB2] =	sst s7  }
0x10: {  	[smem:$0x3FB3] =	sst s8  }
0x11: {  	[smem:$0x3FB4] =	sst s9;
	s0 =	simm.s32 @!p0 $0x0  }
0x12: {  	s1 =	sld [smem:$0x3F9A];
	s0 =	simm.s32 @p0 $0x1  }
0x13: {  	[smem:$0x3FB5] =	sst s0;
	s0 =	simm.s32 @!p1 $0x0  }
0x14: {  	s2 =	sld [smem:$0x3F99];
	s0 =	simm.s32 @p1 $0x1  }
0x15: {  	[smem:$0x3FB6] =	sst s0;
	s0 =	simm.s32 @!p2 $0x0  }
0x16: {  	s3 =	sld [smem:$0x3FDB];
	s0 =	simm.s32 @p2 $0x1  }
0x17: {  	s4 =	simm.s32 $0x1BF5;
	[smem:$0x3FB8] =	sst s0  }
0x18: {  	s0 =	sld [smem:$0x3F9B];
	_ =	swait.ge [sflag:s4], $0x0  }
0x19: {  	s7 =	sld [smem:$0x3F9C]  }
0x1a: {  	s8 =	sadd.s32 $0xFFFFE003, lr  }
0x1b: {  	s9 =	sadd.s32 $0xFFFFFEF7, lr;
	s5 =	simm.s32 $0xFFFFFFFF;
	p2 =	slt.u32 s8, $0xFFFFF086  }
0x1c: {  	p1 =	slt.u32 s9, $0xF7A;
	s5 =	simm.s32 @!p2 $0x0  }
0x1d: {  	s5 =	simm.s32 @p1 $0x1;
	p0 =	seq.s32 s7, s2  }
0x1e: {  	s7 =	smul.u32 @!p0 $0xF7A, s2;
	p2 =	seq.s32 @!p0 s5, $0x0  }
0x1f: {  	s9 =	smul.u32 $0xF7A, s1;
	s8 =	simm.s32 @!p0 $0x1BF5;
	p2 =	por !p2, p0  }
0x20: {  	[sflag:s8] =	ssyncset.s32 @!p0 $0xFFFFF086;
	s6 =	sadd.s32 @!p0 s3, s7;
	s7 =	simm.s32 @!p0 $0x108  }
0x21: {  	s3 =	sadd.s32 s3, s9;
	s6 =	sadd.s32 @!p0 $0x88, s6;
	s7 =	simm.s32 @p2 $0x1082  }
0x22: {  	[simem:s7], [sflag:s8] =	dma.local @!p0 [hbm:s6], $0xF7A  }
0x23: {  	s9 =	sor.u32 $0xD0000000, s2;
	s6 =	simm.s32 $0x108;
	_ =	swait.ge @!p0 [sflag:s8], $0x0  }
0x24: {  	s3 =	sadd.s32 $0x88, s3;
	s6 =	simm.s32 @!p1 $0x1082;
	[sflag:s4] =	ssyncset.s32 $0xFFFFF086  }
0x25: {  	[simem:s6], [sflag:s4] =	dma.local [hbm:s3], $0xF7A  }
0x26: {  	[smem:$0x3F9C] =	sst s1;
	(tag) =	ssettag s2;
	_ =	strace s9  }
0x27: {  	s1 =	sld [smem:$0x3FAC]  }
0x28: {  	s2 =	sld [smem:$0x3FAD]  }
0x29: {  	s4 =	sld [smem:$0x3FAF]  }
0x2a: {  	p0 =	seq.s32 s5, $0x0;
	s5 =	sld [smem:$0x3FB0]  }
0x2b: {  	s6 =	sld [smem:$0x3FB1]  }
0x2c: {  	s7 =	sld [smem:$0x3FB2]  }
0x2d: {  	s3 =	simm.s32 $0x108;
	s8 =	sld [smem:$0x3FB3]  }
0x2e: {  	s3 =	simm.s32 @!p0 $0x1082;
	s9 =	sld [smem:$0x3FB4]  }
0x2f: {  	lr =	sadd.s32 s0, s3;
	s0 =	sld [smem:$0x3FAB]  }
0x30: {  	s3 =	sld [smem:$0x3FAE]  }
0x31: {  	[smem:$0x3FB7] =	sst s10  }
0x32: {  	s10 =	sld [smem:$0x3FB5];
	_ =	sdelay $0x3  }
0x33: {  	p0 =	seq.s32 s10, $0x1;
	s10 =	sld [smem:$0x3FB7];
	_ =	sdelay $0x3  }
0x34: {  	[smem:$0x3FB7] =	sst s10  }
0x35: {  	s10 =	sld [smem:$0x3FB6];
	_ =	sdelay $0x3  }
0x36: {  	p1 =	seq.s32 s10, $0x1;
	s10 =	sld [smem:$0x3FB7];
	_ =	sdelay $0x3  }
0x37: {  	[smem:$0x3FB7] =	sst s10  }
0x38: {  	s10 =	sld [smem:$0x3FB8]  }
0x39: {  	_ = 	snop;
	(pc) =	sbr.ind lr, $3  }
0x3a: {  	_ = 	snop  }
0x3b: {  	_ = 	snop  }
0x3c: {  	p2 =	seq.s32 s10, $0x1;
	s10 =	sld [smem:$0x3FB7]  }
0x3d: {  	_ =	shalt  }
0x3e: {  	_ =	shalt  }
0x3f: {  	_ =	shalt  }
0x40: {  	_ =	shalt  }
0x41: {  	_ =	shalt  }
0x42: {  	_ =	shalt  }
0x43: {  	_ =	shalt  }
0x44: {  	_ =	shalt  }
0x45: {  	_ =	shalt  }
0x46: {  	_ =	shalt  }
0x47: {  	_ =	shalt  }
0x48: {  	_ =	shalt  }
0x49: {  	_ =	shalt  }
0x4a: {  	_ =	shalt  }
0x4b: {  	_ =	shalt  }
0x4c: {  	_ =	shalt  }
0x4d: {  	_ =	shalt  }
0x4e: {  	_ =	shalt  }
0x4f: {  	_ =	shalt  }
0x50: {  	_ =	shalt  }
0x51: {  	_ =	shalt  }
0x52: {  	_ =	shalt  }
0x53: {  	_ =	shalt  }
0x54: {  	_ =	shalt  }
0x55: {  	_ =	shalt  }
0x56: {  	_ =	shalt  }
0x57: {  	_ =	shalt  }
0x58: {  	_ =	shalt  }
0x59: {  	_ =	shalt  }
0x5a: {  	_ =	shalt  }
0x5b: {  	_ =	shalt  }
0x5c: {  	_ =	shalt  }
0x5d: {  	_ =	shalt  }
0x5e: {  	_ =	shalt  }
0x5f: {  	_ =	shalt  }
0x60: {  	_ =	shalt  }
0x61: {  	_ =	shalt  }
0x62: {  	_ =	shalt  }
0x63: {  	_ =	shalt  }
0x64: {  	_ =	shalt  }
0x65: {  	_ =	shalt  }
0x66: {  	_ =	shalt  }
0x67: {  	_ =	shalt  }
0x68: {  	_ =	shalt  }
0x69: {  	_ =	shalt  }
0x6a: {  	_ =	shalt  }
0x6b: {  	_ =	shalt  }
0x6c: {  	_ =	shalt  }
0x6d: {  	_ =	shalt  }
0x6e: {  	_ =	shalt  }
0x6f: {  	_ =	shalt  }
0x70: {  	_ =	shalt  }
0x71: {  	_ =	shalt  }
0x72: {  	_ =	shalt  }
0x73: {  	_ =	shalt  }
0x74: {  	_ =	shalt  }
0x75: {  	_ =	shalt  }
0x76: {  	_ =	shalt  }
0x77: {  	_ =	shalt  }
0x78: {  	_ =	shalt  }
0x79: {  	_ =	shalt  }
0x7a: {  	_ =	shalt  }
0x7b: {  	_ =	shalt  }
0x7c: {  	_ =	shalt  }
0x7d: {  	_ =	shalt  }
0x7e: {  	_ =	shalt  }
0x7f: {  	_ =	shalt  }
0x80: {  	_ =	shalt  }
0x81: {  	_ =	shalt  }
0x82: {  	_ =	shalt  }
0x83: {  	_ =	shalt  }
0x84: {  	_ =	shalt  }
0x85: {  	_ =	shalt  }
0x86: {  	_ =	shalt  }
0x87: {  	_ =	shalt  }
.Lfunc_end0:
.L_simem_size_0:
called_computation.1_lowered:
.L_overlay_start_0:
0x88: {  	s2 =	sld [smem:$0x3FD9]  }
0x89: {  	s3 =	sld [smem:$0x3FFE];
	_ =	sdelay $0x1  }
0x8a: {  	s1 =	srdreg.scid  }
0x8b: {  	s0 =	sand.u32 $0x1, s1  }
0x8c: {  	s17 =	sshll.u32 s0, $0xA;
	s2 =	sadd.s32 s3, s2  }
0x8d: {  	s2 =	sadd.s32 s2, s17  }
0x8e: {  	[smem:$0x3FC3] =	sst s2  }
0x8f: {  	_ = 	snop  }
0x90: {  	s18 =	sld [smem:$0x3FC7];
	(tm) =	ssettm $0x1  }
0x91: {  	s19 =	sld [smem:$0x3FFB];
	_ =	sdelay $0x3  }
0x92: {  	_ =	strace s19  }
0x93: {  	s2 =	sld [smem:$0x3FFC];
	_ =	sdelay $0x3  }
0x94: {  	_ =	strace s2  }
0x95: {  	s2 =	sld [smem:$0x3FFD];
	_ =	sdelay $0x3  }
0x96: {  	_ =	strace s2  }
0x97: {  	_ =	strace $0x8FFFFFFF  }
0x98: {  	s20 =	sld [smem:$0x3FDB];
	_ =	sdelay $0x1  }
0x99: {  	s4 =	simm.s32 $_scs_section_size  }
0x9a: {  	s5 =	simm.s32 $_size__tile_overlayer_lowered;
	s6 =	simm.s32 $_tile_overlayer_lowered  }
0x9b: {  	s7 =	simm.s32 $0x1BFF;
	s21 =	sshll.u32 s6, $0x1;
	s4 =	sadd.s32 s4, s20  }
0x9c: {  	s22 =	simm.s32 $0x0;
	s5 =	sshll.u32 s5, $0x1;
	s6 =	sadd.s32 s21, s4  }
0x9d: {  	[timem:s22], [sflag:s7] =	dma.local [hbm:s6], s5  }
0x9e: {  	_ =	swait.ge [sflag:s7], s5  }
0x9f: {  	s5 =	ssub.s32 $0x0, s5;
	[sflag:s7] =	ssyncset.done $0x0  }
0xa0: {  	[sflag:s7] =	ssyncadd.s32 s5;
	_ =	sdelay $0x1  }
0xa1: {  	s23 =	simm.s32 $0x1B8B  }
0xa2: {  	_ =	swait.ge [sflag:s23], $0x1  }
0xa3: {  	[sflag:s23] =	ssyncset.done $0x0  }
0xa4: {  	[sflag:s23] =	ssyncadd.s32 $0xFFFFFFFF  }
0xa5: {  	s5 =	sld [smem:$0x0]  }
0xa6: {  	s6 =	sand.u32 $0xFFFFFFFE, s1  }
0xa7: {  	p0 =	sne.s32 s1, s6  }
0xa8: {  	s6 =	sshll.u32 @p0 s6, $0xE  }
0xa9: {  	s6 =	sadd.s32 @p0 $0x11B8D, s6;
	s7 =	sshll.u32 @p0 s5, $0x11  }
0xaa: {  	s6 =	sor.u32 @p0 s7, s6  }
0xab: {  	[sflag:s6] =	ssyncadd.remote.s32 @p0 $0x1;
	_ =	sdelay $0x1  }
0xac: {  	s6 =	simm.s32 @p0 $0x1B8D  }
0xad: {  	_ =	swait.eq @p0 [sflag:s6], $0x1  }
0xae: {  	[sflag:s6] =	ssyncadd.s32 @p0 $0xFFFFFFFF  }
0xaf: {  	s7 =	sshll.u32 @!p0 s1, $0xE  }
0xb0: {  	s7 =	sor.u32 @!p0 $0x4000, s7;
	s6 =	simm.s32 @!p0 $0x1B8D  }
0xb1: {  	s5 =	sshll.u32 @!p0 s5, $0x11;
	s7 =	sadd.s32 @!p0 $0x11B8D, s7;
	_ =	swait.eq @!p0 [sflag:s6], $0x1  }
0xb2: {  	s5 =	sor.u32 @!p0 s5, s7;
	[sflag:s6] =	ssyncadd.s32 @!p0 $0xFFFFFFFF  }
0xb3: {  	s25 =	simm.s32 $0x1B8E;
	s24 =	sld [smem:$0x3FFE];
	[sflag:s5] =	ssyncadd.remote.s32 @!p0 $0x1  }
0xb4: {  	s26 =	simm.s32 $execute0_lowered;
	[smem:$0x3FD2] =	sst s25  }
0xb5: {  	s6 =	sshll.u32 s26, $0x1;
	_ =	strace $0x80000049;
	[dreg:$0x1] =	wrdreg $0xFFFFFFFF  }
0xb6: {  	s28 =	simm.s32 $_size_execute0_lowered;
	s4 =	sadd.s32 s4, s6;
	[dreg:$0x0] =	wrdreg $0x0  }
0xb7: {  	s6 =	sshll.u32 s28, $0x1;
	[dreg:$0x2] =	wrdreg s4  }
0xb8: {  	[dreg:$0x3] =	wrdreg s6  }
0xb9: {  	[dreg:$0x4] =	wrdreg $0xC0  }
0xba: {  	_ =	task [dreg:s22], $0x5FFFF  }
0xbb: {  	[dreg:$0x1] =	wrdreg $0xFFFFFFFF  }
0xbc: {  	[dreg:$0x0] =	wrdreg $0x60  }
0xbd: {  	[dreg:$0x2] =	wrdreg s24  }
0xbe: {  	[dreg:$0x3] =	wrdreg s18  }
0xbf: {  	[dreg:$0x4] =	wrdreg $0xA  }
0xc0: {  	_ =	task.clear_ibuf [dreg:s22], $0x5FFFF;
	_ =	strace $0x90000049  }
0xc1: {  	s29 =	simm.s32 $0xA;
	_ =	strace $0x8000004B  }
0xc2: {  	_ =	swait.ge [sflag:s29], $0x1  }
0xc3: {  	[sflag:s29] =	ssyncadd.s32 $0xFFFFFFFF  }
0xc4: {  	_ =	strace $0x9000004B  }
0xc5: {  	_ =	sfence  }
0xc6: {  	s30 =	sld [smem:$0x0];
	_ =	sdelay $0x2  }
0xc7: {  	s31 =	sshll.u32 s1, $0xD;
	s1 =	sshrl.u32 s1, $0x2  }
0xc8: {  	s4 =	sand.u32 $0x4000, s31;
	s1 =	sadd.s32 s1, s30  }
0xc9: {  	s0 =	sor.u32 s4, s0;
	s1 =	sshll.u32 s1, $0x11  }
0xca: {  	s0 =	sor.u32 s1, s0  }
0xcb: {  	s0 =	sadd.s32 $0x8F2B, s0  }
0xcc: {  	[sflag:s0] =	ssyncadd.remote.s32 $0x1  }
0xcd: {  	_ =	sfence.sel $0xFFFF  }
0xce: {  	[dreg:$0x0] =	wrdreg $0xFFFFFFFF;
	(pc) =	sbr.abs _section_cstart, $3  }
0xcf: {  	[dreg:$0x1] =	wrdreg $0xFFFFFFFF  }
0xd0: {  	_ =	task.clear_ibuf [dreg:s22], $0x2FFFF;
	_ =	strace $0x9FFFFFFF  }
0xd1: {  	(tm) =	ssettm $0x7FFFFFFF  }
tec
execute0_lowered:
.L_overlay_start_1:
0x0: {  	(tag) =	ssettag $0x1  }
0x1: {  	s1 =	srdreg.scid;
	s0 =	stileid.u32  }
0x2: {  	s18 =	sand.u32 $0x1, s1;
	s30 =	sshll.u32 s0, $0x1  }
0x3: {  	s6 =	sor.u32 s18, s30  }
0x4: {  	s9 =	rddreg [dreg:$0x0];
	s3 =	smul.u32 $0x640, s6  }
0x5: {  	s4 =	rddreg [dreg:$0x1]  }
0x6: {  	s2 =	simm.s32 $0x0;
	s1 =	rddreg [dreg:$0x2];
	s3 =	sshrl.u32 s3, $0x3  }
0x7: {  	[smem:$0x7FF] =	sst s2;
	s3 =	sadd.s32 s4, s3  }
0x8: {  	_ =	strace $0x8000004A;
	s4 =	simm.s32 $0x5;
	s3 =	sadd.s32 $0xC80, s3  }
0x9: {  	[tilespmem:s2], [sflag:$0x5] =	stream.linear.gather [hbm4b:s3+s2], $0x640, $0x38;
	[tilespmem:$0x19680] =	vst v63  }
0xa: {  	s7 =	simm.s32 $0x680;
	_ =	swait.ge [sflag:s4], $0x640  }
0xb: {  	s8 =	simm.s32 $0x1;
	s5 =	sadd.s32 $0x2800, s9;
	[sflag:s4] =	ssyncset.done $0x0  }
0xc: {  	s10 =	smul.u32 $0x6400, s6;
	s6 =	simm.s32 $0x190;
	[sflag:s4] =	ssyncadd.s32 $0xFFFFF9C0  }
0xd: {  	[tilespmem:s7], [sflag:$0x1] =	stream.indirect.gather [hbm4b:s5+s6], $0x80, s2, s6, $0xb8;
	[tilespmem:$0x19680] =	vst v63  }
0xe: {  	_ =	swait.ge [sflag:s8], $0xC800  }
0xf: {  	s19 =	sadd.s32 s10, s9;
	[sflag:s8] =	ssyncset.done $0x0  }
0x10: {  	s9 =	sadd.s32 $0x29A00, s19;
	[sflag:s8] =	ssyncadd.s32 $0xFFFF3800  }
0x11: {  	[hbm4b:s9+s2] =	stream.linear.scatter [tilespmem:s7], [sflag:$0x3], $0xC800, $0x38;
	[tilespmem:$0x19680] =	vst v63  }
0x12: {  	s11 =	simm.s32 $0x2;
	s10 =	simm.s32 $0xCE80  }
0x13: {  	[tilespmem:s10], [sflag:$0x2] =	stream.indirect.gather [hbm4b:s5+s6], $0x80, s6, s6, $0xb8;
	[tilespmem:$0x19680] =	vst v63  }
0x14: {  	_ =	swait.ge [sflag:s11], $0xC800  }
0x15: {  	[sflag:s11] =	ssyncset.done $0x0  }
0x16: {  	s13 =	simm.s32 $0x3;
	s12 =	sadd.s32 $0x2B300, s19;
	[sflag:s11] =	ssyncadd.s32 $0xFFFF3800  }
0x17: {  	[hbm4b:s12+s2] =	stream.linear.scatter [tilespmem:s10], [sflag:$0x4], $0xC800, $0x38;
	[tilespmem:$0x19680] =	vst v63  }
0x18: {  	_ =	swait.ge [sflag:s13], $0xC800  }
0x19: {  	[sflag:s13] =	ssyncset.done $0x0  }
0x1a: {  	s14 =	simm.s32 $0x320;
	[sflag:s13] =	ssyncadd.s32 $0xFFFF3800  }
0x1b: {  	[tilespmem:s7], [sflag:$0x1] =	stream.indirect.gather [hbm4b:s5+s6], $0x80, s14, s6, $0xb8;
	[tilespmem:$0x19680] =	vst v63  }
0x1c: {  	_ =	swait.ge [sflag:s8], $0xC800  }
0x1d: {  	[sflag:s8] =	ssyncset.done $0x0  }
0x1e: {  	s15 =	simm.s32 $0x4;
	s16 =	sadd.s32 $0x2CC00, s19;
	[sflag:s8] =	ssyncadd.s32 $0xFFFF3800  }
0x1f: {  	[hbm4b:s16+s2] =	stream.linear.scatter [tilespmem:s7], [sflag:$0x3], $0xC800, $0x38;
	[tilespmem:$0x19680] =	vst v63  }
0x20: {  	_ =	swait.ge [sflag:s15], $0xC800  }
0x21: {  	s20 =	ssub.s32 $0x2, s18;
	[sflag:s15] =	ssyncset.done $0x0  }
0x22: {  	s17 =	simm.s32 $0x4B0;
	s31 =	sshrl.u32 s20, $0x1;
	[sflag:s15] =	ssyncadd.s32 $0xFFFF3800  }
0x23: {  	[tilespmem:s10], [sflag:$0x2] =	stream.indirect.gather [hbm4b:s5+s6], $0x80, s17, s6, $0xb8;
	[tilespmem:$0x19680] =	vst v63  }
0x24: {  	s18 =	sadd.s32 $0x2E500, s19;
	s19 =	ssub.s32 s20, s31;
	_ =	swait.ge [sflag:s11], $0xC800  }
0x25: {  	s19 =	smax.u32 s19, $0x1;
	[sflag:s11] =	ssyncset.done $0x0  }
0x26: {  	p0 =	sne.s32 s19, $0x1;
	[sflag:s11] =	ssyncadd.s32 $0xFFFF3800  }
0x27: {  	[hbm4b:s18+s2] =	stream.linear.scatter [tilespmem:s10], [sflag:$0x4], $0xC800, $0x38;
	[tilespmem:$0x19680] =	vst v63  }
.Ltmp0:
0x28: {  	_ =	swait.ge [sflag:s13], $0xC800;
	(pc) =	sbr.rel @!p0 .LBB2_2-.Ltmp0, $4  }
0x29: {  	[sflag:s13] =	ssyncset.done $0x0  }
0x2a: {  	[sflag:s13] =	ssyncadd.s32 $0xFFFF3800  }
0x2b: {  	_ =	swait.ge [sflag:s15], $0xC800  }
0x2c: {  	s19 =	sadd.s32 $0xFFFFFFFF, s19;
	[sflag:s15] =	ssyncset.done $0x0  }
.LBB2_1:
0x2d: {  	p0 =	sne.s32 s19, $0x1;
	s19 =	sadd.s32 $0xFFFFFFFF, s19;
	[sflag:s15] =	ssyncadd.s32 $0xFFFF3800  }
0x2e: {  	[tilespmem:s2], [sflag:$0x5] =	stream.linear.gather [hbm4b:s3+s2], $0x640, $0x38;
	[tilespmem:$0x19680] =	vst v63  }
0x2f: {  	_ =	swait.ge [sflag:s4], $0x640  }
0x30: {  	[sflag:s4] =	ssyncset.done $0x0  }
0x31: {  	[sflag:s4] =	ssyncadd.s32 $0xFFFFF9C0  }
0x32: {  	[tilespmem:s7], [sflag:$0x1] =	stream.indirect.gather [hbm4b:s5+s6], $0x80, s2, s6, $0xb8;
	[tilespmem:$0x19680] =	vst v63  }
0x33: {  	_ =	swait.ge [sflag:s8], $0xC800  }
0x34: {  	[sflag:s8] =	ssyncset.done $0x0  }
0x35: {  	[sflag:s8] =	ssyncadd.s32 $0xFFFF3800  }
0x36: {  	[hbm4b:s9+s2] =	stream.linear.scatter [tilespmem:s7], [sflag:$0x3], $0xC800, $0x38;
	[tilespmem:$0x19680] =	vst v63  }
0x37: {  	_ = 	snop  }
0x38: {  	[tilespmem:s10], [sflag:$0x2] =	stream.indirect.gather [hbm4b:s5+s6], $0x80, s6, s6, $0xb8;
	[tilespmem:$0x19680] =	vst v63  }
0x39: {  	_ =	swait.ge [sflag:s11], $0xC800  }
0x3a: {  	[sflag:s11] =	ssyncset.done $0x0  }
0x3b: {  	[sflag:s11] =	ssyncadd.s32 $0xFFFF3800  }
0x3c: {  	[hbm4b:s12+s2] =	stream.linear.scatter [tilespmem:s10], [sflag:$0x4], $0xC800, $0x38;
	[tilespmem:$0x19680] =	vst v63  }
0x3d: {  	_ =	swait.ge [sflag:s13], $0xC800  }
0x3e: {  	[sflag:s13] =	ssyncset.done $0x0  }
0x3f: {  	[sflag:s13] =	ssyncadd.s32 $0xFFFF3800  }
0x40: {  	[tilespmem:s7], [sflag:$0x1] =	stream.indirect.gather [hbm4b:s5+s6], $0x80, s14, s6, $0xb8;
	[tilespmem:$0x19680] =	vst v63  }
0x41: {  	_ =	swait.ge [sflag:s8], $0xC800  }
0x42: {  	[sflag:s8] =	ssyncset.done $0x0  }
0x43: {  	[sflag:s8] =	ssyncadd.s32 $0xFFFF3800  }
0x44: {  	[hbm4b:s16+s2] =	stream.linear.scatter [tilespmem:s7], [sflag:$0x3], $0xC800, $0x38;
	[tilespmem:$0x19680] =	vst v63  }
0x45: {  	_ =	swait.ge [sflag:s15], $0xC800  }
0x46: {  	[sflag:s15] =	ssyncset.done $0x0  }
0x47: {  	[sflag:s15] =	ssyncadd.s32 $0xFFFF3800  }
0x48: {  	[tilespmem:s10], [sflag:$0x2] =	stream.indirect.gather [hbm4b:s5+s6], $0x80, s17, s6, $0xb8;
	[tilespmem:$0x19680] =	vst v63  }
0x49: {  	_ =	swait.ge [sflag:s11], $0xC800  }
0x4a: {  	[sflag:s11] =	ssyncset.done $0x0  }
0x4b: {  	[sflag:s11] =	ssyncadd.s32 $0xFFFF3800  }
0x4c: {  	[hbm4b:s18+s2] =	stream.linear.scatter [tilespmem:s10], [sflag:$0x4], $0xC800, $0x38;
	[tilespmem:$0x19680] =	vst v63  }
.Ltmp1:
0x4d: {  	_ =	swait.ge [sflag:s13], $0xC800;
	(pc) =	sbr.rel @p0 .LBB2_1-.Ltmp1, $4  }
0x4e: {  	[sflag:s13] =	ssyncset.done $0x0  }
0x4f: {  	[sflag:s13] =	ssyncadd.s32 $0xFFFF3800  }
0x50: {  	_ =	swait.ge [sflag:s15], $0xC800  }
0x51: {  	[sflag:s15] =	ssyncset.done $0x0  }
.LBB2_2:
0x52: {  	[sflag:s15] =	ssyncadd.s32 $0xFFFF3800  }
0x53: {  	_ =	sfence.sel $0x180000  }
0x54: {  	[bflag:$0x0] =	sbarrier.arrive $0xFFFF  }
0x55: {  	p0 =	sne.s32 s0, $0x0;
	_ =	strace $0x9000004A  }
0x56: {  	s0 =	sadd.s32 @!p0 $0x100000, s1;
	[bflag:$0x2] =	sbarrier.arrive $0xFFFF  }
0x57: {  	[sflag:s0] =	ssyncadd.tile.s32 @!p0 $0x1;
	_ =	shalt  }
.Lfunc_end2:
_tile_overlayer_lowered:
.L_overlay_start_2:
0x58: {  	(tag) =	ssettag $0x2  }
0x59: {  	s0 =	rddreg [dreg:$0x0];
	s2 =	stileid.u32  }
0x5a: {  	s1 =	rddreg [dreg:$0x1];
	p0 =	sne.s32 s2, $0x0  }
0x5b: {  	s3 =	rddreg [dreg:$0x2];
	[bflag:$0x3] =	sbarrier.arrive $0xFFFF;
	s2 =	simm.s32 @!p0 $0x1C05  }
0x5c: {  	[timem:s3], [sflag:s2] =	dma.local @!p0 [hbm:s0], s1  }
0x5d: {  	s0 =	simm.s32 @!p0 $0x5  }
0x5e: {  	_ =	swait.ge @!p0 [sflag:s0], s1  }
0x5f: {  	s1 =	ssub.s32 @!p0 $0x0, s1;
	[sflag:s0] =	ssyncset.done @!p0 $0x0  }
0x60: {  	[sflag:s0] =	ssyncadd.s32 @!p0 s1  }
0x61: {  	[bflag:$0x3] =	sbarrier.arrive $0xFFFF  }
0x62: {  	_ =	shalt  }

// kernel: kernel.21.cloned.1.call-start
scs
__scs_entry_jumppad:
0x0: {  	(pc) =	sbr.rel $0x88, $3  }
0x1: {  	(tag) =	ssettag $0x0;
	lr =	simm.s32 $0x1  }
0x2: {  	[smem:$0x3F9C] =	sst lr;
	_ =	strace $0xD0000000  }
0x3: {  	_ = 	snop  }
0x4: {  	_ = 	snop  }
0x5: {  	_ = 	snop  }
0x6: {  	_ = 	snop  }
0x7: {  	_ = 	snop  }
__scs_overlays_trampoline_lowered:
0x8: {  	[smem:$0x3FAB] =	sst s0  }
0x9: {  	[smem:$0x3FAC] =	sst s1  }
0xa: {  	[smem:$0x3FAD] =	sst s2  }
0xb: {  	[smem:$0x3FAE] =	sst s3  }
0xc: {  	[smem:$0x3FAF] =	sst s4  }
0xd: {  	[smem:$0x3FB0] =	sst s5  }
0xe: {  	[smem:$0x3FB1] =	sst s6  }
0xf: {  	[smem:$0x3FB2] =	sst s7  }
0x10: {  	[smem:$0x3FB3] =	sst s8  }
0x11: {  	[smem:$0x3FB4] =	sst s9;
	s0 =	simm.s32 @!p0 $0x0  }
0x12: {  	s1 =	sld [smem:$0x3F9A];
	s0 =	simm.s32 @p0 $0x1  }
0x13: {  	[smem:$0x3FB5] =	sst s0;
	s0 =	simm.s32 @!p1 $0x0  }
0x14: {  	s2 =	sld [smem:$0x3F99];
	s0 =	simm.s32 @p1 $0x1  }
0x15: {  	[smem:$0x3FB6] =	sst s0;
	s0 =	simm.s32 @!p2 $0x0  }
0x16: {  	s3 =	sld [smem:$0x3FDB];
	s0 =	simm.s32 @p2 $0x1  }
0x17: {  	s4 =	simm.s32 $0x1BF5;
	[smem:$0x3FB8] =	sst s0  }
0x18: {  	s0 =	sld [smem:$0x3F9B];
	_ =	swait.ge [sflag:s4], $0x0  }
0x19: {  	s7 =	sld [smem:$0x3F9C]  }
0x1a: {  	s8 =	sadd.s32 $0xFFFFE003, lr  }
0x1b: {  	s9 =	sadd.s32 $0xFFFFFEF7, lr;
	s5 =	simm.s32 $0xFFFFFFFF;
	p2 =	slt.u32 s8, $0xFFFFF086  }
0x1c: {  	p1 =	slt.u32 s9, $0xF7A;
	s5 =	simm.s32 @!p2 $0x0  }
0x1d: {  	s5 =	simm.s32 @p1 $0x1;
	p0 =	seq.s32 s7, s2  }
0x1e: {  	s7 =	smul.u32 @!p0 $0xF7A, s2;
	p2 =	seq.s32 @!p0 s5, $0x0  }
0x1f: {  	s9 =	smul.u32 $0xF7A, s1;
	s8 =	simm.s32 @!p0 $0x1BF5;
	p2 =	por !p2, p0  }
0x20: {  	[sflag:s8] =	ssyncset.s32 @!p0 $0xFFFFF086;
	s6 =	sadd.s32 @!p0 s3, s7;
	s7 =	simm.s32 @!p0 $0x108  }
0x21: {  	s3 =	sadd.s32 s3, s9;
	s6 =	sadd.s32 @!p0 $0x88, s6;
	s7 =	simm.s32 @p2 $0x1082  }
0x22: {  	[simem:s7], [sflag:s8] =	dma.local @!p0 [hbm:s6], $0xF7A  }
0x23: {  	s9 =	sor.u32 $0xD0000000, s2;
	s6 =	simm.s32 $0x108;
	_ =	swait.ge @!p0 [sflag:s8], $0x0  }
0x24: {  	s3 =	sadd.s32 $0x88, s3;
	s6 =	simm.s32 @!p1 $0x1082;
	[sflag:s4] =	ssyncset.s32 $0xFFFFF086  }
0x25: {  	[simem:s6], [sflag:s4] =	dma.local [hbm:s3], $0xF7A  }
0x26: {  	[smem:$0x3F9C] =	sst s1;
	(tag) =	ssettag s2;
	_ =	strace s9  }
0x27: {  	s1 =	sld [smem:$0x3FAC]  }
0x28: {  	s2 =	sld [smem:$0x3FAD]  }
0x29: {  	s4 =	sld [smem:$0x3FAF]  }
0x2a: {  	p0 =	seq.s32 s5, $0x0;
	s5 =	sld [smem:$0x3FB0]  }
0x2b: {  	s6 =	sld [smem:$0x3FB1]  }
0x2c: {  	s7 =	sld [smem:$0x3FB2]  }
0x2d: {  	s3 =	simm.s32 $0x108;
	s8 =	sld [smem:$0x3FB3]  }
0x2e: {  	s3 =	simm.s32 @!p0 $0x1082;
	s9 =	sld [smem:$0x3FB4]  }
0x2f: {  	lr =	sadd.s32 s0, s3;
	s0 =	sld [smem:$0x3FAB]  }
0x30: {  	s3 =	sld [smem:$0x3FAE]  }
0x31: {  	[smem:$0x3FB7] =	sst s10  }
0x32: {  	s10 =	sld [smem:$0x3FB5];
	_ =	sdelay $0x3  }
0x33: {  	p0 =	seq.s32 s10, $0x1;
	s10 =	sld [smem:$0x3FB7];
	_ =	sdelay $0x3  }
0x34: {  	[smem:$0x3FB7] =	sst s10  }
0x35: {  	s10 =	sld [smem:$0x3FB6];
	_ =	sdelay $0x3  }
0x36: {  	p1 =	seq.s32 s10, $0x1;
	s10 =	sld [smem:$0x3FB7];
	_ =	sdelay $0x3  }
0x37: {  	[smem:$0x3FB7] =	sst s10  }
0x38: {  	s10 =	sld [smem:$0x3FB8]  }
0x39: {  	_ = 	snop;
	(pc) =	sbr.ind lr, $3  }
0x3a: {  	_ = 	snop  }
0x3b: {  	_ = 	snop  }
0x3c: {  	p2 =	seq.s32 s10, $0x1;
	s10 =	sld [smem:$0x3FB7]  }
0x3d: {  	_ =	shalt  }
0x3e: {  	_ =	shalt  }
0x3f: {  	_ =	shalt  }
0x40: {  	_ =	shalt  }
0x41: {  	_ =	shalt  }
0x42: {  	_ =	shalt  }
0x43: {  	_ =	shalt  }
0x44: {  	_ =	shalt  }
0x45: {  	_ =	shalt  }
0x46: {  	_ =	shalt  }
0x47: {  	_ =	shalt  }
0x48: {  	_ =	shalt  }
0x49: {  	_ =	shalt  }
0x4a: {  	_ =	shalt  }
0x4b: {  	_ =	shalt  }
0x4c: {  	_ =	shalt  }
0x4d: {  	_ =	shalt  }
0x4e: {  	_ =	shalt  }
0x4f: {  	_ =	shalt  }
0x50: {  	_ =	shalt  }
0x51: {  	_ =	shalt  }
0x52: {  	_ =	shalt  }
0x53: {  	_ =	shalt  }
0x54: {  	_ =	shalt  }
0x55: {  	_ =	shalt  }
0x56: {  	_ =	shalt  }
0x57: {  	_ =	shalt  }
0x58: {  	_ =	shalt  }
0x59: {  	_ =	shalt  }
0x5a: {  	_ =	shalt  }
0x5b: {  	_ =	shalt  }
0x5c: {  	_ =	shalt  }
0x5d: {  	_ =	shalt  }
0x5e: {  	_ =	shalt  }
0x5f: {  	_ =	shalt  }
0x60: {  	_ =	shalt  }
0x61: {  	_ =	shalt  }
0x62: {  	_ =	shalt  }
0x63: {  	_ =	shalt  }
0x64: {  	_ =	shalt  }
0x65: {  	_ =	shalt  }
0x66: {  	_ =	shalt  }
0x67: {  	_ =	shalt  }
0x68: {  	_ =	shalt  }
0x69: {  	_ =	shalt  }
0x6a: {  	_ =	shalt  }
0x6b: {  	_ =	shalt  }
0x6c: {  	_ =	shalt  }
0x6d: {  	_ =	shalt  }
0x6e: {  	_ =	shalt  }
0x6f: {  	_ =	shalt  }
0x70: {  	_ =	shalt  }
0x71: {  	_ =	shalt  }
0x72: {  	_ =	shalt  }
0x73: {  	_ =	shalt  }
0x74: {  	_ =	shalt  }
0x75: {  	_ =	shalt  }
0x76: {  	_ =	shalt  }
0x77: {  	_ =	shalt  }
0x78: {  	_ =	shalt  }
0x79: {  	_ =	shalt  }
0x7a: {  	_ =	shalt  }
0x7b: {  	_ =	shalt  }
0x7c: {  	_ =	shalt  }
0x7d: {  	_ =	shalt  }
0x7e: {  	_ =	shalt  }
0x7f: {  	_ =	shalt  }
0x80: {  	_ =	shalt  }
0x81: {  	_ =	shalt  }
0x82: {  	_ =	shalt  }
0x83: {  	_ =	shalt  }
0x84: {  	_ =	shalt  }
0x85: {  	_ =	shalt  }
0x86: {  	_ =	shalt  }
0x87: {  	_ =	shalt  }
.Lfunc_end0:
.L_simem_size_0:
called_computation.2_lowered:
.L_overlay_start_0:
0x88: {  	s2 =	sld [smem:$0x3FD9]  }
0x89: {  	s3 =	sld [smem:$0x3FFE];
	_ =	sdelay $0x1  }
0x8a: {  	s1 =	srdreg.scid  }
0x8b: {  	s0 =	sand.u32 $0x1, s1  }
0x8c: {  	s17 =	sshll.u32 s0, $0xA;
	s2 =	sadd.s32 s3, s2  }
0x8d: {  	s2 =	sadd.s32 s2, s17  }
0x8e: {  	[smem:$0x3FC3] =	sst s2  }
0x8f: {  	_ = 	snop  }
0x90: {  	s18 =	sld [smem:$0x3FC7];
	(tm) =	ssettm $0x1  }
0x91: {  	s19 =	sld [smem:$0x3FFB];
	_ =	sdelay $0x3  }
0x92: {  	_ =	strace s19  }
0x93: {  	s2 =	sld [smem:$0x3FFC];
	_ =	sdelay $0x3  }
0x94: {  	_ =	strace s2  }
0x95: {  	s2 =	sld [smem:$0x3FFD];
	_ =	sdelay $0x3  }
0x96: {  	_ =	strace s2  }
0x97: {  	_ =	strace $0x8FFFFFFF  }
0x98: {  	s20 =	sld [smem:$0x3FDB];
	_ =	sdelay $0x1  }
0x99: {  	s4 =	simm.s32 $_scs_section_size  }
0x9a: {  	s5 =	simm.s32 $_size__tile_overlayer_lowered;
	s6 =	simm.s32 $_tile_overlayer_lowered  }
0x9b: {  	s7 =	simm.s32 $0x1BFF;
	s21 =	sshll.u32 s6, $0x1;
	s4 =	sadd.s32 s4, s20  }
0x9c: {  	s22 =	simm.s32 $0x0;
	s5 =	sshll.u32 s5, $0x1;
	s6 =	sadd.s32 s21, s4  }
0x9d: {  	[timem:s22], [sflag:s7] =	dma.local [hbm:s6], s5  }
0x9e: {  	_ =	swait.ge [sflag:s7], s5  }
0x9f: {  	s5 =	ssub.s32 $0x0, s5;
	[sflag:s7] =	ssyncset.done $0x0  }
0xa0: {  	[sflag:s7] =	ssyncadd.s32 s5;
	_ =	sdelay $0x1  }
0xa1: {  	s23 =	simm.s32 $0x1B8B  }
0xa2: {  	_ =	swait.ge [sflag:s23], $0x1  }
0xa3: {  	[sflag:s23] =	ssyncset.done $0x0  }
0xa4: {  	[sflag:s23] =	ssyncadd.s32 $0xFFFFFFFF  }
0xa5: {  	s5 =	sld [smem:$0x0]  }
0xa6: {  	s6 =	sand.u32 $0xFFFFFFFE, s1  }
0xa7: {  	p0 =	sne.s32 s1, s6  }
0xa8: {  	s6 =	sshll.u32 @p0 s6, $0xE  }
0xa9: {  	s6 =	sadd.s32 @p0 $0x11B8D, s6;
	s7 =	sshll.u32 @p0 s5, $0x11  }
0xaa: {  	s6 =	sor.u32 @p0 s7, s6  }
0xab: {  	[sflag:s6] =	ssyncadd.remote.s32 @p0 $0x1;
	_ =	sdelay $0x1  }
0xac: {  	s6 =	simm.s32 @p0 $0x1B8D  }
0xad: {  	_ =	swait.eq @p0 [sflag:s6], $0x1  }
0xae: {  	[sflag:s6] =	ssyncadd.s32 @p0 $0xFFFFFFFF  }
0xaf: {  	s7 =	sshll.u32 @!p0 s1, $0xE  }
0xb0: {  	s7 =	sor.u32 @!p0 $0x4000, s7;
	s6 =	simm.s32 @!p0 $0x1B8D  }
0xb1: {  	s5 =	sshll.u32 @!p0 s5, $0x11;
	s7 =	sadd.s32 @!p0 $0x11B8D, s7;
	_ =	swait.eq @!p0 [sflag:s6], $0x1  }
0xb2: {  	s5 =	sor.u32 @!p0 s5, s7;
	[sflag:s6] =	ssyncadd.s32 @!p0 $0xFFFFFFFF  }
0xb3: {  	s25 =	simm.s32 $0x1B8E;
	s24 =	sld [smem:$0x3FFE];
	[sflag:s5] =	ssyncadd.remote.s32 @!p0 $0x1  }
0xb4: {  	s26 =	simm.s32 $execute0_lowered;
	[smem:$0x3FD2] =	sst s25  }
0xb5: {  	s6 =	sshll.u32 s26, $0x1;
	_ =	strace $0x8000004C;
	[dreg:$0x1] =	wrdreg $0xFFFFFFFF  }
0xb6: {  	s28 =	simm.s32 $_size_execute0_lowered;
	s4 =	sadd.s32 s4, s6;
	[dreg:$0x0] =	wrdreg $0x0  }
0xb7: {  	s6 =	sshll.u32 s28, $0x1;
	[dreg:$0x2] =	wrdreg s4  }
0xb8: {  	[dreg:$0x3] =	wrdreg s6  }
0xb9: {  	[dreg:$0x4] =	wrdreg $0xC0  }
0xba: {  	_ =	task [dreg:s22], $0x5FFFF  }
0xbb: {  	[dreg:$0x1] =	wrdreg $0xFFFFFFFF  }
0xbc: {  	[dreg:$0x0] =	wrdreg $0x60  }
0xbd: {  	[dreg:$0x2] =	wrdreg s24  }
0xbe: {  	[dreg:$0x3] =	wrdreg s18  }
0xbf: {  	[dreg:$0x4] =	wrdreg $0xB  }
0xc0: {  	_ =	task.clear_ibuf [dreg:s22], $0x5FFFF;
	_ =	strace $0x9000004C  }
0xc1: {  	s29 =	simm.s32 $0xB;
	_ =	strace $0x8000004E  }
0xc2: {  	_ =	swait.ge [sflag:s29], $0x1  }
0xc3: {  	[sflag:s29] =	ssyncadd.s32 $0xFFFFFFFF  }
0xc4: {  	_ =	strace $0x9000004E  }
0xc5: {  	_ =	sfence  }
0xc6: {  	s30 =	sld [smem:$0x0];
	_ =	sdelay $0x2  }
0xc7: {  	s31 =	sshll.u32 s1, $0xD;
	s1 =	sshrl.u32 s1, $0x2  }
0xc8: {  	s4 =	sand.u32 $0x4000, s31;
	s1 =	sadd.s32 s1, s30  }
0xc9: {  	s0 =	sor.u32 s4, s0;
	s1 =	sshll.u32 s1, $0x11  }
0xca: {  	s0 =	sor.u32 s1, s0  }
0xcb: {  	s0 =	sadd.s32 $0x8F2B, s0  }
0xcc: {  	[sflag:s0] =	ssyncadd.remote.s32 $0x1  }
0xcd: {  	_ =	sfence.sel $0xFFFF  }
0xce: {  	[dreg:$0x0] =	wrdreg $0xFFFFFFFF;
	(pc) =	sbr.abs _section_cstart, $3  }
0xcf: {  	[dreg:$0x1] =	wrdreg $0xFFFFFFFF  }
0xd0: {  	_ =	task.clear_ibuf [dreg:s22], $0x2FFFF;
	_ =	strace $0x9FFFFFFF  }
0xd1: {  	(tm) =	ssettm $0x7FFFFFFF  }
tec
execute0_lowered:
.L_overlay_start_1:
0x0: {  	(tag) =	ssettag $0x1  }
0x1: {  	s1 =	srdreg.scid;
	s0 =	stileid.u32  }
0x2: {  	s26 =	sand.u32 $0x1, s1;
	s31 =	sshll.u32 s0, $0x1  }
0x3: {  	s6 =	sor.u32 s26, s31  }
0x4: {  	s9 =	rddreg [dreg:$0x0];
	s3 =	smul.u32 $0xC80, s6  }
0x5: {  	s4 =	rddreg [dreg:$0x1]  }
0x6: {  	s2 =	simm.s32 $0x0;
	s1 =	rddreg [dreg:$0x2];
	s3 =	sshrl.u32 s3, $0x3  }
0x7: {  	[smem:$0x7FF] =	sst s2;
	s3 =	sadd.s32 s4, s3  }
0x8: {  	_ =	strace $0x8000004D;
	s4 =	simm.s32 $0x5;
	s3 =	sadd.s32 $0x2580, s3  }
0x9: {  	[tilespmem:s2], [sflag:$0x5] =	stream.linear.gather [hbm4b:s3+s2], $0xC80, $0x38;
	[tilespmem:$0x19C80] =	vst v63  }
0xa: {  	s7 =	simm.s32 $0xC80;
	_ =	swait.ge [sflag:s4], $0xC80  }
0xb: {  	s8 =	simm.s32 $0x1;
	s5 =	sadd.s32 $0x2800, s9;
	[sflag:s4] =	ssyncset.done $0x0  }
0xc: {  	s10 =	smul.u32 $0xC800, s6;
	s6 =	simm.s32 $0x190;
	[sflag:s4] =	ssyncadd.s32 $0xFFFFF380  }
0xd: {  	[tilespmem:s7], [sflag:$0x1] =	stream.indirect.gather [hbm4b:s5+s6], $0x80, s2, s6, $0xb8;
	[tilespmem:$0x19C80] =	vst v63  }
0xe: {  	_ =	swait.ge [sflag:s8], $0xC800  }
0xf: {  	s28 =	sadd.s32 s10, s9;
	[sflag:s8] =	ssyncset.done $0x0  }
0x10: {  	s9 =	sadd.s32 $0xF1A00, s28;
	[sflag:s8] =	ssyncadd.s32 $0xFFFF3800  }
0x11: {  	[hbm4b:s9+s2] =	stream.linear.scatter [tilespmem:s7], [sflag:$0x3], $0xC800, $0x38;
	[tilespmem:$0x19C80] =	vst v63  }
0x12: {  	s11 =	simm.s32 $0x2;
	s10 =	simm.s32 $0xD480  }
0x13: {  	[tilespmem:s10], [sflag:$0x2] =	stream.indirect.gather [hbm4b:s5+s6], $0x80, s6, s6, $0xb8;
	[tilespmem:$0x19C80] =	vst v63  }
0x14: {  	_ =	swait.ge [sflag:s11], $0xC800  }
0x15: {  	[sflag:s11] =	ssyncset.done $0x0  }
0x16: {  	s13 =	simm.s32 $0x3;
	s12 =	sadd.s32 $0xF3300, s28;
	[sflag:s11] =	ssyncadd.s32 $0xFFFF3800  }
0x17: {  	[hbm4b:s12+s2] =	stream.linear.scatter [tilespmem:s10], [sflag:$0x4], $0xC800, $0x38;
	[tilespmem:$0x19C80] =	vst v63  }
0x18: {  	_ =	swait.ge [sflag:s13], $0xC800  }
0x19: {  	[sflag:s13] =	ssyncset.done $0x0  }
0x1a: {  	s14 =	simm.s32 $0x320;
	[sflag:s13] =	ssyncadd.s32 $0xFFFF3800  }
0x1b: {  	[tilespmem:s7], [sflag:$0x1] =	stream.indirect.gather [hbm4b:s5+s6], $0x80, s14, s6, $0xb8;
	[tilespmem:$0x19C80] =	vst v63  }
0x1c: {  	_ =	swait.ge [sflag:s8], $0xC800  }
0x1d: {  	[sflag:s8] =	ssyncset.done $0x0  }
0x1e: {  	s15 =	simm.s32 $0x4;
	s16 =	sadd.s32 $0xF4C00, s28;
	[sflag:s8] =	ssyncadd.s32 $0xFFFF3800  }
0x1f: {  	[hbm4b:s16+s2] =	stream.linear.scatter [tilespmem:s7], [sflag:$0x3], $0xC800, $0x38;
	[tilespmem:$0x19C80] =	vst v63  }
0x20: {  	_ =	swait.ge [sflag:s15], $0xC800  }
0x21: {  	[sflag:s15] =	ssyncset.done $0x0  }
0x22: {  	s17 =	simm.s32 $0x4B0;
	[sflag:s15] =	ssyncadd.s32 $0xFFFF3800  }
0x23: {  	[tilespmem:s10], [sflag:$0x2] =	stream.indirect.gather [hbm4b:s5+s6], $0x80, s17, s6, $0xb8;
	[tilespmem:$0x19C80] =	vst v63  }
0x24: {  	_ =	swait.ge [sflag:s11], $0xC800  }
0x25: {  	[sflag:s11] =	ssyncset.done $0x0  }
0x26: {  	s18 =	sadd.s32 $0xF6500, s28;
	[sflag:s11] =	ssyncadd.s32 $0xFFFF3800  }
0x27: {  	[hbm4b:s18+s2] =	stream.linear.scatter [tilespmem:s10], [sflag:$0x4], $0xC800, $0x38;
	[tilespmem:$0x19C80] =	vst v63  }
0x28: {  	_ =	swait.ge [sflag:s13], $0xC800  }
0x29: {  	[sflag:s13] =	ssyncset.done $0x0  }
0x2a: {  	s19 =	simm.s32 $0x640;
	[sflag:s13] =	ssyncadd.s32 $0xFFFF3800  }
0x2b: {  	[tilespmem:s7], [sflag:$0x1] =	stream.indirect.gather [hbm4b:s5+s6], $0x80, s19, s6, $0xb8;
	[tilespmem:$0x19C80] =	vst v63  }
0x2c: {  	_ =	swait.ge [sflag:s8], $0xC800  }
0x2d: {  	[sflag:s8] =	ssyncset.done $0x0  }
0x2e: {  	s20 =	sadd.s32 $0xF7E00, s28;
	[sflag:s8] =	ssyncadd.s32 $0xFFFF3800  }
0x2f: {  	[hbm4b:s20+s2] =	stream.linear.scatter [tilespmem:s7], [sflag:$0x3], $0xC800, $0x38;
	[tilespmem:$0x19C80] =	vst v63  }
0x30: {  	_ =	swait.ge [sflag:s15], $0xC800  }
0x31: {  	[sflag:s15] =	ssyncset.done $0x0  }
0x32: {  	s21 =	simm.s32 $0x7D0;
	[sflag:s15] =	ssyncadd.s32 $0xFFFF3800  }
0x33: {  	[tilespmem:s10], [sflag:$0x2] =	stream.indirect.gather [hbm4b:s5+s6], $0x80, s21, s6, $0xb8;
	[tilespmem:$0x19C80] =	vst v63  }
0x34: {  	_ =	swait.ge [sflag:s11], $0xC800  }
0x35: {  	[sflag:s11] =	ssyncset.done $0x0  }
0x36: {  	s22 =	sadd.s32 $0xF9700, s28;
	[sflag:s11] =	ssyncadd.s32 $0xFFFF3800  }
0x37: {  	[hbm4b:s22+s2] =	stream.linear.scatter [tilespmem:s10], [sflag:$0x4], $0xC800, $0x38;
	[tilespmem:$0x19C80] =	vst v63  }
0x38: {  	_ =	swait.ge [sflag:s13], $0xC800  }
0x39: {  	[sflag:s13] =	ssyncset.done $0x0  }
0x3a: {  	s23 =	simm.s32 $0x960;
	[sflag:s13] =	ssyncadd.s32 $0xFFFF3800  }
0x3b: {  	[tilespmem:s7], [sflag:$0x1] =	stream.indirect.gather [hbm4b:s5+s6], $0x80, s23, s6, $0xb8;
	[tilespmem:$0x19C80] =	vst v63  }
0x3c: {  	_ =	swait.ge [sflag:s8], $0xC800  }
0x3d: {  	[sflag:s8] =	ssyncset.done $0x0  }
0x3e: {  	s24 =	sadd.s32 $0xFB000, s28;
	[sflag:s8] =	ssyncadd.s32 $0xFFFF3800  }
0x3f: {  	[hbm4b:s24+s2] =	stream.linear.scatter [tilespmem:s7], [sflag:$0x3], $0xC800, $0x38;
	[tilespmem:$0x19C80] =	vst v63  }
0x40: {  	_ =	swait.ge [sflag:s15], $0xC800  }
0x41: {  	s25 =	simm.s32 $0xAF0;
	s29 =	ssub.s32 $0x2, s26;
	[sflag:s15] =	ssyncset.done $0x0  }
0x42: {  	s26 =	sadd.s32 $0xFC900, s28;
	s28 =	sshrl.u32 s29, $0x1;
	[sflag:s15] =	ssyncadd.s32 $0xFFFF3800  }
0x43: {  	[tilespmem:s10], [sflag:$0x2] =	stream.indirect.gather [hbm4b:s5+s6], $0x80, s25, s6, $0xb8;
	[tilespmem:$0x19C80] =	vst v63  }
0x44: {  	s28 =	ssub.s32 s29, s28;
	_ =	swait.ge [sflag:s11], $0xC800  }
0x45: {  	s28 =	smax.u32 s28, $0x1;
	[sflag:s11] =	ssyncset.done $0x0  }
0x46: {  	p0 =	sne.s32 s28, $0x1;
	[sflag:s11] =	ssyncadd.s32 $0xFFFF3800  }
0x47: {  	[hbm4b:s26+s2] =	stream.linear.scatter [tilespmem:s10], [sflag:$0x4], $0xC800, $0x38;
	[tilespmem:$0x19C80] =	vst v63  }
.Ltmp0:
0x48: {  	_ =	swait.ge [sflag:s13], $0xC800;
	(pc) =	sbr.rel @!p0 .LBB2_2-.Ltmp0, $4  }
0x49: {  	[sflag:s13] =	ssyncset.done $0x0  }
0x4a: {  	[sflag:s13] =	ssyncadd.s32 $0xFFFF3800  }
0x4b: {  	_ =	swait.ge [sflag:s15], $0xC800  }
0x4c: {  	s28 =	sadd.s32 $0xFFFFFFFF, s28;
	[sflag:s15] =	ssyncset.done $0x0  }
.LBB2_1:
0x4d: {  	p0 =	sne.s32 s28, $0x1;
	s28 =	sadd.s32 $0xFFFFFFFF, s28;
	[sflag:s15] =	ssyncadd.s32 $0xFFFF3800  }
0x4e: {  	[tilespmem:s2], [sflag:$0x5] =	stream.linear.gather [hbm4b:s3+s2], $0xC80, $0x38;
	[tilespmem:$0x19C80] =	vst v63  }
0x4f: {  	_ =	swait.ge [sflag:s4], $0xC80  }
0x50: {  	[sflag:s4] =	ssyncset.done $0x0  }
0x51: {  	[sflag:s4] =	ssyncadd.s32 $0xFFFFF380  }
0x52: {  	[tilespmem:s7], [sflag:$0x1] =	stream.indirect.gather [hbm4b:s5+s6], $0x80, s2, s6, $0xb8;
	[tilespmem:$0x19C80] =	vst v63  }
0x53: {  	_ =	swait.ge [sflag:s8], $0xC800  }
0x54: {  	[sflag:s8] =	ssyncset.done $0x0  }
0x55: {  	[sflag:s8] =	ssyncadd.s32 $0xFFFF3800  }
0x56: {  	[hbm4b:s9+s2] =	stream.linear.scatter [tilespmem:s7], [sflag:$0x3], $0xC800, $0x38;
	[tilespmem:$0x19C80] =	vst v63  }
0x57: {  	_ = 	snop  }
0x58: {  	[tilespmem:s10], [sflag:$0x2] =	stream.indirect.gather [hbm4b:s5+s6], $0x80, s6, s6, $0xb8;
	[tilespmem:$0x19C80] =	vst v63  }
0x59: {  	_ =	swait.ge [sflag:s11], $0xC800  }
0x5a: {  	[sflag:s11] =	ssyncset.done $0x0  }
0x5b: {  	[sflag:s11] =	ssyncadd.s32 $0xFFFF3800  }
0x5c: {  	[hbm4b:s12+s2] =	stream.linear.scatter [tilespmem:s10], [sflag:$0x4], $0xC800, $0x38;
	[tilespmem:$0x19C80] =	vst v63  }
0x5d: {  	_ =	swait.ge [sflag:s13], $0xC800  }
0x5e: {  	[sflag:s13] =	ssyncset.done $0x0  }
0x5f: {  	[sflag:s13] =	ssyncadd.s32 $0xFFFF3800  }
0x60: {  	[tilespmem:s7], [sflag:$0x1] =	stream.indirect.gather [hbm4b:s5+s6], $0x80, s14, s6, $0xb8;
	[tilespmem:$0x19C80] =	vst v63  }
0x61: {  	_ =	swait.ge [sflag:s8], $0xC800  }
0x62: {  	[sflag:s8] =	ssyncset.done $0x0  }
0x63: {  	[sflag:s8] =	ssyncadd.s32 $0xFFFF3800  }
0x64: {  	[hbm4b:s16+s2] =	stream.linear.scatter [tilespmem:s7], [sflag:$0x3], $0xC800, $0x38;
	[tilespmem:$0x19C80] =	vst v63  }
0x65: {  	_ =	swait.ge [sflag:s15], $0xC800  }
0x66: {  	[sflag:s15] =	ssyncset.done $0x0  }
0x67: {  	[sflag:s15] =	ssyncadd.s32 $0xFFFF3800  }
0x68: {  	[tilespmem:s10], [sflag:$0x2] =	stream.indirect.gather [hbm4b:s5+s6], $0x80, s17, s6, $0xb8;
	[tilespmem:$0x19C80] =	vst v63  }
0x69: {  	_ =	swait.ge [sflag:s11], $0xC800  }
0x6a: {  	[sflag:s11] =	ssyncset.done $0x0  }
0x6b: {  	[sflag:s11] =	ssyncadd.s32 $0xFFFF3800  }
0x6c: {  	[hbm4b:s18+s2] =	stream.linear.scatter [tilespmem:s10], [sflag:$0x4], $0xC800, $0x38;
	[tilespmem:$0x19C80] =	vst v63  }
0x6d: {  	_ =	swait.ge [sflag:s13], $0xC800  }
0x6e: {  	[sflag:s13] =	ssyncset.done $0x0  }
0x6f: {  	[sflag:s13] =	ssyncadd.s32 $0xFFFF3800  }
0x70: {  	[tilespmem:s7], [sflag:$0x1] =	stream.indirect.gather [hbm4b:s5+s6], $0x80, s19, s6, $0xb8;
	[tilespmem:$0x19C80] =	vst v63  }
0x71: {  	_ =	swait.ge [sflag:s8], $0xC800  }
0x72: {  	[sflag:s8] =	ssyncset.done $0x0  }
0x73: {  	[sflag:s8] =	ssyncadd.s32 $0xFFFF3800  }
0x74: {  	[hbm4b:s20+s2] =	stream.linear.scatter [tilespmem:s7], [sflag:$0x3], $0xC800, $0x38;
	[tilespmem:$0x19C80] =	vst v63  }
0x75: {  	_ =	swait.ge [sflag:s15], $0xC800  }
0x76: {  	[sflag:s15] =	ssyncset.done $0x0  }
0x77: {  	[sflag:s15] =	ssyncadd.s32 $0xFFFF3800  }
0x78: {  	[tilespmem:s10], [sflag:$0x2] =	stream.indirect.gather [hbm4b:s5+s6], $0x80, s21, s6, $0xb8;
	[tilespmem:$0x19C80] =	vst v63  }
0x79: {  	_ =	swait.ge [sflag:s11], $0xC800  }
0x7a: {  	[sflag:s11] =	ssyncset.done $0x0  }
0x7b: {  	[sflag:s11] =	ssyncadd.s32 $0xFFFF3800  }
0x7c: {  	[hbm4b:s22+s2] =	stream.linear.scatter [tilespmem:s10], [sflag:$0x4], $0xC800, $0x38;
	[tilespmem:$0x19C80] =	vst v63  }
0x7d: {  	_ =	swait.ge [sflag:s13], $0xC800  }
0x7e: {  	[sflag:s13] =	ssyncset.done $0x0  }
0x7f: {  	[sflag:s13] =	ssyncadd.s32 $0xFFFF3800  }
0x80: {  	[tilespmem:s7], [sflag:$0x1] =	stream.indirect.gather [hbm4b:s5+s6], $0x80, s23, s6, $0xb8;
	[tilespmem:$0x19C80] =	vst v63  }
0x81: {  	_ =	swait.ge [sflag:s8], $0xC800  }
0x82: {  	[sflag:s8] =	ssyncset.done $0x0  }
0x83: {  	[sflag:s8] =	ssyncadd.s32 $0xFFFF3800  }
0x84: {  	[hbm4b:s24+s2] =	stream.linear.scatter [tilespmem:s7], [sflag:$0x3], $0xC800, $0x38;
	[tilespmem:$0x19C80] =	vst v63  }
0x85: {  	_ =	swait.ge [sflag:s15], $0xC800  }
0x86: {  	[sflag:s15] =	ssyncset.done $0x0  }
0x87: {  	[sflag:s15] =	ssyncadd.s32 $0xFFFF3800  }
0x88: {  	[tilespmem:s10], [sflag:$0x2] =	stream.indirect.gather [hbm4b:s5+s6], $0x80, s25, s6, $0xb8;
	[tilespmem:$0x19C80] =	vst v63  }
0x89: {  	_ =	swait.ge [sflag:s11], $0xC800  }
0x8a: {  	[sflag:s11] =	ssyncset.done $0x0  }
0x8b: {  	[sflag:s11] =	ssyncadd.s32 $0xFFFF3800  }
0x8c: {  	[hbm4b:s26+s2] =	stream.linear.scatter [tilespmem:s10], [sflag:$0x4], $0xC800, $0x38;
	[tilespmem:$0x19C80] =	vst v63  }
.Ltmp1:
0x8d: {  	_ =	swait.ge [sflag:s13], $0xC800;
	(pc) =	sbr.rel @p0 .LBB2_1-.Ltmp1, $4  }
0x8e: {  	[sflag:s13] =	ssyncset.done $0x0  }
0x8f: {  	[sflag:s13] =	ssyncadd.s32 $0xFFFF3800  }
0x90: {  	_ =	swait.ge [sflag:s15], $0xC800  }
0x91: {  	[sflag:s15] =	ssyncset.done $0x0  }
.LBB2_2:
0x92: {  	[sflag:s15] =	ssyncadd.s32 $0xFFFF3800  }
0x93: {  	_ =	sfence.sel $0x180000  }
0x94: {  	[bflag:$0x0] =	sbarrier.arrive $0xFFFF  }
0x95: {  	p0 =	sne.s32 s0, $0x0;
	_ =	strace $0x9000004D  }
0x96: {  	s0 =	sadd.s32 @!p0 $0x100000, s1;
	[bflag:$0x2] =	sbarrier.arrive $0xFFFF  }
0x97: {  	[sflag:s0] =	ssyncadd.tile.s32 @!p0 $0x1;
	_ =	shalt  }
.Lfunc_end2:
_tile_overlayer_lowered:
.L_overlay_start_2:
0x98: {  	(tag) =	ssettag $0x2  }
0x99: {  	s0 =	rddreg [dreg:$0x0];
	s2 =	stileid.u32  }
0x9a: {  	s1 =	rddreg [dreg:$0x1];
	p0 =	sne.s32 s2, $0x0  }
0x9b: {  	s3 =	rddreg [dreg:$0x2];
	[bflag:$0x3] =	sbarrier.arrive $0xFFFF;
	s2 =	simm.s32 @!p0 $0x1C05  }
0x9c: {  	[timem:s3], [sflag:s2] =	dma.local @!p0 [hbm:s0], s1  }
0x9d: {  	s0 =	simm.s32 @!p0 $0x5  }
0x9e: {  	_ =	swait.ge @!p0 [sflag:s0], s1  }
0x9f: {  	s1 =	ssub.s32 @!p0 $0x0, s1;
	[sflag:s0] =	ssyncset.done @!p0 $0x0  }
0xa0: {  	[sflag:s0] =	ssyncadd.s32 @!p0 s1  }
0xa1: {  	[bflag:$0x3] =	sbarrier.arrive $0xFFFF  }
0xa2: {  	_ =	shalt  }

// kernel: kernel.24.cloned.1.call-start
scs
__scs_entry_jumppad:
0x0: {  	(pc) =	sbr.rel $0x88, $3  }
0x1: {  	(tag) =	ssettag $0x0;
	lr =	simm.s32 $0x1  }
0x2: {  	[smem:$0x3F9C] =	sst lr;
	_ =	strace $0xD0000000  }
0x3: {  	_ = 	snop  }
0x4: {  	_ = 	snop  }
0x5: {  	_ = 	snop  }
0x6: {  	_ = 	snop  }
0x7: {  	_ = 	snop  }
__scs_overlays_trampoline_lowered:
0x8: {  	[smem:$0x3FAB] =	sst s0  }
0x9: {  	[smem:$0x3FAC] =	sst s1  }
0xa: {  	[smem:$0x3FAD] =	sst s2  }
0xb: {  	[smem:$0x3FAE] =	sst s3  }
0xc: {  	[smem:$0x3FAF] =	sst s4  }
0xd: {  	[smem:$0x3FB0] =	sst s5  }
0xe: {  	[smem:$0x3FB1] =	sst s6  }
0xf: {  	[smem:$0x3FB2] =	sst s7  }
0x10: {  	[smem:$0x3FB3] =	sst s8  }
0x11: {  	[smem:$0x3FB4] =	sst s9;
	s0 =	simm.s32 @!p0 $0x0  }
0x12: {  	s1 =	sld [smem:$0x3F9A];
	s0 =	simm.s32 @p0 $0x1  }
0x13: {  	[smem:$0x3FB5] =	sst s0;
	s0 =	simm.s32 @!p1 $0x0  }
0x14: {  	s2 =	sld [smem:$0x3F99];
	s0 =	simm.s32 @p1 $0x1  }
0x15: {  	[smem:$0x3FB6] =	sst s0;
	s0 =	simm.s32 @!p2 $0x0  }
0x16: {  	s3 =	sld [smem:$0x3FDB];
	s0 =	simm.s32 @p2 $0x1  }
0x17: {  	s4 =	simm.s32 $0x1BF5;
	[smem:$0x3FB8] =	sst s0  }
0x18: {  	s0 =	sld [smem:$0x3F9B];
	_ =	swait.ge [sflag:s4], $0x0  }
0x19: {  	s7 =	sld [smem:$0x3F9C]  }
0x1a: {  	s8 =	sadd.s32 $0xFFFFE003, lr  }
0x1b: {  	s9 =	sadd.s32 $0xFFFFFEF7, lr;
	s5 =	simm.s32 $0xFFFFFFFF;
	p2 =	slt.u32 s8, $0xFFFFF086  }
0x1c: {  	p1 =	slt.u32 s9, $0xF7A;
	s5 =	simm.s32 @!p2 $0x0  }
0x1d: {  	s5 =	simm.s32 @p1 $0x1;
	p0 =	seq.s32 s7, s2  }
0x1e: {  	s7 =	smul.u32 @!p0 $0xF7A, s2;
	p2 =	seq.s32 @!p0 s5, $0x0  }
0x1f: {  	s9 =	smul.u32 $0xF7A, s1;
	s8 =	simm.s32 @!p0 $0x1BF5;
	p2 =	por !p2, p0  }
0x20: {  	[sflag:s8] =	ssyncset.s32 @!p0 $0xFFFFF086;
	s6 =	sadd.s32 @!p0 s3, s7;
	s7 =	simm.s32 @!p0 $0x108  }
0x21: {  	s3 =	sadd.s32 s3, s9;
	s6 =	sadd.s32 @!p0 $0x88, s6;
	s7 =	simm.s32 @p2 $0x1082  }
0x22: {  	[simem:s7], [sflag:s8] =	dma.local @!p0 [hbm:s6], $0xF7A  }
0x23: {  	s9 =	sor.u32 $0xD0000000, s2;
	s6 =	simm.s32 $0x108;
	_ =	swait.ge @!p0 [sflag:s8], $0x0  }
0x24: {  	s3 =	sadd.s32 $0x88, s3;
	s6 =	simm.s32 @!p1 $0x1082;
	[sflag:s4] =	ssyncset.s32 $0xFFFFF086  }
0x25: {  	[simem:s6], [sflag:s4] =	dma.local [hbm:s3], $0xF7A  }
0x26: {  	[smem:$0x3F9C] =	sst s1;
	(tag) =	ssettag s2;
	_ =	strace s9  }
0x27: {  	s1 =	sld [smem:$0x3FAC]  }
0x28: {  	s2 =	sld [smem:$0x3FAD]  }
0x29: {  	s4 =	sld [smem:$0x3FAF]  }
0x2a: {  	p0 =	seq.s32 s5, $0x0;
	s5 =	sld [smem:$0x3FB0]  }
0x2b: {  	s6 =	sld [smem:$0x3FB1]  }
0x2c: {  	s7 =	sld [smem:$0x3FB2]  }
0x2d: {  	s3 =	simm.s32 $0x108;
	s8 =	sld [smem:$0x3FB3]  }
0x2e: {  	s3 =	simm.s32 @!p0 $0x1082;
	s9 =	sld [smem:$0x3FB4]  }
0x2f: {  	lr =	sadd.s32 s0, s3;
	s0 =	sld [smem:$0x3FAB]  }
0x30: {  	s3 =	sld [smem:$0x3FAE]  }
0x31: {  	[smem:$0x3FB7] =	sst s10  }
0x32: {  	s10 =	sld [smem:$0x3FB5];
	_ =	sdelay $0x3  }
0x33: {  	p0 =	seq.s32 s10, $0x1;
	s10 =	sld [smem:$0x3FB7];
	_ =	sdelay $0x3  }
0x34: {  	[smem:$0x3FB7] =	sst s10  }
0x35: {  	s10 =	sld [smem:$0x3FB6];
	_ =	sdelay $0x3  }
0x36: {  	p1 =	seq.s32 s10, $0x1;
	s10 =	sld [smem:$0x3FB7];
	_ =	sdelay $0x3  }
0x37: {  	[smem:$0x3FB7] =	sst s10  }
0x38: {  	s10 =	sld [smem:$0x3FB8]  }
0x39: {  	_ = 	snop;
	(pc) =	sbr.ind lr, $3  }
0x3a: {  	_ = 	snop  }
0x3b: {  	_ = 	snop  }
0x3c: {  	p2 =	seq.s32 s10, $0x1;
	s10 =	sld [smem:$0x3FB7]  }
0x3d: {  	_ =	shalt  }
0x3e: {  	_ =	shalt  }
0x3f: {  	_ =	shalt  }
0x40: {  	_ =	shalt  }
0x41: {  	_ =	shalt  }
0x42: {  	_ =	shalt  }
0x43: {  	_ =	shalt  }
0x44: {  	_ =	shalt  }
0x45: {  	_ =	shalt  }
0x46: {  	_ =	shalt  }
0x47: {  	_ =	shalt  }
0x48: {  	_ =	shalt  }
0x49: {  	_ =	shalt  }
0x4a: {  	_ =	shalt  }
0x4b: {  	_ =	shalt  }
0x4c: {  	_ =	shalt  }
0x4d: {  	_ =	shalt  }
0x4e: {  	_ =	shalt  }
0x4f: {  	_ =	shalt  }
0x50: {  	_ =	shalt  }
0x51: {  	_ =	shalt  }
0x52: {  	_ =	shalt  }
0x53: {  	_ =	shalt  }
0x54: {  	_ =	shalt  }
0x55: {  	_ =	shalt  }
0x56: {  	_ =	shalt  }
0x57: {  	_ =	shalt  }
0x58: {  	_ =	shalt  }
0x59: {  	_ =	shalt  }
0x5a: {  	_ =	shalt  }
0x5b: {  	_ =	shalt  }
0x5c: {  	_ =	shalt  }
0x5d: {  	_ =	shalt  }
0x5e: {  	_ =	shalt  }
0x5f: {  	_ =	shalt  }
0x60: {  	_ =	shalt  }
0x61: {  	_ =	shalt  }
0x62: {  	_ =	shalt  }
0x63: {  	_ =	shalt  }
0x64: {  	_ =	shalt  }
0x65: {  	_ =	shalt  }
0x66: {  	_ =	shalt  }
0x67: {  	_ =	shalt  }
0x68: {  	_ =	shalt  }
0x69: {  	_ =	shalt  }
0x6a: {  	_ =	shalt  }
0x6b: {  	_ =	shalt  }
0x6c: {  	_ =	shalt  }
0x6d: {  	_ =	shalt  }
0x6e: {  	_ =	shalt  }
0x6f: {  	_ =	shalt  }
0x70: {  	_ =	shalt  }
0x71: {  	_ =	shalt  }
0x72: {  	_ =	shalt  }
0x73: {  	_ =	shalt  }
0x74: {  	_ =	shalt  }
0x75: {  	_ =	shalt  }
0x76: {  	_ =	shalt  }
0x77: {  	_ =	shalt  }
0x78: {  	_ =	shalt  }
0x79: {  	_ =	shalt  }
0x7a: {  	_ =	shalt  }
0x7b: {  	_ =	shalt  }
0x7c: {  	_ =	shalt  }
0x7d: {  	_ =	shalt  }
0x7e: {  	_ =	shalt  }
0x7f: {  	_ =	shalt  }
0x80: {  	_ =	shalt  }
0x81: {  	_ =	shalt  }
0x82: {  	_ =	shalt  }
0x83: {  	_ =	shalt  }
0x84: {  	_ =	shalt  }
0x85: {  	_ =	shalt  }
0x86: {  	_ =	shalt  }
0x87: {  	_ =	shalt  }
.Lfunc_end0:
.L_simem_size_0:
called_computation.3_lowered:
.L_overlay_start_0:
0x88: {  	s2 =	sld [smem:$0x3FD9]  }
0x89: {  	s3 =	sld [smem:$0x3FFE];
	_ =	sdelay $0x1  }
0x8a: {  	s1 =	srdreg.scid  }
0x8b: {  	s0 =	sand.u32 $0x1, s1  }
0x8c: {  	s17 =	sshll.u32 s0, $0xA;
	s2 =	sadd.s32 s3, s2  }
0x8d: {  	s2 =	sadd.s32 s2, s17  }
0x8e: {  	[smem:$0x3FC3] =	sst s2  }
0x8f: {  	_ = 	snop  }
0x90: {  	s18 =	sld [smem:$0x3FC7];
	(tm) =	ssettm $0x1  }
0x91: {  	s19 =	sld [smem:$0x3FFB];
	_ =	sdelay $0x3  }
0x92: {  	_ =	strace s19  }
0x93: {  	s2 =	sld [smem:$0x3FFC];
	_ =	sdelay $0x3  }
0x94: {  	_ =	strace s2  }
0x95: {  	s2 =	sld [smem:$0x3FFD];
	_ =	sdelay $0x3  }
0x96: {  	_ =	strace s2  }
0x97: {  	_ =	strace $0x8FFFFFFF  }
0x98: {  	s20 =	sld [smem:$0x3FDB];
	_ =	sdelay $0x1  }
0x99: {  	s4 =	simm.s32 $_scs_section_size  }
0x9a: {  	s5 =	simm.s32 $_size__tile_overlayer_lowered;
	s6 =	simm.s32 $_tile_overlayer_lowered  }
0x9b: {  	s7 =	simm.s32 $0x1BFF;
	s21 =	sshll.u32 s6, $0x1;
	s4 =	sadd.s32 s4, s20  }
0x9c: {  	s22 =	simm.s32 $0x0;
	s5 =	sshll.u32 s5, $0x1;
	s6 =	sadd.s32 s21, s4  }
0x9d: {  	[timem:s22], [sflag:s7] =	dma.local [hbm:s6], s5  }
0x9e: {  	_ =	swait.ge [sflag:s7], s5  }
0x9f: {  	s5 =	ssub.s32 $0x0, s5;
	[sflag:s7] =	ssyncset.done $0x0  }
0xa0: {  	[sflag:s7] =	ssyncadd.s32 s5;
	_ =	sdelay $0x1  }
0xa1: {  	s23 =	simm.s32 $0x1B8B  }
0xa2: {  	_ =	swait.ge [sflag:s23], $0x1  }
0xa3: {  	[sflag:s23] =	ssyncset.done $0x0  }
0xa4: {  	[sflag:s23] =	ssyncadd.s32 $0xFFFFFFFF  }
0xa5: {  	s5 =	sld [smem:$0x0]  }
0xa6: {  	s6 =	sand.u32 $0xFFFFFFFE, s1  }
0xa7: {  	p0 =	sne.s32 s1, s6  }
0xa8: {  	s6 =	sshll.u32 @p0 s6, $0xE  }
0xa9: {  	s6 =	sadd.s32 @p0 $0x11B8D, s6;
	s7 =	sshll.u32 @p0 s5, $0x11  }
0xaa: {  	s6 =	sor.u32 @p0 s7, s6  }
0xab: {  	[sflag:s6] =	ssyncadd.remote.s32 @p0 $0x1;
	_ =	sdelay $0x1  }
0xac: {  	s6 =	simm.s32 @p0 $0x1B8D  }
0xad: {  	_ =	swait.eq @p0 [sflag:s6], $0x1  }
0xae: {  	[sflag:s6] =	ssyncadd.s32 @p0 $0xFFFFFFFF  }
0xaf: {  	s7 =	sshll.u32 @!p0 s1, $0xE  }
0xb0: {  	s7 =	sor.u32 @!p0 $0x4000, s7;
	s6 =	simm.s32 @!p0 $0x1B8D  }
0xb1: {  	s5 =	sshll.u32 @!p0 s5, $0x11;
	s7 =	sadd.s32 @!p0 $0x11B8D, s7;
	_ =	swait.eq @!p0 [sflag:s6], $0x1  }
0xb2: {  	s5 =	sor.u32 @!p0 s5, s7;
	[sflag:s6] =	ssyncadd.s32 @!p0 $0xFFFFFFFF  }
0xb3: {  	s25 =	simm.s32 $0x1B8E;
	s24 =	sld [smem:$0x3FFE];
	[sflag:s5] =	ssyncadd.remote.s32 @!p0 $0x1  }
0xb4: {  	s26 =	simm.s32 $execute0_lowered;
	[smem:$0x3FD2] =	sst s25  }
0xb5: {  	s6 =	sshll.u32 s26, $0x1;
	_ =	strace $0x8000004F;
	[dreg:$0x1] =	wrdreg $0xFFFFFFFF  }
0xb6: {  	s28 =	simm.s32 $_size_execute0_lowered;
	s4 =	sadd.s32 s4, s6;
	[dreg:$0x0] =	wrdreg $0x0  }
0xb7: {  	s6 =	sshll.u32 s28, $0x1;
	[dreg:$0x2] =	wrdreg s4  }
0xb8: {  	[dreg:$0x3] =	wrdreg s6  }
0xb9: {  	[dreg:$0x4] =	wrdreg $0xC0  }
0xba: {  	_ =	task [dreg:s22], $0x5FFFF  }
0xbb: {  	[dreg:$0x1] =	wrdreg $0xFFFFFFFF  }
0xbc: {  	[dreg:$0x0] =	wrdreg $0x60  }
0xbd: {  	[dreg:$0x2] =	wrdreg s24  }
0xbe: {  	[dreg:$0x3] =	wrdreg s18  }
0xbf: {  	[dreg:$0x4] =	wrdreg $0xC  }
0xc0: {  	_ =	task.clear_ibuf [dreg:s22], $0x5FFFF;
	_ =	strace $0x9000004F  }
0xc1: {  	s29 =	simm.s32 $0xC;
	_ =	strace $0x80000051  }
0xc2: {  	_ =	swait.ge [sflag:s29], $0x1  }
0xc3: {  	[sflag:s29] =	ssyncadd.s32 $0xFFFFFFFF  }
0xc4: {  	_ =	strace $0x90000051  }
0xc5: {  	_ =	sfence  }
0xc6: {  	s30 =	sld [smem:$0x0];
	_ =	sdelay $0x2  }
0xc7: {  	s31 =	sshll.u32 s1, $0xD;
	s1 =	sshrl.u32 s1, $0x2  }
0xc8: {  	s4 =	sand.u32 $0x4000, s31;
	s1 =	sadd.s32 s1, s30  }
0xc9: {  	s0 =	sor.u32 s4, s0;
	s1 =	sshll.u32 s1, $0x11  }
0xca: {  	s0 =	sor.u32 s1, s0  }
0xcb: {  	s0 =	sadd.s32 $0x8F2B, s0  }
0xcc: {  	[sflag:s0] =	ssyncadd.remote.s32 $0x1  }
0xcd: {  	_ =	sfence.sel $0xFFFF  }
0xce: {  	[dreg:$0x0] =	wrdreg $0xFFFFFFFF;
	(pc) =	sbr.abs _section_cstart, $3  }
0xcf: {  	[dreg:$0x1] =	wrdreg $0xFFFFFFFF  }
0xd0: {  	_ =	task.clear_ibuf [dreg:s22], $0x2FFFF;
	_ =	strace $0x9FFFFFFF  }
0xd1: {  	(tm) =	ssettm $0x7FFFFFFF  }
tec
execute0_lowered:
.L_overlay_start_1:
0x0: {  	(tag) =	ssettag $0x1  }
0x1: {  	s1 =	srdreg.scid;
	s0 =	stileid.u32  }
0x2: {  	s26 =	sand.u32 $0x1, s1;
	s31 =	sshll.u32 s0, $0x1  }
0x3: {  	s6 =	sor.u32 s26, s31  }
0x4: {  	s9 =	rddreg [dreg:$0x0];
	s3 =	smul.u32 $0xC80, s6  }
0x5: {  	s4 =	rddreg [dreg:$0x1]  }
0x6: {  	s2 =	simm.s32 $0x0;
	s1 =	rddreg [dreg:$0x2];
	s3 =	sshrl.u32 s3, $0x3  }
0x7: {  	[smem:$0x7FF] =	sst s2;
	s3 =	sadd.s32 s4, s3  }
0x8: {  	_ =	strace $0x80000050;
	s4 =	simm.s32 $0x5;
	s3 =	sadd.s32 $0x5780, s3  }
0x9: {  	[tilespmem:s2], [sflag:$0x5] =	stream.linear.gather [hbm4b:s3+s2], $0xC80, $0x38;
	[tilespmem:$0x19C80] =	vst v63  }
0xa: {  	s7 =	simm.s32 $0xC80;
	_ =	swait.ge [sflag:s4], $0xC80  }
0xb: {  	s8 =	simm.s32 $0x1;
	s5 =	sadd.s32 $0x2800, s9;
	[sflag:s4] =	ssyncset.done $0x0  }
0xc: {  	s10 =	smul.u32 $0xC800, s6;
	s6 =	simm.s32 $0x190;
	[sflag:s4] =	ssyncadd.s32 $0xFFFFF380  }
0xd: {  	[tilespmem:s7], [sflag:$0x1] =	stream.indirect.gather [hbm4b:s5+s6], $0x80, s2, s6, $0xb8;
	[tilespmem:$0x19C80] =	vst v63  }
0xe: {  	_ =	swait.ge [sflag:s8], $0xC800  }
0xf: {  	s28 =	sadd.s32 s10, s9;
	[sflag:s8] =	ssyncset.done $0x0  }
0x10: {  	s9 =	sadd.s32 $0x281A00, s28;
	[sflag:s8] =	ssyncadd.s32 $0xFFFF3800  }
0x11: {  	[hbm4b:s9+s2] =	stream.linear.scatter [tilespmem:s7], [sflag:$0x3], $0xC800, $0x38;
	[tilespmem:$0x19C80] =	vst v63  }
0x12: {  	s11 =	simm.s32 $0x2;
	s10 =	simm.s32 $0xD480  }
0x13: {  	[tilespmem:s10], [sflag:$0x2] =	stream.indirect.gather [hbm4b:s5+s6], $0x80, s6, s6, $0xb8;
	[tilespmem:$0x19C80] =	vst v63  }
0x14: {  	_ =	swait.ge [sflag:s11], $0xC800  }
0x15: {  	[sflag:s11] =	ssyncset.done $0x0  }
0x16: {  	s13 =	simm.s32 $0x3;
	s12 =	sadd.s32 $0x283300, s28;
	[sflag:s11] =	ssyncadd.s32 $0xFFFF3800  }
0x17: {  	[hbm4b:s12+s2] =	stream.linear.scatter [tilespmem:s10], [sflag:$0x4], $0xC800, $0x38;
	[tilespmem:$0x19C80] =	vst v63  }
0x18: {  	_ =	swait.ge [sflag:s13], $0xC800  }
0x19: {  	[sflag:s13] =	ssyncset.done $0x0  }
0x1a: {  	s14 =	simm.s32 $0x320;
	[sflag:s13] =	ssyncadd.s32 $0xFFFF3800  }
0x1b: {  	[tilespmem:s7], [sflag:$0x1] =	stream.indirect.gather [hbm4b:s5+s6], $0x80, s14, s6, $0xb8;
	[tilespmem:$0x19C80] =	vst v63  }
0x1c: {  	_ =	swait.ge [sflag:s8], $0xC800  }
0x1d: {  	[sflag:s8] =	ssyncset.done $0x0  }
0x1e: {  	s15 =	simm.s32 $0x4;
	s16 =	sadd.s32 $0x284C00, s28;
	[sflag:s8] =	ssyncadd.s32 $0xFFFF3800  }
0x1f: {  	[hbm4b:s16+s2] =	stream.linear.scatter [tilespmem:s7], [sflag:$0x3], $0xC800, $0x38;
	[tilespmem:$0x19C80] =	vst v63  }
0x20: {  	_ =	swait.ge [sflag:s15], $0xC800  }
0x21: {  	[sflag:s15] =	ssyncset.done $0x0  }
0x22: {  	s17 =	simm.s32 $0x4B0;
	[sflag:s15] =	ssyncadd.s32 $0xFFFF3800  }
0x23: {  	[tilespmem:s10], [sflag:$0x2] =	stream.indirect.gather [hbm4b:s5+s6], $0x80, s17, s6, $0xb8;
	[tilespmem:$0x19C80] =	vst v63  }
0x24: {  	_ =	swait.ge [sflag:s11], $0xC800  }
0x25: {  	[sflag:s11] =	ssyncset.done $0x0  }
0x26: {  	s18 =	sadd.s32 $0x286500, s28;
	[sflag:s11] =	ssyncadd.s32 $0xFFFF3800  }
0x27: {  	[hbm4b:s18+s2] =	stream.linear.scatter [tilespmem:s10], [sflag:$0x4], $0xC800, $0x38;
	[tilespmem:$0x19C80] =	vst v63  }
0x28: {  	_ =	swait.ge [sflag:s13], $0xC800  }
0x29: {  	[sflag:s13] =	ssyncset.done $0x0  }
0x2a: {  	s19 =	simm.s32 $0x640;
	[sflag:s13] =	ssyncadd.s32 $0xFFFF3800  }
0x2b: {  	[tilespmem:s7], [sflag:$0x1] =	stream.indirect.gather [hbm4b:s5+s6], $0x80, s19, s6, $0xb8;
	[tilespmem:$0x19C80] =	vst v63  }
0x2c: {  	_ =	swait.ge [sflag:s8], $0xC800  }
0x2d: {  	[sflag:s8] =	ssyncset.done $0x0  }
0x2e: {  	s20 =	sadd.s32 $0x287E00, s28;
	[sflag:s8] =	ssyncadd.s32 $0xFFFF3800  }
0x2f: {  	[hbm4b:s20+s2] =	stream.linear.scatter [tilespmem:s7], [sflag:$0x3], $0xC800, $0x38;
	[tilespmem:$0x19C80] =	vst v63  }
0x30: {  	_ =	swait.ge [sflag:s15], $0xC800  }
0x31: {  	[sflag:s15] =	ssyncset.done $0x0  }
0x32: {  	s21 =	simm.s32 $0x7D0;
	[sflag:s15] =	ssyncadd.s32 $0xFFFF3800  }
0x33: {  	[tilespmem:s10], [sflag:$0x2] =	stream.indirect.gather [hbm4b:s5+s6], $0x80, s21, s6, $0xb8;
	[tilespmem:$0x19C80] =	vst v63  }
0x34: {  	_ =	swait.ge [sflag:s11], $0xC800  }
0x35: {  	[sflag:s11] =	ssyncset.done $0x0  }
0x36: {  	s22 =	sadd.s32 $0x289700, s28;
	[sflag:s11] =	ssyncadd.s32 $0xFFFF3800  }
0x37: {  	[hbm4b:s22+s2] =	stream.linear.scatter [tilespmem:s10], [sflag:$0x4], $0xC800, $0x38;
	[tilespmem:$0x19C80] =	vst v63  }
0x38: {  	_ =	swait.ge [sflag:s13], $0xC800  }
0x39: {  	[sflag:s13] =	ssyncset.done $0x0  }
0x3a: {  	s23 =	simm.s32 $0x960;
	[sflag:s13] =	ssyncadd.s32 $0xFFFF3800  }
0x3b: {  	[tilespmem:s7], [sflag:$0x1] =	stream.indirect.gather [hbm4b:s5+s6], $0x80, s23, s6, $0xb8;
	[tilespmem:$0x19C80] =	vst v63  }
0x3c: {  	_ =	swait.ge [sflag:s8], $0xC800  }
0x3d: {  	[sflag:s8] =	ssyncset.done $0x0  }
0x3e: {  	s24 =	sadd.s32 $0x28B000, s28;
	[sflag:s8] =	ssyncadd.s32 $0xFFFF3800  }
0x3f: {  	[hbm4b:s24+s2] =	stream.linear.scatter [tilespmem:s7], [sflag:$0x3], $0xC800, $0x38;
	[tilespmem:$0x19C80] =	vst v63  }
0x40: {  	_ =	swait.ge [sflag:s15], $0xC800  }
0x41: {  	s25 =	simm.s32 $0xAF0;
	s29 =	ssub.s32 $0x2, s26;
	[sflag:s15] =	ssyncset.done $0x0  }
0x42: {  	s26 =	sadd.s32 $0x28C900, s28;
	s28 =	sshrl.u32 s29, $0x1;
	[sflag:s15] =	ssyncadd.s32 $0xFFFF3800  }
0x43: {  	[tilespmem:s10], [sflag:$0x2] =	stream.indirect.gather [hbm4b:s5+s6], $0x80, s25, s6, $0xb8;
	[tilespmem:$0x19C80] =	vst v63  }
0x44: {  	s28 =	ssub.s32 s29, s28;
	_ =	swait.ge [sflag:s11], $0xC800  }
0x45: {  	s28 =	smax.u32 s28, $0x1;
	[sflag:s11] =	ssyncset.done $0x0  }
0x46: {  	p0 =	sne.s32 s28, $0x1;
	[sflag:s11] =	ssyncadd.s32 $0xFFFF3800  }
0x47: {  	[hbm4b:s26+s2] =	stream.linear.scatter [tilespmem:s10], [sflag:$0x4], $0xC800, $0x38;
	[tilespmem:$0x19C80] =	vst v63  }
.Ltmp0:
0x48: {  	_ =	swait.ge [sflag:s13], $0xC800;
	(pc) =	sbr.rel @!p0 .LBB2_2-.Ltmp0, $4  }
0x49: {  	[sflag:s13] =	ssyncset.done $0x0  }
0x4a: {  	[sflag:s13] =	ssyncadd.s32 $0xFFFF3800  }
0x4b: {  	_ =	swait.ge [sflag:s15], $0xC800  }
0x4c: {  	s28 =	sadd.s32 $0xFFFFFFFF, s28;
	[sflag:s15] =	ssyncset.done $0x0  }
.LBB2_1:
0x4d: {  	p0 =	sne.s32 s28, $0x1;
	s28 =	sadd.s32 $0xFFFFFFFF, s28;
	[sflag:s15] =	ssyncadd.s32 $0xFFFF3800  }
0x4e: {  	[tilespmem:s2], [sflag:$0x5] =	stream.linear.gather [hbm4b:s3+s2], $0xC80, $0x38;
	[tilespmem:$0x19C80] =	vst v63  }
0x4f: {  	_ =	swait.ge [sflag:s4], $0xC80  }
0x50: {  	[sflag:s4] =	ssyncset.done $0x0  }
0x51: {  	[sflag:s4] =	ssyncadd.s32 $0xFFFFF380  }
0x52: {  	[tilespmem:s7], [sflag:$0x1] =	stream.indirect.gather [hbm4b:s5+s6], $0x80, s2, s6, $0xb8;
	[tilespmem:$0x19C80] =	vst v63  }
0x53: {  	_ =	swait.ge [sflag:s8], $0xC800  }
0x54: {  	[sflag:s8] =	ssyncset.done $0x0  }
0x55: {  	[sflag:s8] =	ssyncadd.s32 $0xFFFF3800  }
0x56: {  	[hbm4b:s9+s2] =	stream.linear.scatter [tilespmem:s7], [sflag:$0x3], $0xC800, $0x38;
	[tilespmem:$0x19C80] =	vst v63  }
0x57: {  	_ = 	snop  }
0x58: {  	[tilespmem:s10], [sflag:$0x2] =	stream.indirect.gather [hbm4b:s5+s6], $0x80, s6, s6, $0xb8;
	[tilespmem:$0x19C80] =	vst v63  }
0x59: {  	_ =	swait.ge [sflag:s11], $0xC800  }
0x5a: {  	[sflag:s11] =	ssyncset.done $0x0  }
0x5b: {  	[sflag:s11] =	ssyncadd.s32 $0xFFFF3800  }
0x5c: {  	[hbm4b:s12+s2] =	stream.linear.scatter [tilespmem:s10], [sflag:$0x4], $0xC800, $0x38;
	[tilespmem:$0x19C80] =	vst v63  }
0x5d: {  	_ =	swait.ge [sflag:s13], $0xC800  }
0x5e: {  	[sflag:s13] =	ssyncset.done $0x0  }
0x5f: {  	[sflag:s13] =	ssyncadd.s32 $0xFFFF3800  }
0x60: {  	[tilespmem:s7], [sflag:$0x1] =	stream.indirect.gather [hbm4b:s5+s6], $0x80, s14, s6, $0xb8;
	[tilespmem:$0x19C80] =	vst v63  }
0x61: {  	_ =	swait.ge [sflag:s8], $0xC800  }
0x62: {  	[sflag:s8] =	ssyncset.done $0x0  }
0x63: {  	[sflag:s8] =	ssyncadd.s32 $0xFFFF3800  }
0x64: {  	[hbm4b:s16+s2] =	stream.linear.scatter [tilespmem:s7], [sflag:$0x3], $0xC800, $0x38;
	[tilespmem:$0x19C80] =	vst v63  }
0x65: {  	_ =	swait.ge [sflag:s15], $0xC800  }
0x66: {  	[sflag:s15] =	ssyncset.done $0x0  }
0x67: {  	[sflag:s15] =	ssyncadd.s32 $0xFFFF3800  }
0x68: {  	[tilespmem:s10], [sflag:$0x2] =	stream.indirect.gather [hbm4b:s5+s6], $0x80, s17, s6, $0xb8;
	[tilespmem:$0x19C80] =	vst v63  }
0x69: {  	_ =	swait.ge [sflag:s11], $0xC800  }
0x6a: {  	[sflag:s11] =	ssyncset.done $0x0  }
0x6b: {  	[sflag:s11] =	ssyncadd.s32 $0xFFFF3800  }
0x6c: {  	[hbm4b:s18+s2] =	stream.linear.scatter [tilespmem:s10], [sflag:$0x4], $0xC800, $0x38;
	[tilespmem:$0x19C80] =	vst v63  }
0x6d: {  	_ =	swait.ge [sflag:s13], $0xC800  }
0x6e: {  	[sflag:s13] =	ssyncset.done $0x0  }
0x6f: {  	[sflag:s13] =	ssyncadd.s32 $0xFFFF3800  }
0x70: {  	[tilespmem:s7], [sflag:$0x1] =	stream.indirect.gather [hbm4b:s5+s6], $0x80, s19, s6, $0xb8;
	[tilespmem:$0x19C80] =	vst v63  }
0x71: {  	_ =	swait.ge [sflag:s8], $0xC800  }
0x72: {  	[sflag:s8] =	ssyncset.done $0x0  }
0x73: {  	[sflag:s8] =	ssyncadd.s32 $0xFFFF3800  }
0x74: {  	[hbm4b:s20+s2] =	stream.linear.scatter [tilespmem:s7], [sflag:$0x3], $0xC800, $0x38;
	[tilespmem:$0x19C80] =	vst v63  }
0x75: {  	_ =	swait.ge [sflag:s15], $0xC800  }
0x76: {  	[sflag:s15] =	ssyncset.done $0x0  }
0x77: {  	[sflag:s15] =	ssyncadd.s32 $0xFFFF3800  }
0x78: {  	[tilespmem:s10], [sflag:$0x2] =	stream.indirect.gather [hbm4b:s5+s6], $0x80, s21, s6, $0xb8;
	[tilespmem:$0x19C80] =	vst v63  }
0x79: {  	_ =	swait.ge [sflag:s11], $0xC800  }
0x7a: {  	[sflag:s11] =	ssyncset.done $0x0  }
0x7b: {  	[sflag:s11] =	ssyncadd.s32 $0xFFFF3800  }
0x7c: {  	[hbm4b:s22+s2] =	stream.linear.scatter [tilespmem:s10], [sflag:$0x4], $0xC800, $0x38;
	[tilespmem:$0x19C80] =	vst v63  }
0x7d: {  	_ =	swait.ge [sflag:s13], $0xC800  }
0x7e: {  	[sflag:s13] =	ssyncset.done $0x0  }
0x7f: {  	[sflag:s13] =	ssyncadd.s32 $0xFFFF3800  }
0x80: {  	[tilespmem:s7], [sflag:$0x1] =	stream.indirect.gather [hbm4b:s5+s6], $0x80, s23, s6, $0xb8;
	[tilespmem:$0x19C80] =	vst v63  }
0x81: {  	_ =	swait.ge [sflag:s8], $0xC800  }
0x82: {  	[sflag:s8] =	ssyncset.done $0x0  }
0x83: {  	[sflag:s8] =	ssyncadd.s32 $0xFFFF3800  }
0x84: {  	[hbm4b:s24+s2] =	stream.linear.scatter [tilespmem:s7], [sflag:$0x3], $0xC800, $0x38;
	[tilespmem:$0x19C80] =	vst v63  }
0x85: {  	_ =	swait.ge [sflag:s15], $0xC800  }
0x86: {  	[sflag:s15] =	ssyncset.done $0x0  }
0x87: {  	[sflag:s15] =	ssyncadd.s32 $0xFFFF3800  }
0x88: {  	[tilespmem:s10], [sflag:$0x2] =	stream.indirect.gather [hbm4b:s5+s6], $0x80, s25, s6, $0xb8;
	[tilespmem:$0x19C80] =	vst v63  }
0x89: {  	_ =	swait.ge [sflag:s11], $0xC800  }
0x8a: {  	[sflag:s11] =	ssyncset.done $0x0  }
0x8b: {  	[sflag:s11] =	ssyncadd.s32 $0xFFFF3800  }
0x8c: {  	[hbm4b:s26+s2] =	stream.linear.scatter [tilespmem:s10], [sflag:$0x4], $0xC800, $0x38;
	[tilespmem:$0x19C80] =	vst v63  }
.Ltmp1:
0x8d: {  	_ =	swait.ge [sflag:s13], $0xC800;
	(pc) =	sbr.rel @p0 .LBB2_1-.Ltmp1, $4  }
0x8e: {  	[sflag:s13] =	ssyncset.done $0x0  }
0x8f: {  	[sflag:s13] =	ssyncadd.s32 $0xFFFF3800  }
0x90: {  	_ =	swait.ge [sflag:s15], $0xC800  }
0x91: {  	[sflag:s15] =	ssyncset.done $0x0  }
.LBB2_2:
0x92: {  	[sflag:s15] =	ssyncadd.s32 $0xFFFF3800  }
0x93: {  	_ =	sfence.sel $0x180000  }
0x94: {  	[bflag:$0x0] =	sbarrier.arrive $0xFFFF  }
0x95: {  	p0 =	sne.s32 s0, $0x0;
	_ =	strace $0x90000050  }
0x96: {  	s0 =	sadd.s32 @!p0 $0x100000, s1;
	[bflag:$0x2] =	sbarrier.arrive $0xFFFF  }
0x97: {  	[sflag:s0] =	ssyncadd.tile.s32 @!p0 $0x1;
	_ =	shalt  }
.Lfunc_end2:
_tile_overlayer_lowered:
.L_overlay_start_2:
0x98: {  	(tag) =	ssettag $0x2  }
0x99: {  	s0 =	rddreg [dreg:$0x0];
	s2 =	stileid.u32  }
0x9a: {  	s1 =	rddreg [dreg:$0x1];
	p0 =	sne.s32 s2, $0x0  }
0x9b: {  	s3 =	rddreg [dreg:$0x2];
	[bflag:$0x3] =	sbarrier.arrive $0xFFFF;
	s2 =	simm.s32 @!p0 $0x1C05  }
0x9c: {  	[timem:s3], [sflag:s2] =	dma.local @!p0 [hbm:s0], s1  }
0x9d: {  	s0 =	simm.s32 @!p0 $0x5  }
0x9e: {  	_ =	swait.ge @!p0 [sflag:s0], s1  }
0x9f: {  	s1 =	ssub.s32 @!p0 $0x0, s1;
	[sflag:s0] =	ssyncset.done @!p0 $0x0  }
0xa0: {  	[sflag:s0] =	ssyncadd.s32 @!p0 s1  }
0xa1: {  	[bflag:$0x3] =	sbarrier.arrive $0xFFFF  }
0xa2: {  	_ =	shalt  }

// kernel: kernel.27.cloned.1.call-start
scs
__scs_entry_jumppad:
0x0: {  	(pc) =	sbr.rel $0x88, $3  }
0x1: {  	(tag) =	ssettag $0x0;
	lr =	simm.s32 $0x1  }
0x2: {  	[smem:$0x3F9C] =	sst lr;
	_ =	strace $0xD0000000  }
0x3: {  	_ = 	snop  }
0x4: {  	_ = 	snop  }
0x5: {  	_ = 	snop  }
0x6: {  	_ = 	snop  }
0x7: {  	_ = 	snop  }
__scs_overlays_trampoline_lowered:
0x8: {  	[smem:$0x3FAB] =	sst s0  }
0x9: {  	[smem:$0x3FAC] =	sst s1  }
0xa: {  	[smem:$0x3FAD] =	sst s2  }
0xb: {  	[smem:$0x3FAE] =	sst s3  }
0xc: {  	[smem:$0x3FAF] =	sst s4  }
0xd: {  	[smem:$0x3FB0] =	sst s5  }
0xe: {  	[smem:$0x3FB1] =	sst s6  }
0xf: {  	[smem:$0x3FB2] =	sst s7  }
0x10: {  	[smem:$0x3FB3] =	sst s8  }
0x11: {  	[smem:$0x3FB4] =	sst s9;
	s0 =	simm.s32 @!p0 $0x0  }
0x12: {  	s1 =	sld [smem:$0x3F9A];
	s0 =	simm.s32 @p0 $0x1  }
0x13: {  	[smem:$0x3FB5] =	sst s0;
	s0 =	simm.s32 @!p1 $0x0  }
0x14: {  	s2 =	sld [smem:$0x3F99];
	s0 =	simm.s32 @p1 $0x1  }
0x15: {  	[smem:$0x3FB6] =	sst s0;
	s0 =	simm.s32 @!p2 $0x0  }
0x16: {  	s3 =	sld [smem:$0x3FDB];
	s0 =	simm.s32 @p2 $0x1  }
0x17: {  	s4 =	simm.s32 $0x1BF5;
	[smem:$0x3FB8] =	sst s0  }
0x18: {  	s0 =	sld [smem:$0x3F9B];
	_ =	swait.ge [sflag:s4], $0x0  }
0x19: {  	s7 =	sld [smem:$0x3F9C]  }
0x1a: {  	s8 =	sadd.s32 $0xFFFFE003, lr  }
0x1b: {  	s9 =	sadd.s32 $0xFFFFFEF7, lr;
	s5 =	simm.s32 $0xFFFFFFFF;
	p2 =	slt.u32 s8, $0xFFFFF086  }
0x1c: {  	p1 =	slt.u32 s9, $0xF7A;
	s5 =	simm.s32 @!p2 $0x0  }
0x1d: {  	s5 =	simm.s32 @p1 $0x1;
	p0 =	seq.s32 s7, s2  }
0x1e: {  	s7 =	smul.u32 @!p0 $0xF7A, s2;
	p2 =	seq.s32 @!p0 s5, $0x0  }
0x1f: {  	s9 =	smul.u32 $0xF7A, s1;
	s8 =	simm.s32 @!p0 $0x1BF5;
	p2 =	por !p2, p0  }
0x20: {  	[sflag:s8] =	ssyncset.s32 @!p0 $0xFFFFF086;
	s6 =	sadd.s32 @!p0 s3, s7;
	s7 =	simm.s32 @!p0 $0x108  }
0x21: {  	s3 =	sadd.s32 s3, s9;
	s6 =	sadd.s32 @!p0 $0x88, s6;
	s7 =	simm.s32 @p2 $0x1082  }
0x22: {  	[simem:s7], [sflag:s8] =	dma.local @!p0 [hbm:s6], $0xF7A  }
0x23: {  	s9 =	sor.u32 $0xD0000000, s2;
	s6 =	simm.s32 $0x108;
	_ =	swait.ge @!p0 [sflag:s8], $0x0  }
0x24: {  	s3 =	sadd.s32 $0x88, s3;
	s6 =	simm.s32 @!p1 $0x1082;
	[sflag:s4] =	ssyncset.s32 $0xFFFFF086  }
0x25: {  	[simem:s6], [sflag:s4] =	dma.local [hbm:s3], $0xF7A  }
0x26: {  	[smem:$0x3F9C] =	sst s1;
	(tag) =	ssettag s2;
	_ =	strace s9  }
0x27: {  	s1 =	sld [smem:$0x3FAC]  }
0x28: {  	s2 =	sld [smem:$0x3FAD]  }
0x29: {  	s4 =	sld [smem:$0x3FAF]  }
0x2a: {  	p0 =	seq.s32 s5, $0x0;
	s5 =	sld [smem:$0x3FB0]  }
0x2b: {  	s6 =	sld [smem:$0x3FB1]  }
0x2c: {  	s7 =	sld [smem:$0x3FB2]  }
0x2d: {  	s3 =	simm.s32 $0x108;
	s8 =	sld [smem:$0x3FB3]  }
0x2e: {  	s3 =	simm.s32 @!p0 $0x1082;
	s9 =	sld [smem:$0x3FB4]  }
0x2f: {  	lr =	sadd.s32 s0, s3;
	s0 =	sld [smem:$0x3FAB]  }
0x30: {  	s3 =	sld [smem:$0x3FAE]  }
0x31: {  	[smem:$0x3FB7] =	sst s10  }
0x32: {  	s10 =	sld [smem:$0x3FB5];
	_ =	sdelay $0x3  }
0x33: {  	p0 =	seq.s32 s10, $0x1;
	s10 =	sld [smem:$0x3FB7];
	_ =	sdelay $0x3  }
0x34: {  	[smem:$0x3FB7] =	sst s10  }
0x35: {  	s10 =	sld [smem:$0x3FB6];
	_ =	sdelay $0x3  }
0x36: {  	p1 =	seq.s32 s10, $0x1;
	s10 =	sld [smem:$0x3FB7];
	_ =	sdelay $0x3  }
0x37: {  	[smem:$0x3FB7] =	sst s10  }
0x38: {  	s10 =	sld [smem:$0x3FB8]  }
0x39: {  	_ = 	snop;
	(pc) =	sbr.ind lr, $3  }
0x3a: {  	_ = 	snop  }
0x3b: {  	_ = 	snop  }
0x3c: {  	p2 =	seq.s32 s10, $0x1;
	s10 =	sld [smem:$0x3FB7]  }
0x3d: {  	_ =	shalt  }
0x3e: {  	_ =	shalt  }
0x3f: {  	_ =	shalt  }
0x40: {  	_ =	shalt  }
0x41: {  	_ =	shalt  }
0x42: {  	_ =	shalt  }
0x43: {  	_ =	shalt  }
0x44: {  	_ =	shalt  }
0x45: {  	_ =	shalt  }
0x46: {  	_ =	shalt  }
0x47: {  	_ =	shalt  }
0x48: {  	_ =	shalt  }
0x49: {  	_ =	shalt  }
0x4a: {  	_ =	shalt  }
0x4b: {  	_ =	shalt  }
0x4c: {  	_ =	shalt  }
0x4d: {  	_ =	shalt  }
0x4e: {  	_ =	shalt  }
0x4f: {  	_ =	shalt  }
0x50: {  	_ =	shalt  }
0x51: {  	_ =	shalt  }
0x52: {  	_ =	shalt  }
0x53: {  	_ =	shalt  }
0x54: {  	_ =	shalt  }
0x55: {  	_ =	shalt  }
0x56: {  	_ =	shalt  }
0x57: {  	_ =	shalt  }
0x58: {  	_ =	shalt  }
0x59: {  	_ =	shalt  }
0x5a: {  	_ =	shalt  }
0x5b: {  	_ =	shalt  }
0x5c: {  	_ =	shalt  }
0x5d: {  	_ =	shalt  }
0x5e: {  	_ =	shalt  }
0x5f: {  	_ =	shalt  }
0x60: {  	_ =	shalt  }
0x61: {  	_ =	shalt  }
0x62: {  	_ =	shalt  }
0x63: {  	_ =	shalt  }
0x64: {  	_ =	shalt  }
0x65: {  	_ =	shalt  }
0x66: {  	_ =	shalt  }
0x67: {  	_ =	shalt  }
0x68: {  	_ =	shalt  }
0x69: {  	_ =	shalt  }
0x6a: {  	_ =	shalt  }
0x6b: {  	_ =	shalt  }
0x6c: {  	_ =	shalt  }
0x6d: {  	_ =	shalt  }
0x6e: {  	_ =	shalt  }
0x6f: {  	_ =	shalt  }
0x70: {  	_ =	shalt  }
0x71: {  	_ =	shalt  }
0x72: {  	_ =	shalt  }
0x73: {  	_ =	shalt  }
0x74: {  	_ =	shalt  }
0x75: {  	_ =	shalt  }
0x76: {  	_ =	shalt  }
0x77: {  	_ =	shalt  }
0x78: {  	_ =	shalt  }
0x79: {  	_ =	shalt  }
0x7a: {  	_ =	shalt  }
0x7b: {  	_ =	shalt  }
0x7c: {  	_ =	shalt  }
0x7d: {  	_ =	shalt  }
0x7e: {  	_ =	shalt  }
0x7f: {  	_ =	shalt  }
0x80: {  	_ =	shalt  }
0x81: {  	_ =	shalt  }
0x82: {  	_ =	shalt  }
0x83: {  	_ =	shalt  }
0x84: {  	_ =	shalt  }
0x85: {  	_ =	shalt  }
0x86: {  	_ =	shalt  }
0x87: {  	_ =	shalt  }
.Lfunc_end0:
.L_simem_size_0:
called_computation.4_lowered:
.L_overlay_start_0:
0x88: {  	s2 =	sld [smem:$0x3FD9]  }
0x89: {  	s3 =	sld [smem:$0x3FFE];
	_ =	sdelay $0x1  }
0x8a: {  	s1 =	srdreg.scid  }
0x8b: {  	s0 =	sand.u32 $0x1, s1  }
0x8c: {  	s17 =	sshll.u32 s0, $0xA;
	s2 =	sadd.s32 s3, s2  }
0x8d: {  	s2 =	sadd.s32 s2, s17  }
0x8e: {  	[smem:$0x3FC3] =	sst s2  }
0x8f: {  	_ = 	snop  }
0x90: {  	s18 =	sld [smem:$0x3FC7];
	(tm) =	ssettm $0x1  }
0x91: {  	s19 =	sld [smem:$0x3FFB];
	_ =	sdelay $0x3  }
0x92: {  	_ =	strace s19  }
0x93: {  	s2 =	sld [smem:$0x3FFC];
	_ =	sdelay $0x3  }
0x94: {  	_ =	strace s2  }
0x95: {  	s2 =	sld [smem:$0x3FFD];
	_ =	sdelay $0x3  }
0x96: {  	_ =	strace s2  }
0x97: {  	_ =	strace $0x8FFFFFFF  }
0x98: {  	s20 =	sld [smem:$0x3FDB];
	_ =	sdelay $0x1  }
0x99: {  	s4 =	simm.s32 $_scs_section_size  }
0x9a: {  	s5 =	simm.s32 $_size__tile_overlayer_lowered;
	s6 =	simm.s32 $_tile_overlayer_lowered  }
0x9b: {  	s7 =	simm.s32 $0x1BFF;
	s21 =	sshll.u32 s6, $0x1;
	s4 =	sadd.s32 s4, s20  }
0x9c: {  	s22 =	simm.s32 $0x0;
	s5 =	sshll.u32 s5, $0x1;
	s6 =	sadd.s32 s21, s4  }
0x9d: {  	[timem:s22], [sflag:s7] =	dma.local [hbm:s6], s5  }
0x9e: {  	_ =	swait.ge [sflag:s7], s5  }
0x9f: {  	s5 =	ssub.s32 $0x0, s5;
	[sflag:s7] =	ssyncset.done $0x0  }
0xa0: {  	[sflag:s7] =	ssyncadd.s32 s5;
	_ =	sdelay $0x1  }
0xa1: {  	s23 =	simm.s32 $0x1B8B  }
0xa2: {  	_ =	swait.ge [sflag:s23], $0x1  }
0xa3: {  	[sflag:s23] =	ssyncset.done $0x0  }
0xa4: {  	[sflag:s23] =	ssyncadd.s32 $0xFFFFFFFF  }
0xa5: {  	s5 =	sld [smem:$0x0]  }
0xa6: {  	s6 =	sand.u32 $0xFFFFFFFE, s1  }
0xa7: {  	p0 =	sne.s32 s1, s6  }
0xa8: {  	s6 =	sshll.u32 @p0 s6, $0xE  }
0xa9: {  	s6 =	sadd.s32 @p0 $0x11B8D, s6;
	s7 =	sshll.u32 @p0 s5, $0x11  }
0xaa: {  	s6 =	sor.u32 @p0 s7, s6  }
0xab: {  	[sflag:s6] =	ssyncadd.remote.s32 @p0 $0x1;
	_ =	sdelay $0x1  }
0xac: {  	s6 =	simm.s32 @p0 $0x1B8D  }
0xad: {  	_ =	swait.eq @p0 [sflag:s6], $0x1  }
0xae: {  	[sflag:s6] =	ssyncadd.s32 @p0 $0xFFFFFFFF  }
0xaf: {  	s7 =	sshll.u32 @!p0 s1, $0xE  }
0xb0: {  	s7 =	sor.u32 @!p0 $0x4000, s7;
	s6 =	simm.s32 @!p0 $0x1B8D  }
0xb1: {  	s5 =	sshll.u32 @!p0 s5, $0x11;
	s7 =	sadd.s32 @!p0 $0x11B8D, s7;
	_ =	swait.eq @!p0 [sflag:s6], $0x1  }
0xb2: {  	s5 =	sor.u32 @!p0 s5, s7;
	[sflag:s6] =	ssyncadd.s32 @!p0 $0xFFFFFFFF  }
0xb3: {  	s25 =	simm.s32 $0x1B8E;
	s24 =	sld [smem:$0x3FFE];
	[sflag:s5] =	ssyncadd.remote.s32 @!p0 $0x1  }
0xb4: {  	s26 =	simm.s32 $execute0_lowered;
	[smem:$0x3FD2] =	sst s25  }
0xb5: {  	s6 =	sshll.u32 s26, $0x1;
	_ =	strace $0x80000052;
	[dreg:$0x1] =	wrdreg $0xFFFFFFFF  }
0xb6: {  	s28 =	simm.s32 $_size_execute0_lowered;
	s4 =	sadd.s32 s4, s6;
	[dreg:$0x0] =	wrdreg $0x0  }
0xb7: {  	s6 =	sshll.u32 s28, $0x1;
	[dreg:$0x2] =	wrdreg s4  }
0xb8: {  	[dreg:$0x3] =	wrdreg s6  }
0xb9: {  	[dreg:$0x4] =	wrdreg $0xC0  }
0xba: {  	_ =	task [dreg:s22], $0x5FFFF  }
0xbb: {  	[dreg:$0x1] =	wrdreg $0xFFFFFFFF  }
0xbc: {  	[dreg:$0x0] =	wrdreg $0x60  }
0xbd: {  	[dreg:$0x2] =	wrdreg s24  }
0xbe: {  	[dreg:$0x3] =	wrdreg s18  }
0xbf: {  	[dreg:$0x4] =	wrdreg $0xD  }
0xc0: {  	_ =	task.clear_ibuf [dreg:s22], $0x5FFFF;
	_ =	strace $0x90000052  }
0xc1: {  	s29 =	simm.s32 $0xD;
	_ =	strace $0x80000054  }
0xc2: {  	_ =	swait.ge [sflag:s29], $0x1  }
0xc3: {  	[sflag:s29] =	ssyncadd.s32 $0xFFFFFFFF  }
0xc4: {  	_ =	strace $0x90000054  }
0xc5: {  	_ =	sfence  }
0xc6: {  	s30 =	sld [smem:$0x0];
	_ =	sdelay $0x2  }
0xc7: {  	s31 =	sshll.u32 s1, $0xD;
	s1 =	sshrl.u32 s1, $0x2  }
0xc8: {  	s4 =	sand.u32 $0x4000, s31;
	s1 =	sadd.s32 s1, s30  }
0xc9: {  	s0 =	sor.u32 s4, s0;
	s1 =	sshll.u32 s1, $0x11  }
0xca: {  	s0 =	sor.u32 s1, s0  }
0xcb: {  	s0 =	sadd.s32 $0x8F2B, s0  }
0xcc: {  	[sflag:s0] =	ssyncadd.remote.s32 $0x1  }
0xcd: {  	_ =	sfence.sel $0xFFFF  }
0xce: {  	[dreg:$0x0] =	wrdreg $0xFFFFFFFF;
	(pc) =	sbr.abs _section_cstart, $3  }
0xcf: {  	[dreg:$0x1] =	wrdreg $0xFFFFFFFF  }
0xd0: {  	_ =	task.clear_ibuf [dreg:s22], $0x2FFFF;
	_ =	strace $0x9FFFFFFF  }
0xd1: {  	(tm) =	ssettm $0x7FFFFFFF  }
tec
execute0_lowered:
.L_overlay_start_1:
0x0: {  	(tag) =	ssettag $0x1  }
0x1: {  	s1 =	srdreg.scid;
	s0 =	stileid.u32  }
0x2: {  	s12 =	sand.u32 $0x1, s1;
	s31 =	sshll.u32 s0, $0x1  }
0x3: {  	s6 =	sor.u32 s12, s31  }
0x4: {  	s9 =	rddreg [dreg:$0x0];
	s3 =	smul.u32 $0x320, s6  }
0x5: {  	s4 =	rddreg [dreg:$0x1]  }
0x6: {  	s2 =	simm.s32 $0x0;
	s1 =	rddreg [dreg:$0x2];
	s3 =	sshrl.u32 s3, $0x3  }
0x7: {  	[smem:$0x7FF] =	sst s2;
	s3 =	sadd.s32 s4, s3  }
0x8: {  	_ =	strace $0x80000053;
	s4 =	simm.s32 $0x5;
	s3 =	sadd.s32 $0x8980, s3  }
0x9: {  	[tilespmem:s2], [sflag:$0x5] =	stream.linear.gather [hbm4b:s3+s2], $0x320, $0x38;
	[tilespmem:$0x19380] =	vst v63  }
0xa: {  	s7 =	simm.s32 $0x380;
	_ =	swait.ge [sflag:s4], $0x320  }
0xb: {  	s8 =	simm.s32 $0x1;
	s5 =	sadd.s32 $0x2800, s9;
	[sflag:s4] =	ssyncset.done $0x0  }
0xc: {  	s10 =	smul.u32 $0x3200, s6;
	s6 =	simm.s32 $0x190;
	[sflag:s4] =	ssyncadd.s32 $0xFFFFFCE0  }
0xd: {  	[tilespmem:s7], [sflag:$0x1] =	stream.indirect.gather [hbm4b:s5+s6], $0x80, s2, s6, $0xb8;
	[tilespmem:$0x19380] =	vst v63  }
0xe: {  	_ =	swait.ge [sflag:s8], $0xC800  }
0xf: {  	s13 =	sadd.s32 s10, s9;
	[sflag:s8] =	ssyncset.done $0x0  }
0x10: {  	s14 =	ssub.s32 $0x2, s12;
	s9 =	sadd.s32 $0x411A00, s13;
	[sflag:s8] =	ssyncadd.s32 $0xFFFF3800  }
0x11: {  	[hbm4b:s9+s2] =	stream.linear.scatter [tilespmem:s7], [sflag:$0x3], $0xC800, $0x38;
	[tilespmem:$0x19380] =	vst v63  }
0x12: {  	s11 =	simm.s32 $0x2;
	s15 =	sshrl.u32 s14, $0x1;
	s10 =	simm.s32 $0xCB80  }
0x13: {  	[tilespmem:s10], [sflag:$0x2] =	stream.indirect.gather [hbm4b:s5+s6], $0x80, s6, s6, $0xb8;
	[tilespmem:$0x19380] =	vst v63  }
0x14: {  	s14 =	ssub.s32 s14, s15;
	_ =	swait.ge [sflag:s11], $0xC800  }
0x15: {  	s15 =	smax.u32 s14, $0x1;
	s12 =	sadd.s32 $0x413300, s13;
	[sflag:s11] =	ssyncset.done $0x0  }
0x16: {  	s13 =	simm.s32 $0x3;
	p0 =	sne.s32 s15, $0x1;
	[sflag:s11] =	ssyncadd.s32 $0xFFFF3800  }
0x17: {  	[hbm4b:s12+s2] =	stream.linear.scatter [tilespmem:s10], [sflag:$0x4], $0xC800, $0x38;
	[tilespmem:$0x19380] =	vst v63  }
.Ltmp0:
0x18: {  	_ =	swait.ge [sflag:s13], $0xC800;
	(pc) =	sbr.rel @!p0 .LBB2_2-.Ltmp0, $4  }
0x19: {  	[sflag:s13] =	ssyncset.done $0x0  }
0x1a: {  	s14 =	simm.s32 $0x4;
	[sflag:s13] =	ssyncadd.s32 $0xFFFF3800  }
0x1b: {  	_ =	swait.ge [sflag:s14], $0xC800  }
0x1c: {  	s15 =	sadd.s32 $0xFFFFFFFF, s15;
	[sflag:s14] =	ssyncset.done $0x0  }
.LBB2_1:
0x1d: {  	p0 =	sne.s32 s15, $0x1;
	s15 =	sadd.s32 $0xFFFFFFFF, s15;
	[sflag:s14] =	ssyncadd.s32 $0xFFFF3800  }
0x1e: {  	[tilespmem:s2], [sflag:$0x5] =	stream.linear.gather [hbm4b:s3+s2], $0x320, $0x38;
	[tilespmem:$0x19380] =	vst v63  }
0x1f: {  	_ =	swait.ge [sflag:s4], $0x320  }
0x20: {  	[sflag:s4] =	ssyncset.done $0x0  }
0x21: {  	[sflag:s4] =	ssyncadd.s32 $0xFFFFFCE0  }
0x22: {  	[tilespmem:s7], [sflag:$0x1] =	stream.indirect.gather [hbm4b:s5+s6], $0x80, s2, s6, $0xb8;
	[tilespmem:$0x19380] =	vst v63  }
0x23: {  	_ =	swait.ge [sflag:s8], $0xC800  }
0x24: {  	[sflag:s8] =	ssyncset.done $0x0  }
0x25: {  	[sflag:s8] =	ssyncadd.s32 $0xFFFF3800  }
0x26: {  	[hbm4b:s9+s2] =	stream.linear.scatter [tilespmem:s7], [sflag:$0x3], $0xC800, $0x38;
	[tilespmem:$0x19380] =	vst v63  }
0x27: {  	_ = 	snop  }
0x28: {  	[tilespmem:s10], [sflag:$0x2] =	stream.indirect.gather [hbm4b:s5+s6], $0x80, s6, s6, $0xb8;
	[tilespmem:$0x19380] =	vst v63  }
0x29: {  	_ =	swait.ge [sflag:s11], $0xC800  }
0x2a: {  	[sflag:s11] =	ssyncset.done $0x0  }
0x2b: {  	[sflag:s11] =	ssyncadd.s32 $0xFFFF3800  }
0x2c: {  	[hbm4b:s12+s2] =	stream.linear.scatter [tilespmem:s10], [sflag:$0x4], $0xC800, $0x38;
	[tilespmem:$0x19380] =	vst v63  }
.Ltmp1:
0x2d: {  	_ =	swait.ge [sflag:s13], $0xC800;
	(pc) =	sbr.rel @p0 .LBB2_1-.Ltmp1, $4  }
0x2e: {  	[sflag:s13] =	ssyncset.done $0x0  }
0x2f: {  	[sflag:s13] =	ssyncadd.s32 $0xFFFF3800  }
0x30: {  	_ =	swait.ge [sflag:s14], $0xC800  }
0x31: {  	[sflag:s14] =	ssyncset.done $0x0  }
.LBB2_2:
0x32: {  	[sflag:s14] =	ssyncadd.s32 $0xFFFF3800  }
0x33: {  	_ =	sfence.sel $0x180000  }
0x34: {  	[bflag:$0x0] =	sbarrier.arrive $0xFFFF  }
0x35: {  	p0 =	sne.s32 s0, $0x0;
	_ =	strace $0x90000053  }
0x36: {  	s0 =	sadd.s32 @!p0 $0x100000, s1;
	[bflag:$0x2] =	sbarrier.arrive $0xFFFF  }
0x37: {  	[sflag:s0] =	ssyncadd.tile.s32 @!p0 $0x1;
	_ =	shalt  }
.Lfunc_end2:
_tile_overlayer_lowered:
.L_overlay_start_2:
0x38: {  	(tag) =	ssettag $0x2  }
0x39: {  	s0 =	rddreg [dreg:$0x0];
	s2 =	stileid.u32  }
0x3a: {  	s1 =	rddreg [dreg:$0x1];
	p0 =	sne.s32 s2, $0x0  }
0x3b: {  	s3 =	rddreg [dreg:$0x2];
	[bflag:$0x3] =	sbarrier.arrive $0xFFFF;
	s2 =	simm.s32 @!p0 $0x1C05  }
0x3c: {  	[timem:s3], [sflag:s2] =	dma.local @!p0 [hbm:s0], s1  }
0x3d: {  	s0 =	simm.s32 @!p0 $0x5  }
0x3e: {  	_ =	swait.ge @!p0 [sflag:s0], s1  }
0x3f: {  	s1 =	ssub.s32 @!p0 $0x0, s1;
	[sflag:s0] =	ssyncset.done @!p0 $0x0  }
0x40: {  	[sflag:s0] =	ssyncadd.s32 @!p0 s1  }
0x41: {  	[bflag:$0x3] =	sbarrier.arrive $0xFFFF  }
0x42: {  	_ =	shalt  }

// kernel: kernel.30.cloned.1.call-start
scs
__scs_entry_jumppad:
0x0: {  	(pc) =	sbr.rel $0x88, $3  }
0x1: {  	(tag) =	ssettag $0x0;
	lr =	simm.s32 $0x1  }
0x2: {  	[smem:$0x3F9C] =	sst lr;
	_ =	strace $0xD0000000  }
0x3: {  	_ = 	snop  }
0x4: {  	_ = 	snop  }
0x5: {  	_ = 	snop  }
0x6: {  	_ = 	snop  }
0x7: {  	_ = 	snop  }
__scs_overlays_trampoline_lowered:
0x8: {  	[smem:$0x3FAB] =	sst s0  }
0x9: {  	[smem:$0x3FAC] =	sst s1  }
0xa: {  	[smem:$0x3FAD] =	sst s2  }
0xb: {  	[smem:$0x3FAE] =	sst s3  }
0xc: {  	[smem:$0x3FAF] =	sst s4  }
0xd: {  	[smem:$0x3FB0] =	sst s5  }
0xe: {  	[smem:$0x3FB1] =	sst s6  }
0xf: {  	[smem:$0x3FB2] =	sst s7  }
0x10: {  	[smem:$0x3FB3] =	sst s8  }
0x11: {  	[smem:$0x3FB4] =	sst s9;
	s0 =	simm.s32 @!p0 $0x0  }
0x12: {  	s1 =	sld [smem:$0x3F9A];
	s0 =	simm.s32 @p0 $0x1  }
0x13: {  	[smem:$0x3FB5] =	sst s0;
	s0 =	simm.s32 @!p1 $0x0  }
0x14: {  	s2 =	sld [smem:$0x3F99];
	s0 =	simm.s32 @p1 $0x1  }
0x15: {  	[smem:$0x3FB6] =	sst s0;
	s0 =	simm.s32 @!p2 $0x0  }
0x16: {  	s3 =	sld [smem:$0x3FDB];
	s0 =	simm.s32 @p2 $0x1  }
0x17: {  	s4 =	simm.s32 $0x1BF5;
	[smem:$0x3FB8] =	sst s0  }
0x18: {  	s0 =	sld [smem:$0x3F9B];
	_ =	swait.ge [sflag:s4], $0x0  }
0x19: {  	s7 =	sld [smem:$0x3F9C]  }
0x1a: {  	s8 =	sadd.s32 $0xFFFFE003, lr  }
0x1b: {  	s9 =	sadd.s32 $0xFFFFFEF7, lr;
	s5 =	simm.s32 $0xFFFFFFFF;
	p2 =	slt.u32 s8, $0xFFFFF086  }
0x1c: {  	p1 =	slt.u32 s9, $0xF7A;
	s5 =	simm.s32 @!p2 $0x0  }
0x1d: {  	s5 =	simm.s32 @p1 $0x1;
	p0 =	seq.s32 s7, s2  }
0x1e: {  	s7 =	smul.u32 @!p0 $0xF7A, s2;
	p2 =	seq.s32 @!p0 s5, $0x0  }
0x1f: {  	s9 =	smul.u32 $0xF7A, s1;
	s8 =	simm.s32 @!p0 $0x1BF5;
	p2 =	por !p2, p0  }
0x20: {  	[sflag:s8] =	ssyncset.s32 @!p0 $0xFFFFF086;
	s6 =	sadd.s32 @!p0 s3, s7;
	s7 =	simm.s32 @!p0 $0x108  }
0x21: {  	s3 =	sadd.s32 s3, s9;
	s6 =	sadd.s32 @!p0 $0x88, s6;
	s7 =	simm.s32 @p2 $0x1082  }
0x22: {  	[simem:s7], [sflag:s8] =	dma.local @!p0 [hbm:s6], $0xF7A  }
0x23: {  	s9 =	sor.u32 $0xD0000000, s2;
	s6 =	simm.s32 $0x108;
	_ =	swait.ge @!p0 [sflag:s8], $0x0  }
0x24: {  	s3 =	sadd.s32 $0x88, s3;
	s6 =	simm.s32 @!p1 $0x1082;
	[sflag:s4] =	ssyncset.s32 $0xFFFFF086  }
0x25: {  	[simem:s6], [sflag:s4] =	dma.local [hbm:s3], $0xF7A  }
0x26: {  	[smem:$0x3F9C] =	sst s1;
	(tag) =	ssettag s2;
	_ =	strace s9  }
0x27: {  	s1 =	sld [smem:$0x3FAC]  }
0x28: {  	s2 =	sld [smem:$0x3FAD]  }
0x29: {  	s4 =	sld [smem:$0x3FAF]  }
0x2a: {  	p0 =	seq.s32 s5, $0x0;
	s5 =	sld [smem:$0x3FB0]  }
0x2b: {  	s6 =	sld [smem:$0x3FB1]  }
0x2c: {  	s7 =	sld [smem:$0x3FB2]  }
0x2d: {  	s3 =	simm.s32 $0x108;
	s8 =	sld [smem:$0x3FB3]  }
0x2e: {  	s3 =	simm.s32 @!p0 $0x1082;
	s9 =	sld [smem:$0x3FB4]  }
0x2f: {  	lr =	sadd.s32 s0, s3;
	s0 =	sld [smem:$0x3FAB]  }
0x30: {  	s3 =	sld [smem:$0x3FAE]  }
0x31: {  	[smem:$0x3FB7] =	sst s10  }
0x32: {  	s10 =	sld [smem:$0x3FB5];
	_ =	sdelay $0x3  }
0x33: {  	p0 =	seq.s32 s10, $0x1;
	s10 =	sld [smem:$0x3FB7];
	_ =	sdelay $0x3  }
0x34: {  	[smem:$0x3FB7] =	sst s10  }
0x35: {  	s10 =	sld [smem:$0x3FB6];
	_ =	sdelay $0x3  }
0x36: {  	p1 =	seq.s32 s10, $0x1;
	s10 =	sld [smem:$0x3FB7];
	_ =	sdelay $0x3  }
0x37: {  	[smem:$0x3FB7] =	sst s10  }
0x38: {  	s10 =	sld [smem:$0x3FB8]  }
0x39: {  	_ = 	snop;
	(pc) =	sbr.ind lr, $3  }
0x3a: {  	_ = 	snop  }
0x3b: {  	_ = 	snop  }
0x3c: {  	p2 =	seq.s32 s10, $0x1;
	s10 =	sld [smem:$0x3FB7]  }
0x3d: {  	_ =	shalt  }
0x3e: {  	_ =	shalt  }
0x3f: {  	_ =	shalt  }
0x40: {  	_ =	shalt  }
0x41: {  	_ =	shalt  }
0x42: {  	_ =	shalt  }
0x43: {  	_ =	shalt  }
0x44: {  	_ =	shalt  }
0x45: {  	_ =	shalt  }
0x46: {  	_ =	shalt  }
0x47: {  	_ =	shalt  }
0x48: {  	_ =	shalt  }
0x49: {  	_ =	shalt  }
0x4a: {  	_ =	shalt  }
0x4b: {  	_ =	shalt  }
0x4c: {  	_ =	shalt  }
0x4d: {  	_ =	shalt  }
0x4e: {  	_ =	shalt  }
0x4f: {  	_ =	shalt  }
0x50: {  	_ =	shalt  }
0x51: {  	_ =	shalt  }
0x52: {  	_ =	shalt  }
0x53: {  	_ =	shalt  }
0x54: {  	_ =	shalt  }
0x55: {  	_ =	shalt  }
0x56: {  	_ =	shalt  }
0x57: {  	_ =	shalt  }
0x58: {  	_ =	shalt  }
0x59: {  	_ =	shalt  }
0x5a: {  	_ =	shalt  }
0x5b: {  	_ =	shalt  }
0x5c: {  	_ =	shalt  }
0x5d: {  	_ =	shalt  }
0x5e: {  	_ =	shalt  }
0x5f: {  	_ =	shalt  }
0x60: {  	_ =	shalt  }
0x61: {  	_ =	shalt  }
0x62: {  	_ =	shalt  }
0x63: {  	_ =	shalt  }
0x64: {  	_ =	shalt  }
0x65: {  	_ =	shalt  }
0x66: {  	_ =	shalt  }
0x67: {  	_ =	shalt  }
0x68: {  	_ =	shalt  }
0x69: {  	_ =	shalt  }
0x6a: {  	_ =	shalt  }
0x6b: {  	_ =	shalt  }
0x6c: {  	_ =	shalt  }
0x6d: {  	_ =	shalt  }
0x6e: {  	_ =	shalt  }
0x6f: {  	_ =	shalt  }
0x70: {  	_ =	shalt  }
0x71: {  	_ =	shalt  }
0x72: {  	_ =	shalt  }
0x73: {  	_ =	shalt  }
0x74: {  	_ =	shalt  }
0x75: {  	_ =	shalt  }
0x76: {  	_ =	shalt  }
0x77: {  	_ =	shalt  }
0x78: {  	_ =	shalt  }
0x79: {  	_ =	shalt  }
0x7a: {  	_ =	shalt  }
0x7b: {  	_ =	shalt  }
0x7c: {  	_ =	shalt  }
0x7d: {  	_ =	shalt  }
0x7e: {  	_ =	shalt  }
0x7f: {  	_ =	shalt  }
0x80: {  	_ =	shalt  }
0x81: {  	_ =	shalt  }
0x82: {  	_ =	shalt  }
0x83: {  	_ =	shalt  }
0x84: {  	_ =	shalt  }
0x85: {  	_ =	shalt  }
0x86: {  	_ =	shalt  }
0x87: {  	_ =	shalt  }
.Lfunc_end0:
.L_simem_size_0:
called_computation.5_lowered:
.L_overlay_start_0:
0x88: {  	s2 =	sld [smem:$0x3FD9]  }
0x89: {  	s3 =	sld [smem:$0x3FFE];
	_ =	sdelay $0x1  }
0x8a: {  	s1 =	srdreg.scid  }
0x8b: {  	s0 =	sand.u32 $0x1, s1  }
0x8c: {  	s17 =	sshll.u32 s0, $0xA;
	s2 =	sadd.s32 s3, s2  }
0x8d: {  	s2 =	sadd.s32 s2, s17  }
0x8e: {  	[smem:$0x3FC3] =	sst s2  }
0x8f: {  	_ = 	snop  }
0x90: {  	s18 =	sld [smem:$0x3FC7];
	(tm) =	ssettm $0x1  }
0x91: {  	s19 =	sld [smem:$0x3FFB];
	_ =	sdelay $0x3  }
0x92: {  	_ =	strace s19  }
0x93: {  	s2 =	sld [smem:$0x3FFC];
	_ =	sdelay $0x3  }
0x94: {  	_ =	strace s2  }
0x95: {  	s2 =	sld [smem:$0x3FFD];
	_ =	sdelay $0x3  }
0x96: {  	_ =	strace s2  }
0x97: {  	_ =	strace $0x8FFFFFFF  }
0x98: {  	s20 =	sld [smem:$0x3FDB];
	_ =	sdelay $0x1  }
0x99: {  	s4 =	simm.s32 $_scs_section_size  }
0x9a: {  	s5 =	simm.s32 $_size__tile_overlayer_lowered;
	s6 =	simm.s32 $_tile_overlayer_lowered  }
0x9b: {  	s7 =	simm.s32 $0x1BFF;
	s21 =	sshll.u32 s6, $0x1;
	s4 =	sadd.s32 s4, s20  }
0x9c: {  	s22 =	simm.s32 $0x0;
	s5 =	sshll.u32 s5, $0x1;
	s6 =	sadd.s32 s21, s4  }
0x9d: {  	[timem:s22], [sflag:s7] =	dma.local [hbm:s6], s5  }
0x9e: {  	_ =	swait.ge [sflag:s7], s5  }
0x9f: {  	s5 =	ssub.s32 $0x0, s5;
	[sflag:s7] =	ssyncset.done $0x0  }
0xa0: {  	[sflag:s7] =	ssyncadd.s32 s5;
	_ =	sdelay $0x1  }
0xa1: {  	s23 =	simm.s32 $0x1B8B  }
0xa2: {  	_ =	swait.ge [sflag:s23], $0x1  }
0xa3: {  	[sflag:s23] =	ssyncset.done $0x0  }
0xa4: {  	[sflag:s23] =	ssyncadd.s32 $0xFFFFFFFF  }
0xa5: {  	s5 =	sld [smem:$0x0]  }
0xa6: {  	s6 =	sand.u32 $0xFFFFFFFE, s1  }
0xa7: {  	p0 =	sne.s32 s1, s6  }
0xa8: {  	s6 =	sshll.u32 @p0 s6, $0xE  }
0xa9: {  	s6 =	sadd.s32 @p0 $0x11B8D, s6;
	s7 =	sshll.u32 @p0 s5, $0x11  }
0xaa: {  	s6 =	sor.u32 @p0 s7, s6  }
0xab: {  	[sflag:s6] =	ssyncadd.remote.s32 @p0 $0x1;
	_ =	sdelay $0x1  }
0xac: {  	s6 =	simm.s32 @p0 $0x1B8D  }
0xad: {  	_ =	swait.eq @p0 [sflag:s6], $0x1  }
0xae: {  	[sflag:s6] =	ssyncadd.s32 @p0 $0xFFFFFFFF  }
0xaf: {  	s7 =	sshll.u32 @!p0 s1, $0xE  }
0xb0: {  	s7 =	sor.u32 @!p0 $0x4000, s7;
	s6 =	simm.s32 @!p0 $0x1B8D  }
0xb1: {  	s5 =	sshll.u32 @!p0 s5, $0x11;
	s7 =	sadd.s32 @!p0 $0x11B8D, s7;
	_ =	swait.eq @!p0 [sflag:s6], $0x1  }
0xb2: {  	s5 =	sor.u32 @!p0 s5, s7;
	[sflag:s6] =	ssyncadd.s32 @!p0 $0xFFFFFFFF  }
0xb3: {  	s25 =	simm.s32 $0x1B8E;
	s24 =	sld [smem:$0x3FFE];
	[sflag:s5] =	ssyncadd.remote.s32 @!p0 $0x1  }
0xb4: {  	s26 =	simm.s32 $execute0_lowered;
	[smem:$0x3FD2] =	sst s25  }
0xb5: {  	s6 =	sshll.u32 s26, $0x1;
	_ =	strace $0x80000055;
	[dreg:$0x1] =	wrdreg $0xFFFFFFFF  }
0xb6: {  	s28 =	simm.s32 $_size_execute0_lowered;
	s4 =	sadd.s32 s4, s6;
	[dreg:$0x0] =	wrdreg $0x0  }
0xb7: {  	s6 =	sshll.u32 s28, $0x1;
	[dreg:$0x2] =	wrdreg s4  }
0xb8: {  	[dreg:$0x3] =	wrdreg s6  }
0xb9: {  	[dreg:$0x4] =	wrdreg $0xC0  }
0xba: {  	_ =	task [dreg:s22], $0x5FFFF  }
0xbb: {  	[dreg:$0x1] =	wrdreg $0xFFFFFFFF  }
0xbc: {  	[dreg:$0x0] =	wrdreg $0x60  }
0xbd: {  	[dreg:$0x2] =	wrdreg s24  }
0xbe: {  	[dreg:$0x3] =	wrdreg s18  }
0xbf: {  	[dreg:$0x4] =	wrdreg $0xE  }
0xc0: {  	_ =	task.clear_ibuf [dreg:s22], $0x5FFFF;
	_ =	strace $0x90000055  }
0xc1: {  	s29 =	simm.s32 $0xE;
	_ =	strace $0x80000057  }
0xc2: {  	_ =	swait.ge [sflag:s29], $0x1  }
0xc3: {  	[sflag:s29] =	ssyncadd.s32 $0xFFFFFFFF  }
0xc4: {  	_ =	strace $0x90000057  }
0xc5: {  	_ =	sfence  }
0xc6: {  	s30 =	sld [smem:$0x0];
	_ =	sdelay $0x2  }
0xc7: {  	s31 =	sshll.u32 s1, $0xD;
	s1 =	sshrl.u32 s1, $0x2  }
0xc8: {  	s4 =	sand.u32 $0x4000, s31;
	s1 =	sadd.s32 s1, s30  }
0xc9: {  	s0 =	sor.u32 s4, s0;
	s1 =	sshll.u32 s1, $0x11  }
0xca: {  	s0 =	sor.u32 s1, s0  }
0xcb: {  	s0 =	sadd.s32 $0x8F2B, s0  }
0xcc: {  	[sflag:s0] =	ssyncadd.remote.s32 $0x1  }
0xcd: {  	_ =	sfence.sel $0xFFFF  }
0xce: {  	[dreg:$0x0] =	wrdreg $0xFFFFFFFF;
	(pc) =	sbr.abs _section_cstart, $3  }
0xcf: {  	[dreg:$0x1] =	wrdreg $0xFFFFFFFF  }
0xd0: {  	_ =	task.clear_ibuf [dreg:s22], $0x2FFFF;
	_ =	strace $0x9FFFFFFF  }
0xd1: {  	(tm) =	ssettm $0x7FFFFFFF  }
tec
execute0_lowered:
.L_overlay_start_1:
0x0: {  	(tag) =	ssettag $0x1  }
0x1: {  	s1 =	srdreg.scid;
	s0 =	stileid.u32  }
0x2: {  	s6 =	sand.u32 $0x1, s1;
	s30 =	sshll.u32 s0, $0x1  }
0x3: {  	s9 =	rddreg [dreg:$0x0];
	s7 =	sor.u32 s6, s30  }
0x4: {  	s4 =	rddreg [dreg:$0x1];
	s3 =	smul.u32 $0x190, s7  }
0x5: {  	s2 =	simm.s32 $0x0;
	s8 =	simm.s32 $0x1;
	s1 =	rddreg [dreg:$0x2]  }
0x6: {  	[smem:$0x7FF] =	sst s2;
	s5 =	sadd.s32 $0x2800, s9;
	s3 =	sshrl.u32 s3, $0x3  }
0x7: {  	_ =	strace $0x80000056;
	s11 =	ssub.s32 $0x2, s6;
	s3 =	sadd.s32 s4, s3  }
0x8: {  	s10 =	smul.u32 $0x1900, s7;
	s4 =	simm.s32 $0x3;
	s3 =	sadd.s32 $0x9600, s3  }
0x9: {  	[tilespmem:s2], [sflag:$0x3] =	stream.linear.gather [hbm4b:s3+s2], $0x190, $0x38;
	[tilespmem:$0xCA00] =	vst v63  }
0xa: {  	s6 =	simm.s32 $0x190;
	s31 =	sshrl.u32 s11, $0x1;
	_ =	swait.ge [sflag:s4], $0x190  }
0xb: {  	s9 =	sadd.s32 s10, s9;
	s10 =	ssub.s32 s11, s31;
	[sflag:s4] =	ssyncset.done $0x0  }
0xc: {  	s7 =	simm.s32 $0x200;
	s11 =	smax.u32 s10, $0x1;
	[sflag:s4] =	ssyncadd.s32 $0xFFFFFE70  }
0xd: {  	[tilespmem:s7], [sflag:$0x1] =	stream.indirect.gather [hbm4b:s5+s6], $0x80, s2, s6, $0xb8;
	[tilespmem:$0xCA00] =	vst v63  }
0xe: {  	p0 =	sne.s32 s11, $0x1;
	_ =	swait.ge [sflag:s8], $0xC800  }
.Ltmp0:
0xf: {  	[sflag:s8] =	ssyncset.done $0x0;
	(pc) =	sbr.rel @!p0 .LBB2_2-.Ltmp0, $4  }
0x10: {  	s9 =	sadd.s32 $0x475A00, s9;
	s10 =	simm.s32 $0x2;
	[sflag:s8] =	ssyncadd.s32 $0xFFFF3800  }
0x11: {  	[hbm4b:s9+s2] =	stream.linear.scatter [tilespmem:s7], [sflag:$0x2], $0xC800, $0x38;
	[tilespmem:$0xCA00] =	vst v63  }
0x12: {  	_ =	swait.ge [sflag:s10], $0xC800  }
0x13: {  	s11 =	sadd.s32 $0xFFFFFFFF, s11;
	[sflag:s10] =	ssyncset.done $0x0  }
.LBB2_1:
0x14: {  	p0 =	sne.s32 s11, $0x1;
	s11 =	sadd.s32 $0xFFFFFFFF, s11;
	[sflag:s10] =	ssyncadd.s32 $0xFFFF3800  }
0x15: {  	[tilespmem:s2], [sflag:$0x3] =	stream.linear.gather [hbm4b:s3+s2], $0x190, $0x38;
	[tilespmem:$0xCA00] =	vst v63  }
0x16: {  	_ =	swait.ge [sflag:s4], $0x190  }
0x17: {  	[sflag:s4] =	ssyncset.done $0x0  }
0x18: {  	[sflag:s4] =	ssyncadd.s32 $0xFFFFFE70  }
0x19: {  	[tilespmem:s7], [sflag:$0x1] =	stream.indirect.gather [hbm4b:s5+s6], $0x80, s2, s6, $0xb8;
	[tilespmem:$0xCA00] =	vst v63  }
0x1a: {  	_ =	swait.ge [sflag:s8], $0xC800  }
.Ltmp1:
0x1b: {  	[sflag:s8] =	ssyncset.done $0x0;
	(pc) =	sbr.rel @p0 .LBB2_1-.Ltmp1, $4  }
0x1c: {  	[sflag:s8] =	ssyncadd.s32 $0xFFFF3800  }
0x1d: {  	[hbm4b:s9+s2] =	stream.linear.scatter [tilespmem:s7], [sflag:$0x2], $0xC800, $0x38;
	[tilespmem:$0xCA00] =	vst v63  }
0x1e: {  	_ =	swait.ge [sflag:s10], $0xC800  }
0x1f: {  	[sflag:s10] =	ssyncset.done $0x0  }
.LBB2_2:
0x20: {  	[sflag:s10] =	ssyncadd.s32 $0xFFFF3800  }
0x21: {  	_ =	sfence.sel $0x180000  }
0x22: {  	[bflag:$0x0] =	sbarrier.arrive $0xFFFF  }
0x23: {  	p0 =	sne.s32 s0, $0x0;
	_ =	strace $0x90000056  }
0x24: {  	s0 =	sadd.s32 @!p0 $0x100000, s1;
	[bflag:$0x2] =	sbarrier.arrive $0xFFFF  }
0x25: {  	[sflag:s0] =	ssyncadd.tile.s32 @!p0 $0x1;
	_ =	shalt  }
.Lfunc_end2:
_tile_overlayer_lowered:
.L_overlay_start_2:
0x26: {  	(tag) =	ssettag $0x2  }
0x27: {  	s0 =	rddreg [dreg:$0x0];
	s2 =	stileid.u32  }
0x28: {  	s1 =	rddreg [dreg:$0x1];
	p0 =	sne.s32 s2, $0x0  }
0x29: {  	s3 =	rddreg [dreg:$0x2];
	[bflag:$0x3] =	sbarrier.arrive $0xFFFF;
	s2 =	simm.s32 @!p0 $0x1C03  }
0x2a: {  	[timem:s3], [sflag:s2] =	dma.local @!p0 [hbm:s0], s1  }
0x2b: {  	s0 =	simm.s32 @!p0 $0x3  }
0x2c: {  	_ =	swait.ge @!p0 [sflag:s0], s1  }
0x2d: {  	s1 =	ssub.s32 @!p0 $0x0, s1;
	[sflag:s0] =	ssyncset.done @!p0 $0x0  }
0x2e: {  	[sflag:s0] =	ssyncadd.s32 @!p0 s1  }
0x2f: {  	[bflag:$0x3] =	sbarrier.arrive $0xFFFF  }
0x30: {  	_ =	shalt  }

</sc_bundles>
